<compile_context>
chip_gen: v7x
topology: tpu7x:2x2x1
jax: 0.10.2.dev20260603
libtpu: 0.0.44.dev20260713+nightly
codegen_flags: <defaults>
</compile_context>

<pallas_src>
import functools

import jax
import jax.numpy as jnp
from jax import lax
from jax.experimental import pallas as pl
from jax.experimental.pallas import tpu as pltpu
from jax.experimental.pallas import tpu_sc as plsc

N = 10000
E = 320000
D = 128
DE = 16
EPS = 1e-5

NC = 2
NS = 16
NW = NC * NS
CH = 128
KCH = 80
EW = CH * KCH
EP = EW * NW
PAD = EP - E
NP = 10240
RT = NP // NS
RB = RT // CH


def _sc_seg_body(h_hbm, src_hbm, dst_hbm, zeros_hbm, out_hbm,
                 src_v, dst_v, rows_v, acc, sem):
    c = lax.axis_index("c")
    s = lax.axis_index("s")
    wid = c * NS + s
    pltpu.sync_copy(zeros_hbm, rows_v)
    for b in range(RB):
        pltpu.sync_copy(rows_v, acc.at[pl.ds(s * RT + b * CH, CH)])
    pltpu.sync_copy(src_hbm.at[pl.ds(wid * KCH, KCH)], src_v)
    pltpu.sync_copy(dst_hbm.at[pl.ds(wid * KCH, KCH)], dst_v)
    plsc.subcore_barrier()

    def body(j, carry):
        pltpu.async_copy(h_hbm.at[src_v.at[j]], rows_v, sem).wait()
        pltpu.sync_copy(rows_v, acc.at[dst_v.at[j]], add=True)
        return carry

    lax.fori_loop(0, KCH, body, 0)
    plsc.subcore_barrier()
    for b in range(RB):
        r0 = s * RT + b * CH
        pltpu.sync_copy(acc.at[pl.ds(r0, CH)], rows_v)
        pltpu.sync_copy(rows_v, out_hbm.at[pl.ds(c * NP + r0, CH)])


@functools.cache
def _make_sc_seg():
    return functools.partial(
        pl.kernel,
        mesh=plsc.VectorSubcoreMesh(core_axis_name="c", subcore_axis_name="s"),
        out_type=jax.ShapeDtypeStruct((NC * NP, D), jnp.float32),
        scratch_types=[
            pltpu.VMEM((KCH, CH), jnp.int32),
            pltpu.VMEM((KCH, CH), jnp.int32),
            pltpu.VMEM((CH, D), jnp.float32),
            pltpu.VMEM_SHARED((NP, D), jnp.float32),
            pltpu.SemaphoreType.DMA,
        ],
    )(_sc_seg_body)


def _dense_body(final_relu, h, p0, p1, q0, q1,
                wx, we, ws, bn, bs, g, be, out):
    ae = q0[:, :DE] + q1[:, :DE]
    cnt = q0[:, DE:DE + 1] + q1[:, DE:DE + 1]
    lin = (jnp.dot(p0[:] + p1[:], wx[:], preferred_element_type=jnp.float32)
           + jnp.dot(ae, we[:], preferred_element_type=jnp.float32)
           + cnt * bn[:])
    agg = lin / jnp.maximum(cnt, 1.0)
    t = jnp.maximum(
        jnp.dot(h[:], ws[:], preferred_element_type=jnp.float32) + bs[:] + agg,
        0.0)
    mu = jnp.mean(t, axis=0, keepdims=True)
    dlt = t - mu
    var = jnp.mean(dlt * dlt, axis=0, keepdims=True)
    y = dlt * lax.rsqrt(var + EPS) * g[:] + be[:]
    out[:] = jnp.maximum(y, 0.0) if final_relu else y


def _dense(final_relu, *args):
    return pl.pallas_call(
        functools.partial(_dense_body, final_relu),
        out_shape=jax.ShapeDtypeStruct((N, D), jnp.float32),
    )(*args)


def kernel(x, edge_index, edge_attr, Wn1, bn1, Ws1, bs1, g1, be1,
           Wn2, bn2, Ws2, bs2, g2, be2, Wn3, bn3, Ws3, bs3, g3, be3):
    src = edge_index[0]
    dst = edge_index[1]
    pad_ids = jnp.arange(PAD, dtype=jnp.int32)
    srcp = jnp.concatenate([src, pad_ids % N]).reshape(EP // CH, CH)
    dstp = jnp.concatenate(
        [dst, N + pad_ids % (NP - N)]).reshape(EP // CH, CH)
    zeros_h = jnp.zeros((CH, D), jnp.float32)

    ea128 = jnp.concatenate(
        [edge_attr, jnp.ones((E, 1), jnp.float32),
         jnp.zeros((E, D - DE - 1), jnp.float32)], axis=1)
    ea128 = jnp.concatenate([ea128, jnp.zeros((PAD, D), jnp.float32)], axis=0)
    eidx = jnp.arange(EP, dtype=jnp.int32).reshape(EP // CH, CH)

    seg = _make_sc_seg()
    q = seg(ea128, eidx, dstp, zeros_h)
    q0, q1 = q[:N], q[NP:NP + N]

    h = x
    layers = (
        (Wn1, bn1, Ws1, bs1, g1, be1, True),
        (Wn2, bn2, Ws2, bs2, g2, be2, True),
        (Wn3, bn3, Ws3, bs3, g3, be3, False),
    )
    for Wn, bn, Ws, bs, g, be, fr in layers:
        p = seg(h, srcp, dstp, zeros_h)
        h = _dense(fr, h, p[:N], p[NP:NP + N], q0, q1,
                   Wn[:, :D].T, Wn[:, D:].T, Ws.T,
                   bn[None], bs[None], g[None], be[None])
    return h

# --- scband reference (transcript-rebuilt; emitter-appended) ---
"""Pipeline reference for scband-link-prediction-model-34411277975925 (READ-ONLY COPY).

The authoritative reference and input builder live on the scoring server;
editing this copy changes nothing except your own understanding.
"""

import jax, jax.numpy as jnp
import numpy as np

N = 10000
E = 320000
D = 128
DE = 16
H = 128
OUT = 128
EPS = 1e-5


def _linear_params(key, out_dim, in_dim):
    k1, k2 = jax.random.split(key)
    bound = 1.0 / np.sqrt(in_dim)
    W = jax.random.uniform(k1, (out_dim, in_dim), jnp.float32, -bound, bound)
    b = jax.random.uniform(k2, (out_dim,), jnp.float32, -bound, bound)
    return W, b


def setup_inputs(seed: int = 0):
    key = jax.random.key(seed)
    ks = jax.random.split(key, 16)
    inp = {}
    inp['x'] = jax.random.normal(ks[0], (N, D), jnp.float32)
    inp['edge_index'] = jax.random.randint(ks[1], (2, E), 0, N, dtype=jnp.int32)
    inp['edge_attr'] = jax.random.normal(ks[2], (E, DE), jnp.float32)
    dims = [(H, D), (H, H), (OUT, H)]
    for i, (od, idim) in enumerate(dims, start=1):
        Wn, bn = _linear_params(ks[2 + 2 * i], od, idim + DE)
        Ws, bs = _linear_params(ks[3 + 2 * i], od, idim)
        inp[f'Wn{i}'] = Wn
        inp[f'bn{i}'] = bn
        inp[f'Ws{i}'] = Ws
        inp[f'bs{i}'] = bs
        inp[f'g{i}'] = jnp.ones((od,), jnp.float32)
        inp[f'be{i}'] = jnp.zeros((od,), jnp.float32)
    return inp


def _conv(x, edge_index, edge_attr, Wn, bn, Ws, bs):
    src = edge_index[0]
    dst = edge_index[1]
    x_j = jnp.take(x, src, axis=0)
    msg = jnp.concatenate([x_j, edge_attr], axis=-1) @ Wn.T + bn
    agg = jax.ops.segment_sum(msg, dst, num_segments=N)
    cnt = jax.ops.segment_sum(jnp.ones((E,), jnp.float32), dst, num_segments=N)
    agg = agg / jnp.clip(cnt, 1.0, None)[:, None]
    x_self = x @ Ws.T + bs
    return jax.nn.relu(x_self + agg)


def _bn(x, g, b):
    mu = jnp.mean(x, axis=0)
    var = jnp.var(x, axis=0)
    return (x - mu) / jnp.sqrt(var + EPS) * g + b


def reference(x, edge_index, edge_attr, Wn1, bn1, Ws1, bs1, g1, be1, Wn2, bn2, Ws2, bs2, g2, be2, Wn3, bn3, Ws3, bs3, g3, be3):
    h = _conv(x, edge_index, edge_attr, Wn1, bn1, Ws1, bs1)
    h = jax.nn.relu(_bn(h, g1, be1))
    h = _conv(h, edge_index, edge_attr, Wn2, bn2, Ws2, bs2)
    h = jax.nn.relu(_bn(h, g2, be2))
    h = _conv(h, edge_index, edge_attr, Wn3, bn3, Ws3, bs3)
    h = _bn(h, g3, be3)
    return h

if __name__ == "__main__":
    import jax
    _d = setup_inputs()
    print(jax.jit(kernel)(*tuple(_d.values())))

</pallas_src>

<mosaic_0001>
#map = affine_map<(d0, d1) -> (0, 0)>
module attributes {stable_mosaic.version = 14 : i64} {
  func.func @_sc_seg_body(%arg0: i32, %arg1: i32, %arg2: memref<10000x128xf32, #tpu.memory_space<hbm>>, %arg3: memref<2560x128xi32, #tpu.memory_space<hbm>>, %arg4: memref<2560x128xi32, #tpu.memory_space<hbm>>, %arg5: memref<128x128xf32, #tpu.memory_space<hbm>>, %arg6: memref<20480x128xf32, #tpu.memory_space<hbm>>, %arg7: memref<80x128xi32, #tpu.memory_space<vmem>>, %arg8: memref<80x128xi32, #tpu.memory_space<vmem>>, %arg9: memref<128x128xf32, #tpu.memory_space<vmem>>, %arg10: memref<10240x128xf32, #tpu.memory_space<vmem_shared>>, %arg11: memref<!tpu.dma_semaphore, #tpu.memory_space<semaphore_mem>>) attributes {dimension_semantics = [#tpu.dimension_semantics<core_parallel>, #tpu.dimension_semantics<subcore_parallel>], iteration_bounds = array<i64: 2, 16>, scalar_prefetch = 0 : i64, scratch_operands = 5 : i64, tpu.core_type = #tpu.core_type<sc_vector_subcore>, window_params = [{transform_indices = #map}, {transform_indices = #map}, {transform_indices = #map}, {transform_indices = #map}, {transform_indices = #map}]} {
    %mul3A = arith.constant 16 : i32
    %mul3A_0 = arith.muli %arg0, %mul3A : i32
    %add3A = arith.addi %mul3A_0, %arg1 : i32
    "tpu.region"() ({
      %run_scoped3A = tpu.sem_alloc : memref<!tpu.dma_semaphore, #tpu.memory_space<semaphore_mem>>
      tpu.enqueue_dma source(%arg5 : memref<128x128xf32, #tpu.memory_space<hbm>>) target(%arg9 : memref<128x128xf32, #tpu.memory_space<vmem>>) target_semaphore(%run_scoped3A : memref<!tpu.dma_semaphore, #tpu.memory_space<semaphore_mem>>)
      tpu.wait_dma2 semaphore(%run_scoped3A : memref<!tpu.dma_semaphore, #tpu.memory_space<semaphore_mem>>) src(%arg5 : memref<128x128xf32, #tpu.memory_space<hbm>>) dst(%arg9 : memref<128x128xf32, #tpu.memory_space<vmem>>)
      tpu.yield
    }) : () -> ()
    %mul3A_1 = arith.constant 640 : i32
    %mul3A_2 = arith.muli %arg1, %mul3A_1 : i32
    %add3A_3 = arith.constant 0 : i32
    %add3A_4 = arith.addi %mul3A_2, %add3A_3 : i32
    "tpu.region"() ({
      %run_scoped3A = tpu.sem_alloc : memref<!tpu.dma_semaphore, #tpu.memory_space<semaphore_mem>>
      %dma_start3A = arith.constant 0 : i32
      %dma_start3A_66 = tpu.memref_slice %arg10[%add3A_4, %dma_start3A] : memref<10240x128xf32, #tpu.memory_space<vmem_shared>> -> memref<128x128xf32, #tpu.memory_space<vmem_shared>>
      %dma_start3A_67 = arith.constant 0 : i32
      %dma_start3A_68 = tpu.memref_slice %arg10[%add3A_4, %dma_start3A_67] : memref<10240x128xf32, #tpu.memory_space<vmem_shared>> -> memref<128x128xf32, #tpu.memory_space<vmem_shared>>
      tpu.enqueue_dma source(%arg9 : memref<128x128xf32, #tpu.memory_space<vmem>>) target(%dma_start3A_68 : memref<128x128xf32, #tpu.memory_space<vmem_shared>>) target_semaphore(%run_scoped3A : memref<!tpu.dma_semaphore, #tpu.memory_space<semaphore_mem>>)
      %dma_wait3A = arith.constant 0 : i32
      %dma_wait3A_69 = tpu.memref_slice %arg10[%add3A_4, %dma_wait3A] : memref<10240x128xf32, #tpu.memory_space<vmem_shared>> -> memref<128x128xf32, #tpu.memory_space<vmem_shared>>
      %dma_wait3A_70 = arith.constant 0 : i32
      %dma_wait3A_71 = tpu.memref_slice %arg10[%add3A_4, %dma_wait3A_70] : memref<10240x128xf32, #tpu.memory_space<vmem_shared>> -> memref<128x128xf32, #tpu.memory_space<vmem_shared>>
      tpu.wait_dma2 semaphore(%run_scoped3A : memref<!tpu.dma_semaphore, #tpu.memory_space<semaphore_mem>>) src(%arg9 : memref<128x128xf32, #tpu.memory_space<vmem>>) dst(%dma_wait3A_71 : memref<128x128xf32, #tpu.memory_space<vmem_shared>>)
      tpu.yield
    }) : () -> ()
    %mul3A_5 = arith.constant 640 : i32
    %mul3A_6 = arith.muli %arg1, %mul3A_5 : i32
    %add3A_7 = arith.constant 128 : i32
    %add3A_8 = arith.addi %mul3A_6, %add3A_7 : i32
    "tpu.region"() ({
      %run_scoped3A = tpu.sem_alloc : memref<!tpu.dma_semaphore, #tpu.memory_space<semaphore_mem>>
      %dma_start3A = arith.constant 0 : i32
      %dma_start3A_66 = tpu.memref_slice %arg10[%add3A_8, %dma_start3A] : memref<10240x128xf32, #tpu.memory_space<vmem_shared>> -> memref<128x128xf32, #tpu.memory_space<vmem_shared>>
      %dma_start3A_67 = arith.constant 0 : i32
      %dma_start3A_68 = tpu.memref_slice %arg10[%add3A_8, %dma_start3A_67] : memref<10240x128xf32, #tpu.memory_space<vmem_shared>> -> memref<128x128xf32, #tpu.memory_space<vmem_shared>>
      tpu.enqueue_dma source(%arg9 : memref<128x128xf32, #tpu.memory_space<vmem>>) target(%dma_start3A_68 : memref<128x128xf32, #tpu.memory_space<vmem_shared>>) target_semaphore(%run_scoped3A : memref<!tpu.dma_semaphore, #tpu.memory_space<semaphore_mem>>)
      %dma_wait3A = arith.constant 0 : i32
      %dma_wait3A_69 = tpu.memref_slice %arg10[%add3A_8, %dma_wait3A] : memref<10240x128xf32, #tpu.memory_space<vmem_shared>> -> memref<128x128xf32, #tpu.memory_space<vmem_shared>>
      %dma_wait3A_70 = arith.constant 0 : i32
      %dma_wait3A_71 = tpu.memref_slice %arg10[%add3A_8, %dma_wait3A_70] : memref<10240x128xf32, #tpu.memory_space<vmem_shared>> -> memref<128x128xf32, #tpu.memory_space<vmem_shared>>
      tpu.wait_dma2 semaphore(%run_scoped3A : memref<!tpu.dma_semaphore, #tpu.memory_space<semaphore_mem>>) src(%arg9 : memref<128x128xf32, #tpu.memory_space<vmem>>) dst(%dma_wait3A_71 : memref<128x128xf32, #tpu.memory_space<vmem_shared>>)
      tpu.yield
    }) : () -> ()
    %mul3A_9 = arith.constant 640 : i32
    %mul3A_10 = arith.muli %arg1, %mul3A_9 : i32
    %add3A_11 = arith.constant 256 : i32
    %add3A_12 = arith.addi %mul3A_10, %add3A_11 : i32
    "tpu.region"() ({
      %run_scoped3A = tpu.sem_alloc : memref<!tpu.dma_semaphore, #tpu.memory_space<semaphore_mem>>
      %dma_start3A = arith.constant 0 : i32
      %dma_start3A_66 = tpu.memref_slice %arg10[%add3A_12, %dma_start3A] : memref<10240x128xf32, #tpu.memory_space<vmem_shared>> -> memref<128x128xf32, #tpu.memory_space<vmem_shared>>
      %dma_start3A_67 = arith.constant 0 : i32
      %dma_start3A_68 = tpu.memref_slice %arg10[%add3A_12, %dma_start3A_67] : memref<10240x128xf32, #tpu.memory_space<vmem_shared>> -> memref<128x128xf32, #tpu.memory_space<vmem_shared>>
      tpu.enqueue_dma source(%arg9 : memref<128x128xf32, #tpu.memory_space<vmem>>) target(%dma_start3A_68 : memref<128x128xf32, #tpu.memory_space<vmem_shared>>) target_semaphore(%run_scoped3A : memref<!tpu.dma_semaphore, #tpu.memory_space<semaphore_mem>>)
      %dma_wait3A = arith.constant 0 : i32
      %dma_wait3A_69 = tpu.memref_slice %arg10[%add3A_12, %dma_wait3A] : memref<10240x128xf32, #tpu.memory_space<vmem_shared>> -> memref<128x128xf32, #tpu.memory_space<vmem_shared>>
      %dma_wait3A_70 = arith.constant 0 : i32
      %dma_wait3A_71 = tpu.memref_slice %arg10[%add3A_12, %dma_wait3A_70] : memref<10240x128xf32, #tpu.memory_space<vmem_shared>> -> memref<128x128xf32, #tpu.memory_space<vmem_shared>>
      tpu.wait_dma2 semaphore(%run_scoped3A : memref<!tpu.dma_semaphore, #tpu.memory_space<semaphore_mem>>) src(%arg9 : memref<128x128xf32, #tpu.memory_space<vmem>>) dst(%dma_wait3A_71 : memref<128x128xf32, #tpu.memory_space<vmem_shared>>)
      tpu.yield
    }) : () -> ()
    %mul3A_13 = arith.constant 640 : i32
    %mul3A_14 = arith.muli %arg1, %mul3A_13 : i32
    %add3A_15 = arith.constant 384 : i32
    %add3A_16 = arith.addi %mul3A_14, %add3A_15 : i32
    "tpu.region"() ({
      %run_scoped3A = tpu.sem_alloc : memref<!tpu.dma_semaphore, #tpu.memory_space<semaphore_mem>>
      %dma_start3A = arith.constant 0 : i32
      %dma_start3A_66 = tpu.memref_slice %arg10[%add3A_16, %dma_start3A] : memref<10240x128xf32, #tpu.memory_space<vmem_shared>> -> memref<128x128xf32, #tpu.memory_space<vmem_shared>>
      %dma_start3A_67 = arith.constant 0 : i32
      %dma_start3A_68 = tpu.memref_slice %arg10[%add3A_16, %dma_start3A_67] : memref<10240x128xf32, #tpu.memory_space<vmem_shared>> -> memref<128x128xf32, #tpu.memory_space<vmem_shared>>
      tpu.enqueue_dma source(%arg9 : memref<128x128xf32, #tpu.memory_space<vmem>>) target(%dma_start3A_68 : memref<128x128xf32, #tpu.memory_space<vmem_shared>>) target_semaphore(%run_scoped3A : memref<!tpu.dma_semaphore, #tpu.memory_space<semaphore_mem>>)
      %dma_wait3A = arith.constant 0 : i32
      %dma_wait3A_69 = tpu.memref_slice %arg10[%add3A_16, %dma_wait3A] : memref<10240x128xf32, #tpu.memory_space<vmem_shared>> -> memref<128x128xf32, #tpu.memory_space<vmem_shared>>
      %dma_wait3A_70 = arith.constant 0 : i32
      %dma_wait3A_71 = tpu.memref_slice %arg10[%add3A_16, %dma_wait3A_70] : memref<10240x128xf32, #tpu.memory_space<vmem_shared>> -> memref<128x128xf32, #tpu.memory_space<vmem_shared>>
      tpu.wait_dma2 semaphore(%run_scoped3A : memref<!tpu.dma_semaphore, #tpu.memory_space<semaphore_mem>>) src(%arg9 : memref<128x128xf32, #tpu.memory_space<vmem>>) dst(%dma_wait3A_71 : memref<128x128xf32, #tpu.memory_space<vmem_shared>>)
      tpu.yield
    }) : () -> ()
    %mul3A_17 = arith.constant 640 : i32
    %mul3A_18 = arith.muli %arg1, %mul3A_17 : i32
    %add3A_19 = arith.constant 512 : i32
    %add3A_20 = arith.addi %mul3A_18, %add3A_19 : i32
    "tpu.region"() ({
      %run_scoped3A = tpu.sem_alloc : memref<!tpu.dma_semaphore, #tpu.memory_space<semaphore_mem>>
      %dma_start3A = arith.constant 0 : i32
      %dma_start3A_66 = tpu.memref_slice %arg10[%add3A_20, %dma_start3A] : memref<10240x128xf32, #tpu.memory_space<vmem_shared>> -> memref<128x128xf32, #tpu.memory_space<vmem_shared>>
      %dma_start3A_67 = arith.constant 0 : i32
      %dma_start3A_68 = tpu.memref_slice %arg10[%add3A_20, %dma_start3A_67] : memref<10240x128xf32, #tpu.memory_space<vmem_shared>> -> memref<128x128xf32, #tpu.memory_space<vmem_shared>>
      tpu.enqueue_dma source(%arg9 : memref<128x128xf32, #tpu.memory_space<vmem>>) target(%dma_start3A_68 : memref<128x128xf32, #tpu.memory_space<vmem_shared>>) target_semaphore(%run_scoped3A : memref<!tpu.dma_semaphore, #tpu.memory_space<semaphore_mem>>)
      %dma_wait3A = arith.constant 0 : i32
      %dma_wait3A_69 = tpu.memref_slice %arg10[%add3A_20, %dma_wait3A] : memref<10240x128xf32, #tpu.memory_space<vmem_shared>> -> memref<128x128xf32, #tpu.memory_space<vmem_shared>>
      %dma_wait3A_70 = arith.constant 0 : i32
      %dma_wait3A_71 = tpu.memref_slice %arg10[%add3A_20, %dma_wait3A_70] : memref<10240x128xf32, #tpu.memory_space<vmem_shared>> -> memref<128x128xf32, #tpu.memory_space<vmem_shared>>
      tpu.wait_dma2 semaphore(%run_scoped3A : memref<!tpu.dma_semaphore, #tpu.memory_space<semaphore_mem>>) src(%arg9 : memref<128x128xf32, #tpu.memory_space<vmem>>) dst(%dma_wait3A_71 : memref<128x128xf32, #tpu.memory_space<vmem_shared>>)
      tpu.yield
    }) : () -> ()
    %mul3A_21 = arith.constant 80 : i32
    %mul3A_22 = arith.muli %add3A, %mul3A_21 : i32
    "tpu.region"() ({
      %run_scoped3A = tpu.sem_alloc : memref<!tpu.dma_semaphore, #tpu.memory_space<semaphore_mem>>
      %dma_start3A = arith.constant 0 : i32
      %dma_start3A_66 = tpu.memref_slice %arg3[%mul3A_22, %dma_start3A] : memref<2560x128xi32, #tpu.memory_space<hbm>> -> memref<80x128xi32, #tpu.memory_space<hbm>>
      %dma_start3A_67 = arith.constant 0 : i32
      %dma_start3A_68 = tpu.memref_slice %arg3[%mul3A_22, %dma_start3A_67] : memref<2560x128xi32, #tpu.memory_space<hbm>> -> memref<80x128xi32, #tpu.memory_space<hbm>>
      tpu.enqueue_dma source(%dma_start3A_68 : memref<80x128xi32, #tpu.memory_space<hbm>>) target(%arg7 : memref<80x128xi32, #tpu.memory_space<vmem>>) target_semaphore(%run_scoped3A : memref<!tpu.dma_semaphore, #tpu.memory_space<semaphore_mem>>)
      %dma_wait3A = arith.constant 0 : i32
      %dma_wait3A_69 = tpu.memref_slice %arg3[%mul3A_22, %dma_wait3A] : memref<2560x128xi32, #tpu.memory_space<hbm>> -> memref<80x128xi32, #tpu.memory_space<hbm>>
      %dma_wait3A_70 = arith.constant 0 : i32
      %dma_wait3A_71 = tpu.memref_slice %arg3[%mul3A_22, %dma_wait3A_70] : memref<2560x128xi32, #tpu.memory_space<hbm>> -> memref<80x128xi32, #tpu.memory_space<hbm>>
      tpu.wait_dma2 semaphore(%run_scoped3A : memref<!tpu.dma_semaphore, #tpu.memory_space<semaphore_mem>>) src(%dma_wait3A_71 : memref<80x128xi32, #tpu.memory_space<hbm>>) dst(%arg7 : memref<80x128xi32, #tpu.memory_space<vmem>>)
      tpu.yield
    }) : () -> ()
    %mul3A_23 = arith.constant 80 : i32
    %mul3A_24 = arith.muli %add3A, %mul3A_23 : i32
    "tpu.region"() ({
      %run_scoped3A = tpu.sem_alloc : memref<!tpu.dma_semaphore, #tpu.memory_space<semaphore_mem>>
      %dma_start3A = arith.constant 0 : i32
      %dma_start3A_66 = tpu.memref_slice %arg4[%mul3A_24, %dma_start3A] : memref<2560x128xi32, #tpu.memory_space<hbm>> -> memref<80x128xi32, #tpu.memory_space<hbm>>
      %dma_start3A_67 = arith.constant 0 : i32
      %dma_start3A_68 = tpu.memref_slice %arg4[%mul3A_24, %dma_start3A_67] : memref<2560x128xi32, #tpu.memory_space<hbm>> -> memref<80x128xi32, #tpu.memory_space<hbm>>
      tpu.enqueue_dma source(%dma_start3A_68 : memref<80x128xi32, #tpu.memory_space<hbm>>) target(%arg8 : memref<80x128xi32, #tpu.memory_space<vmem>>) target_semaphore(%run_scoped3A : memref<!tpu.dma_semaphore, #tpu.memory_space<semaphore_mem>>)
      %dma_wait3A = arith.constant 0 : i32
      %dma_wait3A_69 = tpu.memref_slice %arg4[%mul3A_24, %dma_wait3A] : memref<2560x128xi32, #tpu.memory_space<hbm>> -> memref<80x128xi32, #tpu.memory_space<hbm>>
      %dma_wait3A_70 = arith.constant 0 : i32
      %dma_wait3A_71 = tpu.memref_slice %arg4[%mul3A_24, %dma_wait3A_70] : memref<2560x128xi32, #tpu.memory_space<hbm>> -> memref<80x128xi32, #tpu.memory_space<hbm>>
      tpu.wait_dma2 semaphore(%run_scoped3A : memref<!tpu.dma_semaphore, #tpu.memory_space<semaphore_mem>>) src(%dma_wait3A_71 : memref<80x128xi32, #tpu.memory_space<hbm>>) dst(%arg8 : memref<80x128xi32, #tpu.memory_space<vmem>>)
      tpu.yield
    }) : () -> ()
    %barrier3A = arith.constant 0 : index
    tpu.barrier barrier_id(%barrier3A)
    %scan3A = arith.constant 0 : i32
    %scan3A_25 = arith.constant 0 : i32
    %scan3A_26 = arith.constant 80 : i32
    %scan3A_27 = arith.addi %scan3A_25, %scan3A_26 : i32
    %scan3A_28 = arith.constant 1 : i32
    scf.for %scan3A_66 = %scan3A_25 to %scan3A_27 step %scan3A_28  : i32 {
      %dma_start3A = arith.constant 0 : i32
      %dma_start3A_67 = tpu.memref_slice %arg7[%scan3A_66, %dma_start3A] : memref<80x128xi32, #tpu.memory_space<vmem>> -> memref<1x128xi32, #tpu.memory_space<vmem>>
      %dma_start3A_68 = tpu.memref_squeeze %dma_start3A_67 : memref<1x128xi32, #tpu.memory_space<vmem>> -> memref<128xi32, #tpu.memory_space<vmem>>
      %dma_start3A_69 = arith.constant 0 : i32
      %dma_start3A_70 = arith.constant 0 : i32
      %dma_start3A_71 = tpu.memref_slice %arg2[%dma_start3A_69, %dma_start3A_70] : memref<10000x128xf32, #tpu.memory_space<hbm>> -> memref<10000x128xf32, #tpu.memory_space<hbm>>
      tpu.enqueue_indirect_dma source(%dma_start3A_71 : memref<10000x128xf32, #tpu.memory_space<hbm>>) target(%arg9 : memref<128x128xf32, #tpu.memory_space<vmem>>) offsets(%dma_start3A_68 : memref<128xi32, #tpu.memory_space<vmem>>) semaphore(%arg11 : memref<!tpu.dma_semaphore, #tpu.memory_space<semaphore_mem>>)
      %dma_wait3A = arith.constant 0 : i32
      %dma_wait3A_72 = tpu.memref_slice %arg7[%scan3A_66, %dma_wait3A] : memref<80x128xi32, #tpu.memory_space<vmem>> -> memref<1x128xi32, #tpu.memory_space<vmem>>
      %dma_wait3A_73 = tpu.memref_squeeze %dma_wait3A_72 : memref<1x128xi32, #tpu.memory_space<vmem>> -> memref<128xi32, #tpu.memory_space<vmem>>
      %dma_wait3A_74 = arith.constant 0 : i32
      %dma_wait3A_75 = arith.constant 0 : i32
      %dma_wait3A_76 = tpu.memref_slice %arg2[%dma_wait3A_74, %dma_wait3A_75] : memref<10000x128xf32, #tpu.memory_space<hbm>> -> memref<10000x128xf32, #tpu.memory_space<hbm>>
      tpu.wait_indirect_dma semaphore(%arg11 : memref<!tpu.dma_semaphore, #tpu.memory_space<semaphore_mem>>) src(%dma_wait3A_76 : memref<10000x128xf32, #tpu.memory_space<hbm>>) dst(%arg9 : memref<128x128xf32, #tpu.memory_space<vmem>>)
      "tpu.region"() ({
        %run_scoped3A = tpu.sem_alloc : memref<!tpu.dma_semaphore, #tpu.memory_space<semaphore_mem>>
        %dma_start3A_77 = arith.constant 0 : i32
        %dma_start3A_78 = tpu.memref_slice %arg8[%scan3A_66, %dma_start3A_77] : memref<80x128xi32, #tpu.memory_space<vmem>> -> memref<1x128xi32, #tpu.memory_space<vmem>>
        %dma_start3A_79 = tpu.memref_squeeze %dma_start3A_78 : memref<1x128xi32, #tpu.memory_space<vmem>> -> memref<128xi32, #tpu.memory_space<vmem>>
        %dma_start3A_80 = arith.constant 0 : i32
        %dma_start3A_81 = arith.constant 0 : i32
        %dma_start3A_82 = tpu.memref_slice %arg10[%dma_start3A_80, %dma_start3A_81] : memref<10240x128xf32, #tpu.memory_space<vmem_shared>> -> memref<10240x128xf32, #tpu.memory_space<vmem_shared>>
        tpu.enqueue_indirect_dma source(%arg9 : memref<128x128xf32, #tpu.memory_space<vmem>>) target(%dma_start3A_82 : memref<10240x128xf32, #tpu.memory_space<vmem_shared>>) offsets(%dma_start3A_79 : memref<128xi32, #tpu.memory_space<vmem>>) semaphore(%run_scoped3A : memref<!tpu.dma_semaphore, #tpu.memory_space<semaphore_mem>>) {add = true}
        %dma_wait3A_83 = arith.constant 0 : i32
        %dma_wait3A_84 = tpu.memref_slice %arg8[%scan3A_66, %dma_wait3A_83] : memref<80x128xi32, #tpu.memory_space<vmem>> -> memref<1x128xi32, #tpu.memory_space<vmem>>
        %dma_wait3A_85 = tpu.memref_squeeze %dma_wait3A_84 : memref<1x128xi32, #tpu.memory_space<vmem>> -> memref<128xi32, #tpu.memory_space<vmem>>
        %dma_wait3A_86 = arith.constant 0 : i32
        %dma_wait3A_87 = arith.constant 0 : i32
        %dma_wait3A_88 = tpu.memref_slice %arg10[%dma_wait3A_86, %dma_wait3A_87] : memref<10240x128xf32, #tpu.memory_space<vmem_shared>> -> memref<10240x128xf32, #tpu.memory_space<vmem_shared>>
        tpu.wait_indirect_dma semaphore(%run_scoped3A : memref<!tpu.dma_semaphore, #tpu.memory_space<semaphore_mem>>) src(%arg9 : memref<128x128xf32, #tpu.memory_space<vmem>>) dst(%dma_wait3A_88 : memref<10240x128xf32, #tpu.memory_space<vmem_shared>>)
        tpu.yield
      }) : () -> ()
    }
    %scan3A_29 = arith.constant 80 : i32
    %barrier3A_30 = arith.constant 0 : index
    tpu.barrier barrier_id(%barrier3A_30)
    %mul3A_31 = arith.constant 640 : i32
    %mul3A_32 = arith.muli %arg1, %mul3A_31 : i32
    %add3A_33 = arith.constant 0 : i32
    %add3A_34 = arith.addi %mul3A_32, %add3A_33 : i32
    "tpu.region"() ({
      %run_scoped3A = tpu.sem_alloc : memref<!tpu.dma_semaphore, #tpu.memory_space<semaphore_mem>>
      %dma_start3A = arith.constant 0 : i32
      %dma_start3A_66 = tpu.memref_slice %arg10[%add3A_34, %dma_start3A] : memref<10240x128xf32, #tpu.memory_space<vmem_shared>> -> memref<128x128xf32, #tpu.memory_space<vmem_shared>>
      %dma_start3A_67 = arith.constant 0 : i32
      %dma_start3A_68 = tpu.memref_slice %arg10[%add3A_34, %dma_start3A_67] : memref<10240x128xf32, #tpu.memory_space<vmem_shared>> -> memref<128x128xf32, #tpu.memory_space<vmem_shared>>
      tpu.enqueue_dma source(%dma_start3A_68 : memref<128x128xf32, #tpu.memory_space<vmem_shared>>) target(%arg9 : memref<128x128xf32, #tpu.memory_space<vmem>>) target_semaphore(%run_scoped3A : memref<!tpu.dma_semaphore, #tpu.memory_space<semaphore_mem>>)
      %dma_wait3A = arith.constant 0 : i32
      %dma_wait3A_69 = tpu.memref_slice %arg10[%add3A_34, %dma_wait3A] : memref<10240x128xf32, #tpu.memory_space<vmem_shared>> -> memref<128x128xf32, #tpu.memory_space<vmem_shared>>
      %dma_wait3A_70 = arith.constant 0 : i32
      %dma_wait3A_71 = tpu.memref_slice %arg10[%add3A_34, %dma_wait3A_70] : memref<10240x128xf32, #tpu.memory_space<vmem_shared>> -> memref<128x128xf32, #tpu.memory_space<vmem_shared>>
      tpu.wait_dma2 semaphore(%run_scoped3A : memref<!tpu.dma_semaphore, #tpu.memory_space<semaphore_mem>>) src(%dma_wait3A_71 : memref<128x128xf32, #tpu.memory_space<vmem_shared>>) dst(%arg9 : memref<128x128xf32, #tpu.memory_space<vmem>>)
      tpu.yield
    }) : () -> ()
    %mul3A_35 = arith.constant 10240 : i32
    %mul3A_36 = arith.muli %arg0, %mul3A_35 : i32
    %add3A_37 = arith.addi %mul3A_36, %add3A_34 : i32
    "tpu.region"() ({
      %run_scoped3A = tpu.sem_alloc : memref<!tpu.dma_semaphore, #tpu.memory_space<semaphore_mem>>
      %dma_start3A = arith.constant 0 : i32
      %dma_start3A_66 = tpu.memref_slice %arg6[%add3A_37, %dma_start3A] : memref<20480x128xf32, #tpu.memory_space<hbm>> -> memref<128x128xf32, #tpu.memory_space<hbm>>
      %dma_start3A_67 = arith.constant 0 : i32
      %dma_start3A_68 = tpu.memref_slice %arg6[%add3A_37, %dma_start3A_67] : memref<20480x128xf32, #tpu.memory_space<hbm>> -> memref<128x128xf32, #tpu.memory_space<hbm>>
      tpu.enqueue_dma source(%arg9 : memref<128x128xf32, #tpu.memory_space<vmem>>) target(%dma_start3A_68 : memref<128x128xf32, #tpu.memory_space<hbm>>) target_semaphore(%run_scoped3A : memref<!tpu.dma_semaphore, #tpu.memory_space<semaphore_mem>>)
      %dma_wait3A = arith.constant 0 : i32
      %dma_wait3A_69 = tpu.memref_slice %arg6[%add3A_37, %dma_wait3A] : memref<20480x128xf32, #tpu.memory_space<hbm>> -> memref<128x128xf32, #tpu.memory_space<hbm>>
      %dma_wait3A_70 = arith.constant 0 : i32
      %dma_wait3A_71 = tpu.memref_slice %arg6[%add3A_37, %dma_wait3A_70] : memref<20480x128xf32, #tpu.memory_space<hbm>> -> memref<128x128xf32, #tpu.memory_space<hbm>>
      tpu.wait_dma2 semaphore(%run_scoped3A : memref<!tpu.dma_semaphore, #tpu.memory_space<semaphore_mem>>) src(%arg9 : memref<128x128xf32, #tpu.memory_space<vmem>>) dst(%dma_wait3A_71 : memref<128x128xf32, #tpu.memory_space<hbm>>)
      tpu.yield
    }) : () -> ()
    %mul3A_38 = arith.constant 640 : i32
    %mul3A_39 = arith.muli %arg1, %mul3A_38 : i32
    %add3A_40 = arith.constant 128 : i32
    %add3A_41 = arith.addi %mul3A_39, %add3A_40 : i32
    "tpu.region"() ({
      %run_scoped3A = tpu.sem_alloc : memref<!tpu.dma_semaphore, #tpu.memory_space<semaphore_mem>>
      %dma_start3A = arith.constant 0 : i32
      %dma_start3A_66 = tpu.memref_slice %arg10[%add3A_41, %dma_start3A] : memref<10240x128xf32, #tpu.memory_space<vmem_shared>> -> memref<128x128xf32, #tpu.memory_space<vmem_shared>>
      %dma_start3A_67 = arith.constant 0 : i32
      %dma_start3A_68 = tpu.memref_slice %arg10[%add3A_41, %dma_start3A_67] : memref<10240x128xf32, #tpu.memory_space<vmem_shared>> -> memref<128x128xf32, #tpu.memory_space<vmem_shared>>
      tpu.enqueue_dma source(%dma_start3A_68 : memref<128x128xf32, #tpu.memory_space<vmem_shared>>) target(%arg9 : memref<128x128xf32, #tpu.memory_space<vmem>>) target_semaphore(%run_scoped3A : memref<!tpu.dma_semaphore, #tpu.memory_space<semaphore_mem>>)
      %dma_wait3A = arith.constant 0 : i32
      %dma_wait3A_69 = tpu.memref_slice %arg10[%add3A_41, %dma_wait3A] : memref<10240x128xf32, #tpu.memory_space<vmem_shared>> -> memref<128x128xf32, #tpu.memory_space<vmem_shared>>
      %dma_wait3A_70 = arith.constant 0 : i32
      %dma_wait3A_71 = tpu.memref_slice %arg10[%add3A_41, %dma_wait3A_70] : memref<10240x128xf32, #tpu.memory_space<vmem_shared>> -> memref<128x128xf32, #tpu.memory_space<vmem_shared>>
      tpu.wait_dma2 semaphore(%run_scoped3A : memref<!tpu.dma_semaphore, #tpu.memory_space<semaphore_mem>>) src(%dma_wait3A_71 : memref<128x128xf32, #tpu.memory_space<vmem_shared>>) dst(%arg9 : memref<128x128xf32, #tpu.memory_space<vmem>>)
      tpu.yield
    }) : () -> ()
    %mul3A_42 = arith.constant 10240 : i32
    %mul3A_43 = arith.muli %arg0, %mul3A_42 : i32
    %add3A_44 = arith.addi %mul3A_43, %add3A_41 : i32
    "tpu.region"() ({
      %run_scoped3A = tpu.sem_alloc : memref<!tpu.dma_semaphore, #tpu.memory_space<semaphore_mem>>
      %dma_start3A = arith.constant 0 : i32
      %dma_start3A_66 = tpu.memref_slice %arg6[%add3A_44, %dma_start3A] : memref<20480x128xf32, #tpu.memory_space<hbm>> -> memref<128x128xf32, #tpu.memory_space<hbm>>
      %dma_start3A_67 = arith.constant 0 : i32
      %dma_start3A_68 = tpu.memref_slice %arg6[%add3A_44, %dma_start3A_67] : memref<20480x128xf32, #tpu.memory_space<hbm>> -> memref<128x128xf32, #tpu.memory_space<hbm>>
      tpu.enqueue_dma source(%arg9 : memref<128x128xf32, #tpu.memory_space<vmem>>) target(%dma_start3A_68 : memref<128x128xf32, #tpu.memory_space<hbm>>) target_semaphore(%run_scoped3A : memref<!tpu.dma_semaphore, #tpu.memory_space<semaphore_mem>>)
      %dma_wait3A = arith.constant 0 : i32
      %dma_wait3A_69 = tpu.memref_slice %arg6[%add3A_44, %dma_wait3A] : memref<20480x128xf32, #tpu.memory_space<hbm>> -> memref<128x128xf32, #tpu.memory_space<hbm>>
      %dma_wait3A_70 = arith.constant 0 : i32
      %dma_wait3A_71 = tpu.memref_slice %arg6[%add3A_44, %dma_wait3A_70] : memref<20480x128xf32, #tpu.memory_space<hbm>> -> memref<128x128xf32, #tpu.memory_space<hbm>>
      tpu.wait_dma2 semaphore(%run_scoped3A : memref<!tpu.dma_semaphore, #tpu.memory_space<semaphore_mem>>) src(%arg9 : memref<128x128xf32, #tpu.memory_space<vmem>>) dst(%dma_wait3A_71 : memref<128x128xf32, #tpu.memory_space<hbm>>)
      tpu.yield
    }) : () -> ()
    %mul3A_45 = arith.constant 640 : i32
    %mul3A_46 = arith.muli %arg1, %mul3A_45 : i32
    %add3A_47 = arith.constant 256 : i32
    %add3A_48 = arith.addi %mul3A_46, %add3A_47 : i32
    "tpu.region"() ({
      %run_scoped3A = tpu.sem_alloc : memref<!tpu.dma_semaphore, #tpu.memory_space<semaphore_mem>>
      %dma_start3A = arith.constant 0 : i32
      %dma_start3A_66 = tpu.memref_slice %arg10[%add3A_48, %dma_start3A] : memref<10240x128xf32, #tpu.memory_space<vmem_shared>> -> memref<128x128xf32, #tpu.memory_space<vmem_shared>>
      %dma_start3A_67 = arith.constant 0 : i32
      %dma_start3A_68 = tpu.memref_slice %arg10[%add3A_48, %dma_start3A_67] : memref<10240x128xf32, #tpu.memory_space<vmem_shared>> -> memref<128x128xf32, #tpu.memory_space<vmem_shared>>
      tpu.enqueue_dma source(%dma_start3A_68 : memref<128x128xf32, #tpu.memory_space<vmem_shared>>) target(%arg9 : memref<128x128xf32, #tpu.memory_space<vmem>>) target_semaphore(%run_scoped3A : memref<!tpu.dma_semaphore, #tpu.memory_space<semaphore_mem>>)
      %dma_wait3A = arith.constant 0 : i32
      %dma_wait3A_69 = tpu.memref_slice %arg10[%add3A_48, %dma_wait3A] : memref<10240x128xf32, #tpu.memory_space<vmem_shared>> -> memref<128x128xf32, #tpu.memory_space<vmem_shared>>
      %dma_wait3A_70 = arith.constant 0 : i32
      %dma_wait3A_71 = tpu.memref_slice %arg10[%add3A_48, %dma_wait3A_70] : memref<10240x128xf32, #tpu.memory_space<vmem_shared>> -> memref<128x128xf32, #tpu.memory_space<vmem_shared>>
      tpu.wait_dma2 semaphore(%run_scoped3A : memref<!tpu.dma_semaphore, #tpu.memory_space<semaphore_mem>>) src(%dma_wait3A_71 : memref<128x128xf32, #tpu.memory_space<vmem_shared>>) dst(%arg9 : memref<128x128xf32, #tpu.memory_space<vmem>>)
      tpu.yield
    }) : () -> ()
    %mul3A_49 = arith.constant 10240 : i32
    %mul3A_50 = arith.muli %arg0, %mul3A_49 : i32
    %add3A_51 = arith.addi %mul3A_50, %add3A_48 : i32
    "tpu.region"() ({
      %run_scoped3A = tpu.sem_alloc : memref<!tpu.dma_semaphore, #tpu.memory_space<semaphore_mem>>
      %dma_start3A = arith.constant 0 : i32
      %dma_start3A_66 = tpu.memref_slice %arg6[%add3A_51, %dma_start3A] : memref<20480x128xf32, #tpu.memory_space<hbm>> -> memref<128x128xf32, #tpu.memory_space<hbm>>
      %dma_start3A_67 = arith.constant 0 : i32
      %dma_start3A_68 = tpu.memref_slice %arg6[%add3A_51, %dma_start3A_67] : memref<20480x128xf32, #tpu.memory_space<hbm>> -> memref<128x128xf32, #tpu.memory_space<hbm>>
      tpu.enqueue_dma source(%arg9 : memref<128x128xf32, #tpu.memory_space<vmem>>) target(%dma_start3A_68 : memref<128x128xf32, #tpu.memory_space<hbm>>) target_semaphore(%run_scoped3A : memref<!tpu.dma_semaphore, #tpu.memory_space<semaphore_mem>>)
      %dma_wait3A = arith.constant 0 : i32
      %dma_wait3A_69 = tpu.memref_slice %arg6[%add3A_51, %dma_wait3A] : memref<20480x128xf32, #tpu.memory_space<hbm>> -> memref<128x128xf32, #tpu.memory_space<hbm>>
      %dma_wait3A_70 = arith.constant 0 : i32
      %dma_wait3A_71 = tpu.memref_slice %arg6[%add3A_51, %dma_wait3A_70] : memref<20480x128xf32, #tpu.memory_space<hbm>> -> memref<128x128xf32, #tpu.memory_space<hbm>>
      tpu.wait_dma2 semaphore(%run_scoped3A : memref<!tpu.dma_semaphore, #tpu.memory_space<semaphore_mem>>) src(%arg9 : memref<128x128xf32, #tpu.memory_space<vmem>>) dst(%dma_wait3A_71 : memref<128x128xf32, #tpu.memory_space<hbm>>)
      tpu.yield
    }) : () -> ()
    %mul3A_52 = arith.constant 640 : i32
    %mul3A_53 = arith.muli %arg1, %mul3A_52 : i32
    %add3A_54 = arith.constant 384 : i32
    %add3A_55 = arith.addi %mul3A_53, %add3A_54 : i32
    "tpu.region"() ({
      %run_scoped3A = tpu.sem_alloc : memref<!tpu.dma_semaphore, #tpu.memory_space<semaphore_mem>>
      %dma_start3A = arith.constant 0 : i32
      %dma_start3A_66 = tpu.memref_slice %arg10[%add3A_55, %dma_start3A] : memref<10240x128xf32, #tpu.memory_space<vmem_shared>> -> memref<128x128xf32, #tpu.memory_space<vmem_shared>>
      %dma_start3A_67 = arith.constant 0 : i32
      %dma_start3A_68 = tpu.memref_slice %arg10[%add3A_55, %dma_start3A_67] : memref<10240x128xf32, #tpu.memory_space<vmem_shared>> -> memref<128x128xf32, #tpu.memory_space<vmem_shared>>
      tpu.enqueue_dma source(%dma_start3A_68 : memref<128x128xf32, #tpu.memory_space<vmem_shared>>) target(%arg9 : memref<128x128xf32, #tpu.memory_space<vmem>>) target_semaphore(%run_scoped3A : memref<!tpu.dma_semaphore, #tpu.memory_space<semaphore_mem>>)
      %dma_wait3A = arith.constant 0 : i32
      %dma_wait3A_69 = tpu.memref_slice %arg10[%add3A_55, %dma_wait3A] : memref<10240x128xf32, #tpu.memory_space<vmem_shared>> -> memref<128x128xf32, #tpu.memory_space<vmem_shared>>
      %dma_wait3A_70 = arith.constant 0 : i32
      %dma_wait3A_71 = tpu.memref_slice %arg10[%add3A_55, %dma_wait3A_70] : memref<10240x128xf32, #tpu.memory_space<vmem_shared>> -> memref<128x128xf32, #tpu.memory_space<vmem_shared>>
      tpu.wait_dma2 semaphore(%run_scoped3A : memref<!tpu.dma_semaphore, #tpu.memory_space<semaphore_mem>>) src(%dma_wait3A_71 : memref<128x128xf32, #tpu.memory_space<vmem_shared>>) dst(%arg9 : memref<128x128xf32, #tpu.memory_space<vmem>>)
      tpu.yield
    }) : () -> ()
    %mul3A_56 = arith.constant 10240 : i32
    %mul3A_57 = arith.muli %arg0, %mul3A_56 : i32
    %add3A_58 = arith.addi %mul3A_57, %add3A_55 : i32
    "tpu.region"() ({
      %run_scoped3A = tpu.sem_alloc : memref<!tpu.dma_semaphore, #tpu.memory_space<semaphore_mem>>
      %dma_start3A = arith.constant 0 : i32
      %dma_start3A_66 = tpu.memref_slice %arg6[%add3A_58, %dma_start3A] : memref<20480x128xf32, #tpu.memory_space<hbm>> -> memref<128x128xf32, #tpu.memory_space<hbm>>
      %dma_start3A_67 = arith.constant 0 : i32
      %dma_start3A_68 = tpu.memref_slice %arg6[%add3A_58, %dma_start3A_67] : memref<20480x128xf32, #tpu.memory_space<hbm>> -> memref<128x128xf32, #tpu.memory_space<hbm>>
      tpu.enqueue_dma source(%arg9 : memref<128x128xf32, #tpu.memory_space<vmem>>) target(%dma_start3A_68 : memref<128x128xf32, #tpu.memory_space<hbm>>) target_semaphore(%run_scoped3A : memref<!tpu.dma_semaphore, #tpu.memory_space<semaphore_mem>>)
      %dma_wait3A = arith.constant 0 : i32
      %dma_wait3A_69 = tpu.memref_slice %arg6[%add3A_58, %dma_wait3A] : memref<20480x128xf32, #tpu.memory_space<hbm>> -> memref<128x128xf32, #tpu.memory_space<hbm>>
      %dma_wait3A_70 = arith.constant 0 : i32
      %dma_wait3A_71 = tpu.memref_slice %arg6[%add3A_58, %dma_wait3A_70] : memref<20480x128xf32, #tpu.memory_space<hbm>> -> memref<128x128xf32, #tpu.memory_space<hbm>>
      tpu.wait_dma2 semaphore(%run_scoped3A : memref<!tpu.dma_semaphore, #tpu.memory_space<semaphore_mem>>) src(%arg9 : memref<128x128xf32, #tpu.memory_space<vmem>>) dst(%dma_wait3A_71 : memref<128x128xf32, #tpu.memory_space<hbm>>)
      tpu.yield
    }) : () -> ()
    %mul3A_59 = arith.constant 640 : i32
    %mul3A_60 = arith.muli %arg1, %mul3A_59 : i32
    %add3A_61 = arith.constant 512 : i32
    %add3A_62 = arith.addi %mul3A_60, %add3A_61 : i32
    "tpu.region"() ({
      %run_scoped3A = tpu.sem_alloc : memref<!tpu.dma_semaphore, #tpu.memory_space<semaphore_mem>>
      %dma_start3A = arith.constant 0 : i32
      %dma_start3A_66 = tpu.memref_slice %arg10[%add3A_62, %dma_start3A] : memref<10240x128xf32, #tpu.memory_space<vmem_shared>> -> memref<128x128xf32, #tpu.memory_space<vmem_shared>>
      %dma_start3A_67 = arith.constant 0 : i32
      %dma_start3A_68 = tpu.memref_slice %arg10[%add3A_62, %dma_start3A_67] : memref<10240x128xf32, #tpu.memory_space<vmem_shared>> -> memref<128x128xf32, #tpu.memory_space<vmem_shared>>
      tpu.enqueue_dma source(%dma_start3A_68 : memref<128x128xf32, #tpu.memory_space<vmem_shared>>) target(%arg9 : memref<128x128xf32, #tpu.memory_space<vmem>>) target_semaphore(%run_scoped3A : memref<!tpu.dma_semaphore, #tpu.memory_space<semaphore_mem>>)
      %dma_wait3A = arith.constant 0 : i32
      %dma_wait3A_69 = tpu.memref_slice %arg10[%add3A_62, %dma_wait3A] : memref<10240x128xf32, #tpu.memory_space<vmem_shared>> -> memref<128x128xf32, #tpu.memory_space<vmem_shared>>
      %dma_wait3A_70 = arith.constant 0 : i32
      %dma_wait3A_71 = tpu.memref_slice %arg10[%add3A_62, %dma_wait3A_70] : memref<10240x128xf32, #tpu.memory_space<vmem_shared>> -> memref<128x128xf32, #tpu.memory_space<vmem_shared>>
      tpu.wait_dma2 semaphore(%run_scoped3A : memref<!tpu.dma_semaphore, #tpu.memory_space<semaphore_mem>>) src(%dma_wait3A_71 : memref<128x128xf32, #tpu.memory_space<vmem_shared>>) dst(%arg9 : memref<128x128xf32, #tpu.memory_space<vmem>>)
      tpu.yield
    }) : () -> ()
    %mul3A_63 = arith.constant 10240 : i32
    %mul3A_64 = arith.muli %arg0, %mul3A_63 : i32
    %add3A_65 = arith.addi %mul3A_64, %add3A_62 : i32
    "tpu.region"() ({
      %run_scoped3A = tpu.sem_alloc : memref<!tpu.dma_semaphore, #tpu.memory_space<semaphore_mem>>
      %dma_start3A = arith.constant 0 : i32
      %dma_start3A_66 = tpu.memref_slice %arg6[%add3A_65, %dma_start3A] : memref<20480x128xf32, #tpu.memory_space<hbm>> -> memref<128x128xf32, #tpu.memory_space<hbm>>
      %dma_start3A_67 = arith.constant 0 : i32
      %dma_start3A_68 = tpu.memref_slice %arg6[%add3A_65, %dma_start3A_67] : memref<20480x128xf32, #tpu.memory_space<hbm>> -> memref<128x128xf32, #tpu.memory_space<hbm>>
      tpu.enqueue_dma source(%arg9 : memref<128x128xf32, #tpu.memory_space<vmem>>) target(%dma_start3A_68 : memref<128x128xf32, #tpu.memory_space<hbm>>) target_semaphore(%run_scoped3A : memref<!tpu.dma_semaphore, #tpu.memory_space<semaphore_mem>>)
      %dma_wait3A = arith.constant 0 : i32
      %dma_wait3A_69 = tpu.memref_slice %arg6[%add3A_65, %dma_wait3A] : memref<20480x128xf32, #tpu.memory_space<hbm>> -> memref<128x128xf32, #tpu.memory_space<hbm>>
      %dma_wait3A_70 = arith.constant 0 : i32
      %dma_wait3A_71 = tpu.memref_slice %arg6[%add3A_65, %dma_wait3A_70] : memref<20480x128xf32, #tpu.memory_space<hbm>> -> memref<128x128xf32, #tpu.memory_space<hbm>>
      tpu.wait_dma2 semaphore(%run_scoped3A : memref<!tpu.dma_semaphore, #tpu.memory_space<semaphore_mem>>) src(%arg9 : memref<128x128xf32, #tpu.memory_space<vmem>>) dst(%dma_wait3A_71 : memref<128x128xf32, #tpu.memory_space<hbm>>)
      tpu.yield
    }) : () -> ()
    return
  }
}

#map = affine_map<(d0, d1) -> (0, 0)>
module attributes {stable_mosaic.version = 14 : i64} {
  func.func @_sc_seg_body(%arg0: i32, %arg1: i32, %arg2: memref<10000x128xf32, #tpu.memory_space<hbm>>, %arg3: memref<2560x128xi32, #tpu.memory_space<hbm>>, %arg4: memref<2560x128xi32, #tpu.memory_space<hbm>>, %arg5: memref<128x128xf32, #tpu.memory_space<hbm>>, %arg6: memref<20480x128xf32, #tpu.memory_space<hbm>>, %arg7: memref<80x128xi32, #tpu.memory_space<vmem>>, %arg8: memref<80x128xi32, #tpu.memory_space<vmem>>, %arg9: memref<128x128xf32, #tpu.memory_space<vmem>>, %arg10: memref<10240x128xf32, #tpu.memory_space<vmem_shared>>, %arg11: memref<!tpu.dma_semaphore, #tpu.memory_space<semaphore_mem>>) attributes {dimension_semantics = [#tpu.dimension_semantics<core_parallel>, #tpu.dimension_semantics<subcore_parallel>], iteration_bounds = array<i64: 2, 16>, scalar_prefetch = 0 : i64, scratch_operands = 5 : i64, tpu.core_type = #tpu.core_type<sc_vector_subcore>, window_params = [{transform_indices = #map}, {transform_indices = #map}, {transform_indices = #map}, {transform_indices = #map}, {transform_indices = #map}]} {
    %mul3A = arith.constant 16 : i32
    %mul3A_0 = arith.muli %arg0, %mul3A : i32
    %add3A = arith.addi %mul3A_0, %arg1 : i32
    "tpu.region"() ({
      %run_scoped3A = tpu.sem_alloc : memref<!tpu.dma_semaphore, #tpu.memory_space<semaphore_mem>>
      tpu.enqueue_dma source(%arg5 : memref<128x128xf32, #tpu.memory_space<hbm>>) target(%arg9 : memref<128x128xf32, #tpu.memory_space<vmem>>) target_semaphore(%run_scoped3A : memref<!tpu.dma_semaphore, #tpu.memory_space<semaphore_mem>>)
      tpu.wait_dma2 semaphore(%run_scoped3A : memref<!tpu.dma_semaphore, #tpu.memory_space<semaphore_mem>>) src(%arg5 : memref<128x128xf32, #tpu.memory_space<hbm>>) dst(%arg9 : memref<128x128xf32, #tpu.memory_space<vmem>>)
      tpu.yield
    }) : () -> ()
    %mul3A_1 = arith.constant 640 : i32
    %mul3A_2 = arith.muli %arg1, %mul3A_1 : i32
    %add3A_3 = arith.constant 0 : i32
    %add3A_4 = arith.addi %mul3A_2, %add3A_3 : i32
    "tpu.region"() ({
      %run_scoped3A = tpu.sem_alloc : memref<!tpu.dma_semaphore, #tpu.memory_space<semaphore_mem>>
      %dma_start3A = arith.constant 0 : i32
      %dma_start3A_66 = tpu.memref_slice %arg10[%add3A_4, %dma_start3A] : memref<10240x128xf32, #tpu.memory_space<vmem_shared>> -> memref<128x128xf32, #tpu.memory_space<vmem_shared>>
      %dma_start3A_67 = arith.constant 0 : i32
      %dma_start3A_68 = tpu.memref_slice %arg10[%add3A_4, %dma_start3A_67] : memref<10240x128xf32, #tpu.memory_space<vmem_shared>> -> memref<128x128xf32, #tpu.memory_space<vmem_shared>>
      tpu.enqueue_dma source(%arg9 : memref<128x128xf32, #tpu.memory_space<vmem>>) target(%dma_start3A_68 : memref<128x128xf32, #tpu.memory_space<vmem_shared>>) target_semaphore(%run_scoped3A : memref<!tpu.dma_semaphore, #tpu.memory_space<semaphore_mem>>)
      %dma_wait3A = arith.constant 0 : i32
      %dma_wait3A_69 = tpu.memref_slice %arg10[%add3A_4, %dma_wait3A] : memref<10240x128xf32, #tpu.memory_space<vmem_shared>> -> memref<128x128xf32, #tpu.memory_space<vmem_shared>>
      %dma_wait3A_70 = arith.constant 0 : i32
      %dma_wait3A_71 = tpu.memref_slice %arg10[%add3A_4, %dma_wait3A_70] : memref<10240x128xf32, #tpu.memory_space<vmem_shared>> -> memref<128x128xf32, #tpu.memory_space<vmem_shared>>
      tpu.wait_dma2 semaphore(%run_scoped3A : memref<!tpu.dma_semaphore, #tpu.memory_space<semaphore_mem>>) src(%arg9 : memref<128x128xf32, #tpu.memory_space<vmem>>) dst(%dma_wait3A_71 : memref<128x128xf32, #tpu.memory_space<vmem_shared>>)
      tpu.yield
    }) : () -> ()
    %mul3A_5 = arith.constant 640 : i32
    %mul3A_6 = arith.muli %arg1, %mul3A_5 : i32
    %add3A_7 = arith.constant 128 : i32
    %add3A_8 = arith.addi %mul3A_6, %add3A_7 : i32
    "tpu.region"() ({
      %run_scoped3A = tpu.sem_alloc : memref<!tpu.dma_semaphore, #tpu.memory_space<semaphore_mem>>
      %dma_start3A = arith.constant 0 : i32
      %dma_start3A_66 = tpu.memref_slice %arg10[%add3A_8, %dma_start3A] : memref<10240x128xf32, #tpu.memory_space<vmem_shared>> -> memref<128x128xf32, #tpu.memory_space<vmem_shared>>
      %dma_start3A_67 = arith.constant 0 : i32
      %dma_start3A_68 = tpu.memref_slice %arg10[%add3A_8, %dma_start3A_67] : memref<10240x128xf32, #tpu.memory_space<vmem_shared>> -> memref<128x128xf32, #tpu.memory_space<vmem_shared>>
      tpu.enqueue_dma source(%arg9 : memref<128x128xf32, #tpu.memory_space<vmem>>) target(%dma_start3A_68 : memref<128x128xf32, #tpu.memory_space<vmem_shared>>) target_semaphore(%run_scoped3A : memref<!tpu.dma_semaphore, #tpu.memory_space<semaphore_mem>>)
      %dma_wait3A = arith.constant 0 : i32
      %dma_wait3A_69 = tpu.memref_slice %arg10[%add3A_8, %dma_wait3A] : memref<10240x128xf32, #tpu.memory_space<vmem_shared>> -> memref<128x128xf32, #tpu.memory_space<vmem_shared>>
      %dma_wait3A_70 = arith.constant 0 : i32
      %dma_wait3A_71 = tpu.memref_slice %arg10[%add3A_8, %dma_wait3A_70] : memref<10240x128xf32, #tpu.memory_space<vmem_shared>> -> memref<128x128xf32, #tpu.memory_space<vmem_shared>>
      tpu.wait_dma2 semaphore(%run_scoped3A : memref<!tpu.dma_semaphore, #tpu.memory_space<semaphore_mem>>) src(%arg9 : memref<128x128xf32, #tpu.memory_space<vmem>>) dst(%dma_wait3A_71 : memref<128x128xf32, #tpu.memory_space<vmem_shared>>)
      tpu.yield
    }) : () -> ()
    %mul3A_9 = arith.constant 640 : i32
    %mul3A_10 = arith.muli %arg1, %mul3A_9 : i32
    %add3A_11 = arith.constant 256 : i32
    %add3A_12 = arith.addi %mul3A_10, %add3A_11 : i32
    "tpu.region"() ({
      %run_scoped3A = tpu.sem_alloc : memref<!tpu.dma_semaphore, #tpu.memory_space<semaphore_mem>>
      %dma_start3A = arith.constant 0 : i32
      %dma_start3A_66 = tpu.memref_slice %arg10[%add3A_12, %dma_start3A] : memref<10240x128xf32, #tpu.memory_space<vmem_shared>> -> memref<128x128xf32, #tpu.memory_space<vmem_shared>>
      %dma_start3A_67 = arith.constant 0 : i32
      %dma_start3A_68 = tpu.memref_slice %arg10[%add3A_12, %dma_start3A_67] : memref<10240x128xf32, #tpu.memory_space<vmem_shared>> -> memref<128x128xf32, #tpu.memory_space<vmem_shared>>
      tpu.enqueue_dma source(%arg9 : memref<128x128xf32, #tpu.memory_space<vmem>>) target(%dma_start3A_68 : memref<128x128xf32, #tpu.memory_space<vmem_shared>>) target_semaphore(%run_scoped3A : memref<!tpu.dma_semaphore, #tpu.memory_space<semaphore_mem>>)
      %dma_wait3A = arith.constant 0 : i32
      %dma_wait3A_69 = tpu.memref_slice %arg10[%add3A_12, %dma_wait3A] : memref<10240x128xf32, #tpu.memory_space<vmem_shared>> -> memref<128x128xf32, #tpu.memory_space<vmem_shared>>
      %dma_wait3A_70 = arith.constant 0 : i32
      %dma_wait3A_71 = tpu.memref_slice %arg10[%add3A_12, %dma_wait3A_70] : memref<10240x128xf32, #tpu.memory_space<vmem_shared>> -> memref<128x128xf32, #tpu.memory_space<vmem_shared>>
      tpu.wait_dma2 semaphore(%run_scoped3A : memref<!tpu.dma_semaphore, #tpu.memory_space<semaphore_mem>>) src(%arg9 : memref<128x128xf32, #tpu.memory_space<vmem>>) dst(%dma_wait3A_71 : memref<128x128xf32, #tpu.memory_space<vmem_shared>>)
      tpu.yield
    }) : () -> ()
    %mul3A_13 = arith.constant 640 : i32
    %mul3A_14 = arith.muli %arg1, %mul3A_13 : i32
    %add3A_15 = arith.constant 384 : i32
    %add3A_16 = arith.addi %mul3A_14, %add3A_15 : i32
    "tpu.region"() ({
      %run_scoped3A = tpu.sem_alloc : memref<!tpu.dma_semaphore, #tpu.memory_space<semaphore_mem>>
      %dma_start3A = arith.constant 0 : i32
      %dma_start3A_66 = tpu.memref_slice %arg10[%add3A_16, %dma_start3A] : memref<10240x128xf32, #tpu.memory_space<vmem_shared>> -> memref<128x128xf32, #tpu.memory_space<vmem_shared>>
      %dma_start3A_67 = arith.constant 0 : i32
      %dma_start3A_68 = tpu.memref_slice %arg10[%add3A_16, %dma_start3A_67] : memref<10240x128xf32, #tpu.memory_space<vmem_shared>> -> memref<128x128xf32, #tpu.memory_space<vmem_shared>>
      tpu.enqueue_dma source(%arg9 : memref<128x128xf32, #tpu.memory_space<vmem>>) target(%dma_start3A_68 : memref<128x128xf32, #tpu.memory_space<vmem_shared>>) target_semaphore(%run_scoped3A : memref<!tpu.dma_semaphore, #tpu.memory_space<semaphore_mem>>)
      %dma_wait3A = arith.constant 0 : i32
      %dma_wait3A_69 = tpu.memref_slice %arg10[%add3A_16, %dma_wait3A] : memref<10240x128xf32, #tpu.memory_space<vmem_shared>> -> memref<128x128xf32, #tpu.memory_space<vmem_shared>>
      %dma_wait3A_70 = arith.constant 0 : i32
      %dma_wait3A_71 = tpu.memref_slice %arg10[%add3A_16, %dma_wait3A_70] : memref<10240x128xf32, #tpu.memory_space<vmem_shared>> -> memref<128x128xf32, #tpu.memory_space<vmem_shared>>
      tpu.wait_dma2 semaphore(%run_scoped3A : memref<!tpu.dma_semaphore, #tpu.memory_space<semaphore_mem>>) src(%arg9 : memref<128x128xf32, #tpu.memory_space<vmem>>) dst(%dma_wait3A_71 : memref<128x128xf32, #tpu.memory_space<vmem_shared>>)
      tpu.yield
    }) : () -> ()
    %mul3A_17 = arith.constant 640 : i32
    %mul3A_18 = arith.muli %arg1, %mul3A_17 : i32
    %add3A_19 = arith.constant 512 : i32
    %add3A_20 = arith.addi %mul3A_18, %add3A_19 : i32
    "tpu.region"() ({
      %run_scoped3A = tpu.sem_alloc : memref<!tpu.dma_semaphore, #tpu.memory_space<semaphore_mem>>
      %dma_start3A = arith.constant 0 : i32
      %dma_start3A_66 = tpu.memref_slice %arg10[%add3A_20, %dma_start3A] : memref<10240x128xf32, #tpu.memory_space<vmem_shared>> -> memref<128x128xf32, #tpu.memory_space<vmem_shared>>
      %dma_start3A_67 = arith.constant 0 : i32
      %dma_start3A_68 = tpu.memref_slice %arg10[%add3A_20, %dma_start3A_67] : memref<10240x128xf32, #tpu.memory_space<vmem_shared>> -> memref<128x128xf32, #tpu.memory_space<vmem_shared>>
      tpu.enqueue_dma source(%arg9 : memref<128x128xf32, #tpu.memory_space<vmem>>) target(%dma_start3A_68 : memref<128x128xf32, #tpu.memory_space<vmem_shared>>) target_semaphore(%run_scoped3A : memref<!tpu.dma_semaphore, #tpu.memory_space<semaphore_mem>>)
      %dma_wait3A = arith.constant 0 : i32
      %dma_wait3A_69 = tpu.memref_slice %arg10[%add3A_20, %dma_wait3A] : memref<10240x128xf32, #tpu.memory_space<vmem_shared>> -> memref<128x128xf32, #tpu.memory_space<vmem_shared>>
      %dma_wait3A_70 = arith.constant 0 : i32
      %dma_wait3A_71 = tpu.memref_slice %arg10[%add3A_20, %dma_wait3A_70] : memref<10240x128xf32, #tpu.memory_space<vmem_shared>> -> memref<128x128xf32, #tpu.memory_space<vmem_shared>>
      tpu.wait_dma2 semaphore(%run_scoped3A : memref<!tpu.dma_semaphore, #tpu.memory_space<semaphore_mem>>) src(%arg9 : memref<128x128xf32, #tpu.memory_space<vmem>>) dst(%dma_wait3A_71 : memref<128x128xf32, #tpu.memory_space<vmem_shared>>)
      tpu.yield
    }) : () -> ()
    %mul3A_21 = arith.constant 80 : i32
    %mul3A_22 = arith.muli %add3A, %mul3A_21 : i32
    "tpu.region"() ({
      %run_scoped3A = tpu.sem_alloc : memref<!tpu.dma_semaphore, #tpu.memory_space<semaphore_mem>>
      %dma_start3A = arith.constant 0 : i32
      %dma_start3A_66 = tpu.memref_slice %arg3[%mul3A_22, %dma_start3A] : memref<2560x128xi32, #tpu.memory_space<hbm>> -> memref<80x128xi32, #tpu.memory_space<hbm>>
      %dma_start3A_67 = arith.constant 0 : i32
      %dma_start3A_68 = tpu.memref_slice %arg3[%mul3A_22, %dma_start3A_67] : memref<2560x128xi32, #tpu.memory_space<hbm>> -> memref<80x128xi32, #tpu.memory_space<hbm>>
      tpu.enqueue_dma source(%dma_start3A_68 : memref<80x128xi32, #tpu.memory_space<hbm>>) target(%arg7 : memref<80x128xi32, #tpu.memory_space<vmem>>) target_semaphore(%run_scoped3A : memref<!tpu.dma_semaphore, #tpu.memory_space<semaphore_mem>>)
      %dma_wait3A = arith.constant 0 : i32
      %dma_wait3A_69 = tpu.memref_slice %arg3[%mul3A_22, %dma_wait3A] : memref<2560x128xi32, #tpu.memory_space<hbm>> -> memref<80x128xi32, #tpu.memory_space<hbm>>
      %dma_wait3A_70 = arith.constant 0 : i32
      %dma_wait3A_71 = tpu.memref_slice %arg3[%mul3A_22, %dma_wait3A_70] : memref<2560x128xi32, #tpu.memory_space<hbm>> -> memref<80x128xi32, #tpu.memory_space<hbm>>
      tpu.wait_dma2 semaphore(%run_scoped3A : memref<!tpu.dma_semaphore, #tpu.memory_space<semaphore_mem>>) src(%dma_wait3A_71 : memref<80x128xi32, #tpu.memory_space<hbm>>) dst(%arg7 : memref<80x128xi32, #tpu.memory_space<vmem>>)
      tpu.yield
    }) : () -> ()
    %mul3A_23 = arith.constant 80 : i32
    %mul3A_24 = arith.muli %add3A, %mul3A_23 : i32
    "tpu.region"() ({
      %run_scoped3A = tpu.sem_alloc : memref<!tpu.dma_semaphore, #tpu.memory_space<semaphore_mem>>
      %dma_start3A = arith.constant 0 : i32
      %dma_start3A_66 = tpu.memref_slice %arg4[%mul3A_24, %dma_start3A] : memref<2560x128xi32, #tpu.memory_space<hbm>> -> memref<80x128xi32, #tpu.memory_space<hbm>>
      %dma_start3A_67 = arith.constant 0 : i32
      %dma_start3A_68 = tpu.memref_slice %arg4[%mul3A_24, %dma_start3A_67] : memref<2560x128xi32, #tpu.memory_space<hbm>> -> memref<80x128xi32, #tpu.memory_space<hbm>>
      tpu.enqueue_dma source(%dma_start3A_68 : memref<80x128xi32, #tpu.memory_space<hbm>>) target(%arg8 : memref<80x128xi32, #tpu.memory_space<vmem>>) target_semaphore(%run_scoped3A : memref<!tpu.dma_semaphore, #tpu.memory_space<semaphore_mem>>)
      %dma_wait3A = arith.constant 0 : i32
      %dma_wait3A_69 = tpu.memref_slice %arg4[%mul3A_24, %dma_wait3A] : memref<2560x128xi32, #tpu.memory_space<hbm>> -> memref<80x128xi32, #tpu.memory_space<hbm>>
      %dma_wait3A_70 = arith.constant 0 : i32
      %dma_wait3A_71 = tpu.memref_slice %arg4[%mul3A_24, %dma_wait3A_70] : memref<2560x128xi32, #tpu.memory_space<hbm>> -> memref<80x128xi32, #tpu.memory_space<hbm>>
      tpu.wait_dma2 semaphore(%run_scoped3A : memref<!tpu.dma_semaphore, #tpu.memory_space<semaphore_mem>>) src(%dma_wait3A_71 : memref<80x128xi32, #tpu.memory_space<hbm>>) dst(%arg8 : memref<80x128xi32, #tpu.memory_space<vmem>>)
      tpu.yield
    }) : () -> ()
    %barrier3A = arith.constant 0 : index
    tpu.barrier barrier_id(%barrier3A)
    %scan3A = arith.constant 0 : i32
    %scan3A_25 = arith.constant 0 : i32
    %scan3A_26 = arith.constant 80 : i32
    %scan3A_27 = arith.addi %scan3A_25, %scan3A_26 : i32
    %scan3A_28 = arith.constant 1 : i32
    scf.for %scan3A_66 = %scan3A_25 to %scan3A_27 step %scan3A_28  : i32 {
      %dma_start3A = arith.constant 0 : i32
      %dma_start3A_67 = tpu.memref_slice %arg7[%scan3A_66, %dma_start3A] : memref<80x128xi32, #tpu.memory_space<vmem>> -> memref<1x128xi32, #tpu.memory_space<vmem>>
      %dma_start3A_68 = tpu.memref_squeeze %dma_start3A_67 : memref<1x128xi32, #tpu.memory_space<vmem>> -> memref<128xi32, #tpu.memory_space<vmem>>
      %dma_start3A_69 = arith.constant 0 : i32
      %dma_start3A_70 = arith.constant 0 : i32
      %dma_start3A_71 = tpu.memref_slice %arg2[%dma_start3A_69, %dma_start3A_70] : memref<10000x128xf32, #tpu.memory_space<hbm>> -> memref<10000x128xf32, #tpu.memory_space<hbm>>
      tpu.enqueue_indirect_dma source(%dma_start3A_71 : memref<10000x128xf32, #tpu.memory_space<hbm>>) target(%arg9 : memref<128x128xf32, #tpu.memory_space<vmem>>) offsets(%dma_start3A_68 : memref<128xi32, #tpu.memory_space<vmem>>) semaphore(%arg11 : memref<!tpu.dma_semaphore, #tpu.memory_space<semaphore_mem>>)
      %dma_wait3A = arith.constant 0 : i32
      %dma_wait3A_72 = tpu.memref_slice %arg7[%scan3A_66, %dma_wait3A] : memref<80x128xi32, #tpu.memory_space<vmem>> -> memref<1x128xi32, #tpu.memory_space<vmem>>
      %dma_wait3A_73 = tpu.memref_squeeze %dma_wait3A_72 : memref<1x128xi32, #tpu.memory_space<vmem>> -> memref<128xi32, #tpu.memory_space<vmem>>
      %dma_wait3A_74 = arith.constant 0 : i32
      %dma_wait3A_75 = arith.constant 0 : i32
      %dma_wait3A_76 = tpu.memref_slice %arg2[%dma_wait3A_74, %dma_wait3A_75] : memref<10000x128xf32, #tpu.memory_space<hbm>> -> memref<10000x128xf32, #tpu.memory_space<hbm>>
      tpu.wait_indirect_dma semaphore(%arg11 : memref<!tpu.dma_semaphore, #tpu.memory_space<semaphore_mem>>) src(%dma_wait3A_76 : memref<10000x128xf32, #tpu.memory_space<hbm>>) dst(%arg9 : memref<128x128xf32, #tpu.memory_space<vmem>>)
      "tpu.region"() ({
        %run_scoped3A = tpu.sem_alloc : memref<!tpu.dma_semaphore, #tpu.memory_space<semaphore_mem>>
        %dma_start3A_77 = arith.constant 0 : i32
        %dma_start3A_78 = tpu.memref_slice %arg8[%scan3A_66, %dma_start3A_77] : memref<80x128xi32, #tpu.memory_space<vmem>> -> memref<1x128xi32, #tpu.memory_space<vmem>>
        %dma_start3A_79 = tpu.memref_squeeze %dma_start3A_78 : memref<1x128xi32, #tpu.memory_space<vmem>> -> memref<128xi32, #tpu.memory_space<vmem>>
        %dma_start3A_80 = arith.constant 0 : i32
        %dma_start3A_81 = arith.constant 0 : i32
        %dma_start3A_82 = tpu.memref_slice %arg10[%dma_start3A_80, %dma_start3A_81] : memref<10240x128xf32, #tpu.memory_space<vmem_shared>> -> memref<10240x128xf32, #tpu.memory_space<vmem_shared>>
        tpu.enqueue_indirect_dma source(%arg9 : memref<128x128xf32, #tpu.memory_space<vmem>>) target(%dma_start3A_82 : memref<10240x128xf32, #tpu.memory_space<vmem_shared>>) offsets(%dma_start3A_79 : memref<128xi32, #tpu.memory_space<vmem>>) semaphore(%run_scoped3A : memref<!tpu.dma_semaphore, #tpu.memory_space<semaphore_mem>>) {add = true}
        %dma_wait3A_83 = arith.constant 0 : i32
        %dma_wait3A_84 = tpu.memref_slice %arg8[%scan3A_66, %dma_wait3A_83] : memref<80x128xi32, #tpu.memory_space<vmem>> -> memref<1x128xi32, #tpu.memory_space<vmem>>
        %dma_wait3A_85 = tpu.memref_squeeze %dma_wait3A_84 : memref<1x128xi32, #tpu.memory_space<vmem>> -> memref<128xi32, #tpu.memory_space<vmem>>
        %dma_wait3A_86 = arith.constant 0 : i32
        %dma_wait3A_87 = arith.constant 0 : i32
        %dma_wait3A_88 = tpu.memref_slice %arg10[%dma_wait3A_86, %dma_wait3A_87] : memref<10240x128xf32, #tpu.memory_space<vmem_shared>> -> memref<10240x128xf32, #tpu.memory_space<vmem_shared>>
        tpu.wait_indirect_dma semaphore(%run_scoped3A : memref<!tpu.dma_semaphore, #tpu.memory_space<semaphore_mem>>) src(%arg9 : memref<128x128xf32, #tpu.memory_space<vmem>>) dst(%dma_wait3A_88 : memref<10240x128xf32, #tpu.memory_space<vmem_shared>>)
        tpu.yield
      }) : () -> ()
    }
    %scan3A_29 = arith.constant 80 : i32
    %barrier3A_30 = arith.constant 0 : index
    tpu.barrier barrier_id(%barrier3A_30)
    %mul3A_31 = arith.constant 640 : i32
    %mul3A_32 = arith.muli %arg1, %mul3A_31 : i32
    %add3A_33 = arith.constant 0 : i32
    %add3A_34 = arith.addi %mul3A_32, %add3A_33 : i32
    "tpu.region"() ({
      %run_scoped3A = tpu.sem_alloc : memref<!tpu.dma_semaphore, #tpu.memory_space<semaphore_mem>>
      %dma_start3A = arith.constant 0 : i32
      %dma_start3A_66 = tpu.memref_slice %arg10[%add3A_34, %dma_start3A] : memref<10240x128xf32, #tpu.memory_space<vmem_shared>> -> memref<128x128xf32, #tpu.memory_space<vmem_shared>>
      %dma_start3A_67 = arith.constant 0 : i32
      %dma_start3A_68 = tpu.memref_slice %arg10[%add3A_34, %dma_start3A_67] : memref<10240x128xf32, #tpu.memory_space<vmem_shared>> -> memref<128x128xf32, #tpu.memory_space<vmem_shared>>
      tpu.enqueue_dma source(%dma_start3A_68 : memref<128x128xf32, #tpu.memory_space<vmem_shared>>) target(%arg9 : memref<128x128xf32, #tpu.memory_space<vmem>>) target_semaphore(%run_scoped3A : memref<!tpu.dma_semaphore, #tpu.memory_space<semaphore_mem>>)
      %dma_wait3A = arith.constant 0 : i32
      %dma_wait3A_69 = tpu.memref_slice %arg10[%add3A_34, %dma_wait3A] : memref<10240x128xf32, #tpu.memory_space<vmem_shared>> -> memref<128x128xf32, #tpu.memory_space<vmem_shared>>
      %dma_wait3A_70 = arith.constant 0 : i32
      %dma_wait3A_71 = tpu.memref_slice %arg10[%add3A_34, %dma_wait3A_70] : memref<10240x128xf32, #tpu.memory_space<vmem_shared>> -> memref<128x128xf32, #tpu.memory_space<vmem_shared>>
      tpu.wait_dma2 semaphore(%run_scoped3A : memref<!tpu.dma_semaphore, #tpu.memory_space<semaphore_mem>>) src(%dma_wait3A_71 : memref<128x128xf32, #tpu.memory_space<vmem_shared>>) dst(%arg9 : memref<128x128xf32, #tpu.memory_space<vmem>>)
      tpu.yield
    }) : () -> ()
    %mul3A_35 = arith.constant 10240 : i32
    %mul3A_36 = arith.muli %arg0, %mul3A_35 : i32
    %add3A_37 = arith.addi %mul3A_36, %add3A_34 : i32
    "tpu.region"() ({
      %run_scoped3A = tpu.sem_alloc : memref<!tpu.dma_semaphore, #tpu.memory_space<semaphore_mem>>
      %dma_start3A = arith.constant 0 : i32
      %dma_start3A_66 = tpu.memref_slice %arg6[%add3A_37, %dma_start3A] : memref<20480x128xf32, #tpu.memory_space<hbm>> -> memref<128x128xf32, #tpu.memory_space<hbm>>
      %dma_start3A_67 = arith.constant 0 : i32
      %dma_start3A_68 = tpu.memref_slice %arg6[%add3A_37, %dma_start3A_67] : memref<20480x128xf32, #tpu.memory_space<hbm>> -> memref<128x128xf32, #tpu.memory_space<hbm>>
      tpu.enqueue_dma source(%arg9 : memref<128x128xf32, #tpu.memory_space<vmem>>) target(%dma_start3A_68 : memref<128x128xf32, #tpu.memory_space<hbm>>) target_semaphore(%run_scoped3A : memref<!tpu.dma_semaphore, #tpu.memory_space<semaphore_mem>>)
      %dma_wait3A = arith.constant 0 : i32
      %dma_wait3A_69 = tpu.memref_slice %arg6[%add3A_37, %dma_wait3A] : memref<20480x128xf32, #tpu.memory_space<hbm>> -> memref<128x128xf32, #tpu.memory_space<hbm>>
      %dma_wait3A_70 = arith.constant 0 : i32
      %dma_wait3A_71 = tpu.memref_slice %arg6[%add3A_37, %dma_wait3A_70] : memref<20480x128xf32, #tpu.memory_space<hbm>> -> memref<128x128xf32, #tpu.memory_space<hbm>>
      tpu.wait_dma2 semaphore(%run_scoped3A : memref<!tpu.dma_semaphore, #tpu.memory_space<semaphore_mem>>) src(%arg9 : memref<128x128xf32, #tpu.memory_space<vmem>>) dst(%dma_wait3A_71 : memref<128x128xf32, #tpu.memory_space<hbm>>)
      tpu.yield
    }) : () -> ()
    %mul3A_38 = arith.constant 640 : i32
    %mul3A_39 = arith.muli %arg1, %mul3A_38 : i32
    %add3A_40 = arith.constant 128 : i32
    %add3A_41 = arith.addi %mul3A_39, %add3A_40 : i32
    "tpu.region"() ({
      %run_scoped3A = tpu.sem_alloc : memref<!tpu.dma_semaphore, #tpu.memory_space<semaphore_mem>>
      %dma_start3A = arith.constant 0 : i32
      %dma_start3A_66 = tpu.memref_slice %arg10[%add3A_41, %dma_start3A] : memref<10240x128xf32, #tpu.memory_space<vmem_shared>> -> memref<128x128xf32, #tpu.memory_space<vmem_shared>>
      %dma_start3A_67 = arith.constant 0 : i32
      %dma_start3A_68 = tpu.memref_slice %arg10[%add3A_41, %dma_start3A_67] : memref<10240x128xf32, #tpu.memory_space<vmem_shared>> -> memref<128x128xf32, #tpu.memory_space<vmem_shared>>
      tpu.enqueue_dma source(%dma_start3A_68 : memref<128x128xf32, #tpu.memory_space<vmem_shared>>) target(%arg9 : memref<128x128xf32, #tpu.memory_space<vmem>>) target_semaphore(%run_scoped3A : memref<!tpu.dma_semaphore, #tpu.memory_space<semaphore_mem>>)
      %dma_wait3A = arith.constant 0 : i32
      %dma_wait3A_69 = tpu.memref_slice %arg10[%add3A_41, %dma_wait3A] : memref<10240x128xf32, #tpu.memory_space<vmem_shared>> -> memref<128x128xf32, #tpu.memory_space<vmem_shared>>
      %dma_wait3A_70 = arith.constant 0 : i32
      %dma_wait3A_71 = tpu.memref_slice %arg10[%add3A_41, %dma_wait3A_70] : memref<10240x128xf32, #tpu.memory_space<vmem_shared>> -> memref<128x128xf32, #tpu.memory_space<vmem_shared>>
      tpu.wait_dma2 semaphore(%run_scoped3A : memref<!tpu.dma_semaphore, #tpu.memory_space<semaphore_mem>>) src(%dma_wait3A_71 : memref<128x128xf32, #tpu.memory_space<vmem_shared>>) dst(%arg9 : memref<128x128xf32, #tpu.memory_space<vmem>>)
      tpu.yield
    }) : () -> ()
    %mul3A_42 = arith.constant 10240 : i32
    %mul3A_43 = arith.muli %arg0, %mul3A_42 : i32
    %add3A_44 = arith.addi %mul3A_43, %add3A_41 : i32
    "tpu.region"() ({
      %run_scoped3A = tpu.sem_alloc : memref<!tpu.dma_semaphore, #tpu.memory_space<semaphore_mem>>
      %dma_start3A = arith.constant 0 : i32
      %dma_start3A_66 = tpu.memref_slice %arg6[%add3A_44, %dma_start3A] : memref<20480x128xf32, #tpu.memory_space<hbm>> -> memref<128x128xf32, #tpu.memory_space<hbm>>
      %dma_start3A_67 = arith.constant 0 : i32
      %dma_start3A_68 = tpu.memref_slice %arg6[%add3A_44, %dma_start3A_67] : memref<20480x128xf32, #tpu.memory_space<hbm>> -> memref<128x128xf32, #tpu.memory_space<hbm>>
      tpu.enqueue_dma source(%arg9 : memref<128x128xf32, #tpu.memory_space<vmem>>) target(%dma_start3A_68 : memref<128x128xf32, #tpu.memory_space<hbm>>) target_semaphore(%run_scoped3A : memref<!tpu.dma_semaphore, #tpu.memory_space<semaphore_mem>>)
      %dma_wait3A = arith.constant 0 : i32
      %dma_wait3A_69 = tpu.memref_slice %arg6[%add3A_44, %dma_wait3A] : memref<20480x128xf32, #tpu.memory_space<hbm>> -> memref<128x128xf32, #tpu.memory_space<hbm>>
      %dma_wait3A_70 = arith.constant 0 : i32
      %dma_wait3A_71 = tpu.memref_slice %arg6[%add3A_44, %dma_wait3A_70] : memref<20480x128xf32, #tpu.memory_space<hbm>> -> memref<128x128xf32, #tpu.memory_space<hbm>>
      tpu.wait_dma2 semaphore(%run_scoped3A : memref<!tpu.dma_semaphore, #tpu.memory_space<semaphore_mem>>) src(%arg9 : memref<128x128xf32, #tpu.memory_space<vmem>>) dst(%dma_wait3A_71 : memref<128x128xf32, #tpu.memory_space<hbm>>)
      tpu.yield
    }) : () -> ()
    %mul3A_45 = arith.constant 640 : i32
    %mul3A_46 = arith.muli %arg1, %mul3A_45 : i32
    %add3A_47 = arith.constant 256 : i32
    %add3A_48 = arith.addi %mul3A_46, %add3A_47 : i32
    "tpu.region"() ({
      %run_scoped3A = tpu.sem_alloc : memref<!tpu.dma_semaphore, #tpu.memory_space<semaphore_mem>>
      %dma_start3A = arith.constant 0 : i32
      %dma_start3A_66 = tpu.memref_slice %arg10[%add3A_48, %dma_start3A] : memref<10240x128xf32, #tpu.memory_space<vmem_shared>> -> memref<128x128xf32, #tpu.memory_space<vmem_shared>>
      %dma_start3A_67 = arith.constant 0 : i32
      %dma_start3A_68 = tpu.memref_slice %arg10[%add3A_48, %dma_start3A_67] : memref<10240x128xf32, #tpu.memory_space<vmem_shared>> -> memref<128x128xf32, #tpu.memory_space<vmem_shared>>
      tpu.enqueue_dma source(%dma_start3A_68 : memref<128x128xf32, #tpu.memory_space<vmem_shared>>) target(%arg9 : memref<128x128xf32, #tpu.memory_space<vmem>>) target_semaphore(%run_scoped3A : memref<!tpu.dma_semaphore, #tpu.memory_space<semaphore_mem>>)
      %dma_wait3A = arith.constant 0 : i32
      %dma_wait3A_69 = tpu.memref_slice %arg10[%add3A_48, %dma_wait3A] : memref<10240x128xf32, #tpu.memory_space<vmem_shared>> -> memref<128x128xf32, #tpu.memory_space<vmem_shared>>
      %dma_wait3A_70 = arith.constant 0 : i32
      %dma_wait3A_71 = tpu.memref_slice %arg10[%add3A_48, %dma_wait3A_70] : memref<10240x128xf32, #tpu.memory_space<vmem_shared>> -> memref<128x128xf32, #tpu.memory_space<vmem_shared>>
      tpu.wait_dma2 semaphore(%run_scoped3A : memref<!tpu.dma_semaphore, #tpu.memory_space<semaphore_mem>>) src(%dma_wait3A_71 : memref<128x128xf32, #tpu.memory_space<vmem_shared>>) dst(%arg9 : memref<128x128xf32, #tpu.memory_space<vmem>>)
      tpu.yield
    }) : () -> ()
    %mul3A_49 = arith.constant 10240 : i32
    %mul3A_50 = arith.muli %arg0, %mul3A_49 : i32
    %add3A_51 = arith.addi %mul3A_50, %add3A_48 : i32
    "tpu.region"() ({
      %run_scoped3A = tpu.sem_alloc : memref<!tpu.dma_semaphore, #tpu.memory_space<semaphore_mem>>
      %dma_start3A = arith.constant 0 : i32
      %dma_start3A_66 = tpu.memref_slice %arg6[%add3A_51, %dma_start3A] : memref<20480x128xf32, #tpu.memory_space<hbm>> -> memref<128x128xf32, #tpu.memory_space<hbm>>
      %dma_start3A_67 = arith.constant 0 : i32
      %dma_start3A_68 = tpu.memref_slice %arg6[%add3A_51, %dma_start3A_67] : memref<20480x128xf32, #tpu.memory_space<hbm>> -> memref<128x128xf32, #tpu.memory_space<hbm>>
      tpu.enqueue_dma source(%arg9 : memref<128x128xf32, #tpu.memory_space<vmem>>) target(%dma_start3A_68 : memref<128x128xf32, #tpu.memory_space<hbm>>) target_semaphore(%run_scoped3A : memref<!tpu.dma_semaphore, #tpu.memory_space<semaphore_mem>>)
      %dma_wait3A = arith.constant 0 : i32
      %dma_wait3A_69 = tpu.memref_slice %arg6[%add3A_51, %dma_wait3A] : memref<20480x128xf32, #tpu.memory_space<hbm>> -> memref<128x128xf32, #tpu.memory_space<hbm>>
      %dma_wait3A_70 = arith.constant 0 : i32
      %dma_wait3A_71 = tpu.memref_slice %arg6[%add3A_51, %dma_wait3A_70] : memref<20480x128xf32, #tpu.memory_space<hbm>> -> memref<128x128xf32, #tpu.memory_space<hbm>>
      tpu.wait_dma2 semaphore(%run_scoped3A : memref<!tpu.dma_semaphore, #tpu.memory_space<semaphore_mem>>) src(%arg9 : memref<128x128xf32, #tpu.memory_space<vmem>>) dst(%dma_wait3A_71 : memref<128x128xf32, #tpu.memory_space<hbm>>)
      tpu.yield
    }) : () -> ()
    %mul3A_52 = arith.constant 640 : i32
    %mul3A_53 = arith.muli %arg1, %mul3A_52 : i32
    %add3A_54 = arith.constant 384 : i32
    %add3A_55 = arith.addi %mul3A_53, %add3A_54 : i32
    "tpu.region"() ({
      %run_scoped3A = tpu.sem_alloc : memref<!tpu.dma_semaphore, #tpu.memory_space<semaphore_mem>>
      %dma_start3A = arith.constant 0 : i32
      %dma_start3A_66 = tpu.memref_slice %arg10[%add3A_55, %dma_start3A] : memref<10240x128xf32, #tpu.memory_space<vmem_shared>> -> memref<128x128xf32, #tpu.memory_space<vmem_shared>>
      %dma_start3A_67 = arith.constant 0 : i32
      %dma_start3A_68 = tpu.memref_slice %arg10[%add3A_55, %dma_start3A_67] : memref<10240x128xf32, #tpu.memory_space<vmem_shared>> -> memref<128x128xf32, #tpu.memory_space<vmem_shared>>
      tpu.enqueue_dma source(%dma_start3A_68 : memref<128x128xf32, #tpu.memory_space<vmem_shared>>) target(%arg9 : memref<128x128xf32, #tpu.memory_space<vmem>>) target_semaphore(%run_scoped3A : memref<!tpu.dma_semaphore, #tpu.memory_space<semaphore_mem>>)
      %dma_wait3A = arith.constant 0 : i32
      %dma_wait3A_69 = tpu.memref_slice %arg10[%add3A_55, %dma_wait3A] : memref<10240x128xf32, #tpu.memory_space<vmem_shared>> -> memref<128x128xf32, #tpu.memory_space<vmem_shared>>
      %dma_wait3A_70 = arith.constant 0 : i32
      %dma_wait3A_71 = tpu.memref_slice %arg10[%add3A_55, %dma_wait3A_70] : memref<10240x128xf32, #tpu.memory_space<vmem_shared>> -> memref<128x128xf32, #tpu.memory_space<vmem_shared>>
      tpu.wait_dma2 semaphore(%run_scoped3A : memref<!tpu.dma_semaphore, #tpu.memory_space<semaphore_mem>>) src(%dma_wait3A_71 : memref<128x128xf32, #tpu.memory_space<vmem_shared>>) dst(%arg9 : memref<128x128xf32, #tpu.memory_space<vmem>>)
      tpu.yield
    }) : () -> ()
    %mul3A_56 = arith.constant 10240 : i32
    %mul3A_57 = arith.muli %arg0, %mul3A_56 : i32
    %add3A_58 = arith.addi %mul3A_57, %add3A_55 : i32
    "tpu.region"() ({
      %run_scoped3A = tpu.sem_alloc : memref<!tpu.dma_semaphore, #tpu.memory_space<semaphore_mem>>
      %dma_start3A = arith.constant 0 : i32
      %dma_start3A_66 = tpu.memref_slice %arg6[%add3A_58, %dma_start3A] : memref<20480x128xf32, #tpu.memory_space<hbm>> -> memref<128x128xf32, #tpu.memory_space<hbm>>
      %dma_start3A_67 = arith.constant 0 : i32
      %dma_start3A_68 = tpu.memref_slice %arg6[%add3A_58, %dma_start3A_67] : memref<20480x128xf32, #tpu.memory_space<hbm>> -> memref<128x128xf32, #tpu.memory_space<hbm>>
      tpu.enqueue_dma source(%arg9 : memref<128x128xf32, #tpu.memory_space<vmem>>) target(%dma_start3A_68 : memref<128x128xf32, #tpu.memory_space<hbm>>) target_semaphore(%run_scoped3A : memref<!tpu.dma_semaphore, #tpu.memory_space<semaphore_mem>>)
      %dma_wait3A = arith.constant 0 : i32
      %dma_wait3A_69 = tpu.memref_slice %arg6[%add3A_58, %dma_wait3A] : memref<20480x128xf32, #tpu.memory_space<hbm>> -> memref<128x128xf32, #tpu.memory_space<hbm>>
      %dma_wait3A_70 = arith.constant 0 : i32
      %dma_wait3A_71 = tpu.memref_slice %arg6[%add3A_58, %dma_wait3A_70] : memref<20480x128xf32, #tpu.memory_space<hbm>> -> memref<128x128xf32, #tpu.memory_space<hbm>>
      tpu.wait_dma2 semaphore(%run_scoped3A : memref<!tpu.dma_semaphore, #tpu.memory_space<semaphore_mem>>) src(%arg9 : memref<128x128xf32, #tpu.memory_space<vmem>>) dst(%dma_wait3A_71 : memref<128x128xf32, #tpu.memory_space<hbm>>)
      tpu.yield
    }) : () -> ()
    %mul3A_59 = arith.constant 640 : i32
    %mul3A_60 = arith.muli %arg1, %mul3A_59 : i32
    %add3A_61 = arith.constant 512 : i32
    %add3A_62 = arith.addi %mul3A_60, %add3A_61 : i32
    "tpu.region"() ({
      %run_scoped3A = tpu.sem_alloc : memref<!tpu.dma_semaphore, #tpu.memory_space<semaphore_mem>>
      %dma_start3A = arith.constant 0 : i32
      %dma_start3A_66 = tpu.memref_slice %arg10[%add3A_62, %dma_start3A] : memref<10240x128xf32, #tpu.memory_space<vmem_shared>> -> memref<128x128xf32, #tpu.memory_space<vmem_shared>>
      %dma_start3A_67 = arith.constant 0 : i32
      %dma_start3A_68 = tpu.memref_slice %arg10[%add3A_62, %dma_start3A_67] : memref<10240x128xf32, #tpu.memory_space<vmem_shared>> -> memref<128x128xf32, #tpu.memory_space<vmem_shared>>
      tpu.enqueue_dma source(%dma_start3A_68 : memref<128x128xf32, #tpu.memory_space<vmem_shared>>) target(%arg9 : memref<128x128xf32, #tpu.memory_space<vmem>>) target_semaphore(%run_scoped3A : memref<!tpu.dma_semaphore, #tpu.memory_space<semaphore_mem>>)
      %dma_wait3A = arith.constant 0 : i32
      %dma_wait3A_69 = tpu.memref_slice %arg10[%add3A_62, %dma_wait3A] : memref<10240x128xf32, #tpu.memory_space<vmem_shared>> -> memref<128x128xf32, #tpu.memory_space<vmem_shared>>
      %dma_wait3A_70 = arith.constant 0 : i32
      %dma_wait3A_71 = tpu.memref_slice %arg10[%add3A_62, %dma_wait3A_70] : memref<10240x128xf32, #tpu.memory_space<vmem_shared>> -> memref<128x128xf32, #tpu.memory_space<vmem_shared>>
      tpu.wait_dma2 semaphore(%run_scoped3A : memref<!tpu.dma_semaphore, #tpu.memory_space<semaphore_mem>>) src(%dma_wait3A_71 : memref<128x128xf32, #tpu.memory_space<vmem_shared>>) dst(%arg9 : memref<128x128xf32, #tpu.memory_space<vmem>>)
      tpu.yield
    }) : () -> ()
    %mul3A_63 = arith.constant 10240 : i32
    %mul3A_64 = arith.muli %arg0, %mul3A_63 : i32
    %add3A_65 = arith.addi %mul3A_64, %add3A_62 : i32
    "tpu.region"() ({
      %run_scoped3A = tpu.sem_alloc : memref<!tpu.dma_semaphore, #tpu.memory_space<semaphore_mem>>
      %dma_start3A = arith.constant 0 : i32
      %dma_start3A_66 = tpu.memref_slice %arg6[%add3A_65, %dma_start3A] : memref<20480x128xf32, #tpu.memory_space<hbm>> -> memref<128x128xf32, #tpu.memory_space<hbm>>
      %dma_start3A_67 = arith.constant 0 : i32
      %dma_start3A_68 = tpu.memref_slice %arg6[%add3A_65, %dma_start3A_67] : memref<20480x128xf32, #tpu.memory_space<hbm>> -> memref<128x128xf32, #tpu.memory_space<hbm>>
      tpu.enqueue_dma source(%arg9 : memref<128x128xf32, #tpu.memory_space<vmem>>) target(%dma_start3A_68 : memref<128x128xf32, #tpu.memory_space<hbm>>) target_semaphore(%run_scoped3A : memref<!tpu.dma_semaphore, #tpu.memory_space<semaphore_mem>>)
      %dma_wait3A = arith.constant 0 : i32
      %dma_wait3A_69 = tpu.memref_slice %arg6[%add3A_65, %dma_wait3A] : memref<20480x128xf32, #tpu.memory_space<hbm>> -> memref<128x128xf32, #tpu.memory_space<hbm>>
      %dma_wait3A_70 = arith.constant 0 : i32
      %dma_wait3A_71 = tpu.memref_slice %arg6[%add3A_65, %dma_wait3A_70] : memref<20480x128xf32, #tpu.memory_space<hbm>> -> memref<128x128xf32, #tpu.memory_space<hbm>>
      tpu.wait_dma2 semaphore(%run_scoped3A : memref<!tpu.dma_semaphore, #tpu.memory_space<semaphore_mem>>) src(%arg9 : memref<128x128xf32, #tpu.memory_space<vmem>>) dst(%dma_wait3A_71 : memref<128x128xf32, #tpu.memory_space<hbm>>)
      tpu.yield
    }) : () -> ()
    return
  }
}

#map = affine_map<(d0, d1) -> (0, 0)>
module attributes {stable_mosaic.version = 14 : i64} {
  func.func @_sc_seg_body(%arg0: i32, %arg1: i32, %arg2: memref<327680x128xf32, #tpu.memory_space<hbm>>, %arg3: memref<2560x128xi32, #tpu.memory_space<hbm>>, %arg4: memref<2560x128xi32, #tpu.memory_space<hbm>>, %arg5: memref<128x128xf32, #tpu.memory_space<hbm>>, %arg6: memref<20480x128xf32, #tpu.memory_space<hbm>>, %arg7: memref<80x128xi32, #tpu.memory_space<vmem>>, %arg8: memref<80x128xi32, #tpu.memory_space<vmem>>, %arg9: memref<128x128xf32, #tpu.memory_space<vmem>>, %arg10: memref<10240x128xf32, #tpu.memory_space<vmem_shared>>, %arg11: memref<!tpu.dma_semaphore, #tpu.memory_space<semaphore_mem>>) attributes {dimension_semantics = [#tpu.dimension_semantics<core_parallel>, #tpu.dimension_semantics<subcore_parallel>], iteration_bounds = array<i64: 2, 16>, scalar_prefetch = 0 : i64, scratch_operands = 5 : i64, tpu.core_type = #tpu.core_type<sc_vector_subcore>, window_params = [{transform_indices = #map}, {transform_indices = #map}, {transform_indices = #map}, {transform_indices = #map}, {transform_indices = #map}]} {
    %mul3A = arith.constant 16 : i32
    %mul3A_0 = arith.muli %arg0, %mul3A : i32
    %add3A = arith.addi %mul3A_0, %arg1 : i32
    "tpu.region"() ({
      %run_scoped3A = tpu.sem_alloc : memref<!tpu.dma_semaphore, #tpu.memory_space<semaphore_mem>>
      tpu.enqueue_dma source(%arg5 : memref<128x128xf32, #tpu.memory_space<hbm>>) target(%arg9 : memref<128x128xf32, #tpu.memory_space<vmem>>) target_semaphore(%run_scoped3A : memref<!tpu.dma_semaphore, #tpu.memory_space<semaphore_mem>>)
      tpu.wait_dma2 semaphore(%run_scoped3A : memref<!tpu.dma_semaphore, #tpu.memory_space<semaphore_mem>>) src(%arg5 : memref<128x128xf32, #tpu.memory_space<hbm>>) dst(%arg9 : memref<128x128xf32, #tpu.memory_space<vmem>>)
      tpu.yield
    }) : () -> ()
    %mul3A_1 = arith.constant 640 : i32
    %mul3A_2 = arith.muli %arg1, %mul3A_1 : i32
    %add3A_3 = arith.constant 0 : i32
    %add3A_4 = arith.addi %mul3A_2, %add3A_3 : i32
    "tpu.region"() ({
      %run_scoped3A = tpu.sem_alloc : memref<!tpu.dma_semaphore, #tpu.memory_space<semaphore_mem>>
      %dma_start3A = arith.constant 0 : i32
      %dma_start3A_66 = tpu.memref_slice %arg10[%add3A_4, %dma_start3A] : memref<10240x128xf32, #tpu.memory_space<vmem_shared>> -> memref<128x128xf32, #tpu.memory_space<vmem_shared>>
      %dma_start3A_67 = arith.constant 0 : i32
      %dma_start3A_68 = tpu.memref_slice %arg10[%add3A_4, %dma_start3A_67] : memref<10240x128xf32, #tpu.memory_space<vmem_shared>> -> memref<128x128xf32, #tpu.memory_space<vmem_shared>>
      tpu.enqueue_dma source(%arg9 : memref<128x128xf32, #tpu.memory_space<vmem>>) target(%dma_start3A_68 : memref<128x128xf32, #tpu.memory_space<vmem_shared>>) target_semaphore(%run_scoped3A : memref<!tpu.dma_semaphore, #tpu.memory_space<semaphore_mem>>)
      %dma_wait3A = arith.constant 0 : i32
      %dma_wait3A_69 = tpu.memref_slice %arg10[%add3A_4, %dma_wait3A] : memref<10240x128xf32, #tpu.memory_space<vmem_shared>> -> memref<128x128xf32, #tpu.memory_space<vmem_shared>>
      %dma_wait3A_70 = arith.constant 0 : i32
      %dma_wait3A_71 = tpu.memref_slice %arg10[%add3A_4, %dma_wait3A_70] : memref<10240x128xf32, #tpu.memory_space<vmem_shared>> -> memref<128x128xf32, #tpu.memory_space<vmem_shared>>
      tpu.wait_dma2 semaphore(%run_scoped3A : memref<!tpu.dma_semaphore, #tpu.memory_space<semaphore_mem>>) src(%arg9 : memref<128x128xf32, #tpu.memory_space<vmem>>) dst(%dma_wait3A_71 : memref<128x128xf32, #tpu.memory_space<vmem_shared>>)
      tpu.yield
    }) : () -> ()
    %mul3A_5 = arith.constant 640 : i32
    %mul3A_6 = arith.muli %arg1, %mul3A_5 : i32
    %add3A_7 = arith.constant 128 : i32
    %add3A_8 = arith.addi %mul3A_6, %add3A_7 : i32
    "tpu.region"() ({
      %run_scoped3A = tpu.sem_alloc : memref<!tpu.dma_semaphore, #tpu.memory_space<semaphore_mem>>
      %dma_start3A = arith.constant 0 : i32
      %dma_start3A_66 = tpu.memref_slice %arg10[%add3A_8, %dma_start3A] : memref<10240x128xf32, #tpu.memory_space<vmem_shared>> -> memref<128x128xf32, #tpu.memory_space<vmem_shared>>
      %dma_start3A_67 = arith.constant 0 : i32
      %dma_start3A_68 = tpu.memref_slice %arg10[%add3A_8, %dma_start3A_67] : memref<10240x128xf32, #tpu.memory_space<vmem_shared>> -> memref<128x128xf32, #tpu.memory_space<vmem_shared>>
      tpu.enqueue_dma source(%arg9 : memref<128x128xf32, #tpu.memory_space<vmem>>) target(%dma_start3A_68 : memref<128x128xf32, #tpu.memory_space<vmem_shared>>) target_semaphore(%run_scoped3A : memref<!tpu.dma_semaphore, #tpu.memory_space<semaphore_mem>>)
      %dma_wait3A = arith.constant 0 : i32
      %dma_wait3A_69 = tpu.memref_slice %arg10[%add3A_8, %dma_wait3A] : memref<10240x128xf32, #tpu.memory_space<vmem_shared>> -> memref<128x128xf32, #tpu.memory_space<vmem_shared>>
      %dma_wait3A_70 = arith.constant 0 : i32
      %dma_wait3A_71 = tpu.memref_slice %arg10[%add3A_8, %dma_wait3A_70] : memref<10240x128xf32, #tpu.memory_space<vmem_shared>> -> memref<128x128xf32, #tpu.memory_space<vmem_shared>>
      tpu.wait_dma2 semaphore(%run_scoped3A : memref<!tpu.dma_semaphore, #tpu.memory_space<semaphore_mem>>) src(%arg9 : memref<128x128xf32, #tpu.memory_space<vmem>>) dst(%dma_wait3A_71 : memref<128x128xf32, #tpu.memory_space<vmem_shared>>)
      tpu.yield
    }) : () -> ()
    %mul3A_9 = arith.constant 640 : i32
    %mul3A_10 = arith.muli %arg1, %mul3A_9 : i32
    %add3A_11 = arith.constant 256 : i32
    %add3A_12 = arith.addi %mul3A_10, %add3A_11 : i32
    "tpu.region"() ({
      %run_scoped3A = tpu.sem_alloc : memref<!tpu.dma_semaphore, #tpu.memory_space<semaphore_mem>>
      %dma_start3A = arith.constant 0 : i32
      %dma_start3A_66 = tpu.memref_slice %arg10[%add3A_12, %dma_start3A] : memref<10240x128xf32, #tpu.memory_space<vmem_shared>> -> memref<128x128xf32, #tpu.memory_space<vmem_shared>>
      %dma_start3A_67 = arith.constant 0 : i32
      %dma_start3A_68 = tpu.memref_slice %arg10[%add3A_12, %dma_start3A_67] : memref<10240x128xf32, #tpu.memory_space<vmem_shared>> -> memref<128x128xf32, #tpu.memory_space<vmem_shared>>
      tpu.enqueue_dma source(%arg9 : memref<128x128xf32, #tpu.memory_space<vmem>>) target(%dma_start3A_68 : memref<128x128xf32, #tpu.memory_space<vmem_shared>>) target_semaphore(%run_scoped3A : memref<!tpu.dma_semaphore, #tpu.memory_space<semaphore_mem>>)
      %dma_wait3A = arith.constant 0 : i32
      %dma_wait3A_69 = tpu.memref_slice %arg10[%add3A_12, %dma_wait3A] : memref<10240x128xf32, #tpu.memory_space<vmem_shared>> -> memref<128x128xf32, #tpu.memory_space<vmem_shared>>
      %dma_wait3A_70 = arith.constant 0 : i32
      %dma_wait3A_71 = tpu.memref_slice %arg10[%add3A_12, %dma_wait3A_70] : memref<10240x128xf32, #tpu.memory_space<vmem_shared>> -> memref<128x128xf32, #tpu.memory_space<vmem_shared>>
      tpu.wait_dma2 semaphore(%run_scoped3A : memref<!tpu.dma_semaphore, #tpu.memory_space<semaphore_mem>>) src(%arg9 : memref<128x128xf32, #tpu.memory_space<vmem>>) dst(%dma_wait3A_71 : memref<128x128xf32, #tpu.memory_space<vmem_shared>>)
      tpu.yield
    }) : () -> ()
    %mul3A_13 = arith.constant 640 : i32
    %mul3A_14 = arith.muli %arg1, %mul3A_13 : i32
    %add3A_15 = arith.constant 384 : i32
    %add3A_16 = arith.addi %mul3A_14, %add3A_15 : i32
    "tpu.region"() ({
      %run_scoped3A = tpu.sem_alloc : memref<!tpu.dma_semaphore, #tpu.memory_space<semaphore_mem>>
      %dma_start3A = arith.constant 0 : i32
      %dma_start3A_66 = tpu.memref_slice %arg10[%add3A_16, %dma_start3A] : memref<10240x128xf32, #tpu.memory_space<vmem_shared>> -> memref<128x128xf32, #tpu.memory_space<vmem_shared>>
      %dma_start3A_67 = arith.constant 0 : i32
      %dma_start3A_68 = tpu.memref_slice %arg10[%add3A_16, %dma_start3A_67] : memref<10240x128xf32, #tpu.memory_space<vmem_shared>> -> memref<128x128xf32, #tpu.memory_space<vmem_shared>>
      tpu.enqueue_dma source(%arg9 : memref<128x128xf32, #tpu.memory_space<vmem>>) target(%dma_start3A_68 : memref<128x128xf32, #tpu.memory_space<vmem_shared>>) target_semaphore(%run_scoped3A : memref<!tpu.dma_semaphore, #tpu.memory_space<semaphore_mem>>)
      %dma_wait3A = arith.constant 0 : i32
      %dma_wait3A_69 = tpu.memref_slice %arg10[%add3A_16, %dma_wait3A] : memref<10240x128xf32, #tpu.memory_space<vmem_shared>> -> memref<128x128xf32, #tpu.memory_space<vmem_shared>>
      %dma_wait3A_70 = arith.constant 0 : i32
      %dma_wait3A_71 = tpu.memref_slice %arg10[%add3A_16, %dma_wait3A_70] : memref<10240x128xf32, #tpu.memory_space<vmem_shared>> -> memref<128x128xf32, #tpu.memory_space<vmem_shared>>
      tpu.wait_dma2 semaphore(%run_scoped3A : memref<!tpu.dma_semaphore, #tpu.memory_space<semaphore_mem>>) src(%arg9 : memref<128x128xf32, #tpu.memory_space<vmem>>) dst(%dma_wait3A_71 : memref<128x128xf32, #tpu.memory_space<vmem_shared>>)
      tpu.yield
    }) : () -> ()
    %mul3A_17 = arith.constant 640 : i32
    %mul3A_18 = arith.muli %arg1, %mul3A_17 : i32
    %add3A_19 = arith.constant 512 : i32
    %add3A_20 = arith.addi %mul3A_18, %add3A_19 : i32
    "tpu.region"() ({
      %run_scoped3A = tpu.sem_alloc : memref<!tpu.dma_semaphore, #tpu.memory_space<semaphore_mem>>
      %dma_start3A = arith.constant 0 : i32
      %dma_start3A_66 = tpu.memref_slice %arg10[%add3A_20, %dma_start3A] : memref<10240x128xf32, #tpu.memory_space<vmem_shared>> -> memref<128x128xf32, #tpu.memory_space<vmem_shared>>
      %dma_start3A_67 = arith.constant 0 : i32
      %dma_start3A_68 = tpu.memref_slice %arg10[%add3A_20, %dma_start3A_67] : memref<10240x128xf32, #tpu.memory_space<vmem_shared>> -> memref<128x128xf32, #tpu.memory_space<vmem_shared>>
      tpu.enqueue_dma source(%arg9 : memref<128x128xf32, #tpu.memory_space<vmem>>) target(%dma_start3A_68 : memref<128x128xf32, #tpu.memory_space<vmem_shared>>) target_semaphore(%run_scoped3A : memref<!tpu.dma_semaphore, #tpu.memory_space<semaphore_mem>>)
      %dma_wait3A = arith.constant 0 : i32
      %dma_wait3A_69 = tpu.memref_slice %arg10[%add3A_20, %dma_wait3A] : memref<10240x128xf32, #tpu.memory_space<vmem_shared>> -> memref<128x128xf32, #tpu.memory_space<vmem_shared>>
      %dma_wait3A_70 = arith.constant 0 : i32
      %dma_wait3A_71 = tpu.memref_slice %arg10[%add3A_20, %dma_wait3A_70] : memref<10240x128xf32, #tpu.memory_space<vmem_shared>> -> memref<128x128xf32, #tpu.memory_space<vmem_shared>>
      tpu.wait_dma2 semaphore(%run_scoped3A : memref<!tpu.dma_semaphore, #tpu.memory_space<semaphore_mem>>) src(%arg9 : memref<128x128xf32, #tpu.memory_space<vmem>>) dst(%dma_wait3A_71 : memref<128x128xf32, #tpu.memory_space<vmem_shared>>)
      tpu.yield
    }) : () -> ()
    %mul3A_21 = arith.constant 80 : i32
    %mul3A_22 = arith.muli %add3A, %mul3A_21 : i32
    "tpu.region"() ({
      %run_scoped3A = tpu.sem_alloc : memref<!tpu.dma_semaphore, #tpu.memory_space<semaphore_mem>>
      %dma_start3A = arith.constant 0 : i32
      %dma_start3A_66 = tpu.memref_slice %arg3[%mul3A_22, %dma_start3A] : memref<2560x128xi32, #tpu.memory_space<hbm>> -> memref<80x128xi32, #tpu.memory_space<hbm>>
      %dma_start3A_67 = arith.constant 0 : i32
      %dma_start3A_68 = tpu.memref_slice %arg3[%mul3A_22, %dma_start3A_67] : memref<2560x128xi32, #tpu.memory_space<hbm>> -> memref<80x128xi32, #tpu.memory_space<hbm>>
      tpu.enqueue_dma source(%dma_start3A_68 : memref<80x128xi32, #tpu.memory_space<hbm>>) target(%arg7 : memref<80x128xi32, #tpu.memory_space<vmem>>) target_semaphore(%run_scoped3A : memref<!tpu.dma_semaphore, #tpu.memory_space<semaphore_mem>>)
      %dma_wait3A = arith.constant 0 : i32
      %dma_wait3A_69 = tpu.memref_slice %arg3[%mul3A_22, %dma_wait3A] : memref<2560x128xi32, #tpu.memory_space<hbm>> -> memref<80x128xi32, #tpu.memory_space<hbm>>
      %dma_wait3A_70 = arith.constant 0 : i32
      %dma_wait3A_71 = tpu.memref_slice %arg3[%mul3A_22, %dma_wait3A_70] : memref<2560x128xi32, #tpu.memory_space<hbm>> -> memref<80x128xi32, #tpu.memory_space<hbm>>
      tpu.wait_dma2 semaphore(%run_scoped3A : memref<!tpu.dma_semaphore, #tpu.memory_space<semaphore_mem>>) src(%dma_wait3A_71 : memref<80x128xi32, #tpu.memory_space<hbm>>) dst(%arg7 : memref<80x128xi32, #tpu.memory_space<vmem>>)
      tpu.yield
    }) : () -> ()
    %mul3A_23 = arith.constant 80 : i32
    %mul3A_24 = arith.muli %add3A, %mul3A_23 : i32
    "tpu.region"() ({
      %run_scoped3A = tpu.sem_alloc : memref<!tpu.dma_semaphore, #tpu.memory_space<semaphore_mem>>
      %dma_start3A = arith.constant 0 : i32
      %dma_start3A_66 = tpu.memref_slice %arg4[%mul3A_24, %dma_start3A] : memref<2560x128xi32, #tpu.memory_space<hbm>> -> memref<80x128xi32, #tpu.memory_space<hbm>>
      %dma_start3A_67 = arith.constant 0 : i32
      %dma_start3A_68 = tpu.memref_slice %arg4[%mul3A_24, %dma_start3A_67] : memref<2560x128xi32, #tpu.memory_space<hbm>> -> memref<80x128xi32, #tpu.memory_space<hbm>>
      tpu.enqueue_dma source(%dma_start3A_68 : memref<80x128xi32, #tpu.memory_space<hbm>>) target(%arg8 : memref<80x128xi32, #tpu.memory_space<vmem>>) target_semaphore(%run_scoped3A : memref<!tpu.dma_semaphore, #tpu.memory_space<semaphore_mem>>)
      %dma_wait3A = arith.constant 0 : i32
      %dma_wait3A_69 = tpu.memref_slice %arg4[%mul3A_24, %dma_wait3A] : memref<2560x128xi32, #tpu.memory_space<hbm>> -> memref<80x128xi32, #tpu.memory_space<hbm>>
      %dma_wait3A_70 = arith.constant 0 : i32
      %dma_wait3A_71 = tpu.memref_slice %arg4[%mul3A_24, %dma_wait3A_70] : memref<2560x128xi32, #tpu.memory_space<hbm>> -> memref<80x128xi32, #tpu.memory_space<hbm>>
      tpu.wait_dma2 semaphore(%run_scoped3A : memref<!tpu.dma_semaphore, #tpu.memory_space<semaphore_mem>>) src(%dma_wait3A_71 : memref<80x128xi32, #tpu.memory_space<hbm>>) dst(%arg8 : memref<80x128xi32, #tpu.memory_space<vmem>>)
      tpu.yield
    }) : () -> ()
    %barrier3A = arith.constant 0 : index
    tpu.barrier barrier_id(%barrier3A)
    %scan3A = arith.constant 0 : i32
    %scan3A_25 = arith.constant 0 : i32
    %scan3A_26 = arith.constant 80 : i32
    %scan3A_27 = arith.addi %scan3A_25, %scan3A_26 : i32
    %scan3A_28 = arith.constant 1 : i32
    scf.for %scan3A_66 = %scan3A_25 to %scan3A_27 step %scan3A_28  : i32 {
      %dma_start3A = arith.constant 0 : i32
      %dma_start3A_67 = tpu.memref_slice %arg7[%scan3A_66, %dma_start3A] : memref<80x128xi32, #tpu.memory_space<vmem>> -> memref<1x128xi32, #tpu.memory_space<vmem>>
      %dma_start3A_68 = tpu.memref_squeeze %dma_start3A_67 : memref<1x128xi32, #tpu.memory_space<vmem>> -> memref<128xi32, #tpu.memory_space<vmem>>
      %dma_start3A_69 = arith.constant 0 : i32
      %dma_start3A_70 = arith.constant 0 : i32
      %dma_start3A_71 = tpu.memref_slice %arg2[%dma_start3A_69, %dma_start3A_70] : memref<327680x128xf32, #tpu.memory_space<hbm>> -> memref<327680x128xf32, #tpu.memory_space<hbm>>
      tpu.enqueue_indirect_dma source(%dma_start3A_71 : memref<327680x128xf32, #tpu.memory_space<hbm>>) target(%arg9 : memref<128x128xf32, #tpu.memory_space<vmem>>) offsets(%dma_start3A_68 : memref<128xi32, #tpu.memory_space<vmem>>) semaphore(%arg11 : memref<!tpu.dma_semaphore, #tpu.memory_space<semaphore_mem>>)
      %dma_wait3A = arith.constant 0 : i32
      %dma_wait3A_72 = tpu.memref_slice %arg7[%scan3A_66, %dma_wait3A] : memref<80x128xi32, #tpu.memory_space<vmem>> -> memref<1x128xi32, #tpu.memory_space<vmem>>
      %dma_wait3A_73 = tpu.memref_squeeze %dma_wait3A_72 : memref<1x128xi32, #tpu.memory_space<vmem>> -> memref<128xi32, #tpu.memory_space<vmem>>
      %dma_wait3A_74 = arith.constant 0 : i32
      %dma_wait3A_75 = arith.constant 0 : i32
      %dma_wait3A_76 = tpu.memref_slice %arg2[%dma_wait3A_74, %dma_wait3A_75] : memref<327680x128xf32, #tpu.memory_space<hbm>> -> memref<327680x128xf32, #tpu.memory_space<hbm>>
      tpu.wait_indirect_dma semaphore(%arg11 : memref<!tpu.dma_semaphore, #tpu.memory_space<semaphore_mem>>) src(%dma_wait3A_76 : memref<327680x128xf32, #tpu.memory_space<hbm>>) dst(%arg9 : memref<128x128xf32, #tpu.memory_space<vmem>>)
      "tpu.region"() ({
        %run_scoped3A = tpu.sem_alloc : memref<!tpu.dma_semaphore, #tpu.memory_space<semaphore_mem>>
        %dma_start3A_77 = arith.constant 0 : i32
        %dma_start3A_78 = tpu.memref_slice %arg8[%scan3A_66, %dma_start3A_77] : memref<80x128xi32, #tpu.memory_space<vmem>> -> memref<1x128xi32, #tpu.memory_space<vmem>>
        %dma_start3A_79 = tpu.memref_squeeze %dma_start3A_78 : memref<1x128xi32, #tpu.memory_space<vmem>> -> memref<128xi32, #tpu.memory_space<vmem>>
        %dma_start3A_80 = arith.constant 0 : i32
        %dma_start3A_81 = arith.constant 0 : i32
        %dma_start3A_82 = tpu.memref_slice %arg10[%dma_start3A_80, %dma_start3A_81] : memref<10240x128xf32, #tpu.memory_space<vmem_shared>> -> memref<10240x128xf32, #tpu.memory_space<vmem_shared>>
        tpu.enqueue_indirect_dma source(%arg9 : memref<128x128xf32, #tpu.memory_space<vmem>>) target(%dma_start3A_82 : memref<10240x128xf32, #tpu.memory_space<vmem_shared>>) offsets(%dma_start3A_79 : memref<128xi32, #tpu.memory_space<vmem>>) semaphore(%run_scoped3A : memref<!tpu.dma_semaphore, #tpu.memory_space<semaphore_mem>>) {add = true}
        %dma_wait3A_83 = arith.constant 0 : i32
        %dma_wait3A_84 = tpu.memref_slice %arg8[%scan3A_66, %dma_wait3A_83] : memref<80x128xi32, #tpu.memory_space<vmem>> -> memref<1x128xi32, #tpu.memory_space<vmem>>
        %dma_wait3A_85 = tpu.memref_squeeze %dma_wait3A_84 : memref<1x128xi32, #tpu.memory_space<vmem>> -> memref<128xi32, #tpu.memory_space<vmem>>
        %dma_wait3A_86 = arith.constant 0 : i32
        %dma_wait3A_87 = arith.constant 0 : i32
        %dma_wait3A_88 = tpu.memref_slice %arg10[%dma_wait3A_86, %dma_wait3A_87] : memref<10240x128xf32, #tpu.memory_space<vmem_shared>> -> memref<10240x128xf32, #tpu.memory_space<vmem_shared>>
        tpu.wait_indirect_dma semaphore(%run_scoped3A : memref<!tpu.dma_semaphore, #tpu.memory_space<semaphore_mem>>) src(%arg9 : memref<128x128xf32, #tpu.memory_space<vmem>>) dst(%dma_wait3A_88 : memref<10240x128xf32, #tpu.memory_space<vmem_shared>>)
        tpu.yield
      }) : () -> ()
    }
    %scan3A_29 = arith.constant 80 : i32
    %barrier3A_30 = arith.constant 0 : index
    tpu.barrier barrier_id(%barrier3A_30)
    %mul3A_31 = arith.constant 640 : i32
    %mul3A_32 = arith.muli %arg1, %mul3A_31 : i32
    %add3A_33 = arith.constant 0 : i32
    %add3A_34 = arith.addi %mul3A_32, %add3A_33 : i32
    "tpu.region"() ({
      %run_scoped3A = tpu.sem_alloc : memref<!tpu.dma_semaphore, #tpu.memory_space<semaphore_mem>>
      %dma_start3A = arith.constant 0 : i32
      %dma_start3A_66 = tpu.memref_slice %arg10[%add3A_34, %dma_start3A] : memref<10240x128xf32, #tpu.memory_space<vmem_shared>> -> memref<128x128xf32, #tpu.memory_space<vmem_shared>>
      %dma_start3A_67 = arith.constant 0 : i32
      %dma_start3A_68 = tpu.memref_slice %arg10[%add3A_34, %dma_start3A_67] : memref<10240x128xf32, #tpu.memory_space<vmem_shared>> -> memref<128x128xf32, #tpu.memory_space<vmem_shared>>
      tpu.enqueue_dma source(%dma_start3A_68 : memref<128x128xf32, #tpu.memory_space<vmem_shared>>) target(%arg9 : memref<128x128xf32, #tpu.memory_space<vmem>>) target_semaphore(%run_scoped3A : memref<!tpu.dma_semaphore, #tpu.memory_space<semaphore_mem>>)
      %dma_wait3A = arith.constant 0 : i32
      %dma_wait3A_69 = tpu.memref_slice %arg10[%add3A_34, %dma_wait3A] : memref<10240x128xf32, #tpu.memory_space<vmem_shared>> -> memref<128x128xf32, #tpu.memory_space<vmem_shared>>
      %dma_wait3A_70 = arith.constant 0 : i32
      %dma_wait3A_71 = tpu.memref_slice %arg10[%add3A_34, %dma_wait3A_70] : memref<10240x128xf32, #tpu.memory_space<vmem_shared>> -> memref<128x128xf32, #tpu.memory_space<vmem_shared>>
      tpu.wait_dma2 semaphore(%run_scoped3A : memref<!tpu.dma_semaphore, #tpu.memory_space<semaphore_mem>>) src(%dma_wait3A_71 : memref<128x128xf32, #tpu.memory_space<vmem_shared>>) dst(%arg9 : memref<128x128xf32, #tpu.memory_space<vmem>>)
      tpu.yield
    }) : () -> ()
    %mul3A_35 = arith.constant 10240 : i32
    %mul3A_36 = arith.muli %arg0, %mul3A_35 : i32
    %add3A_37 = arith.addi %mul3A_36, %add3A_34 : i32
    "tpu.region"() ({
      %run_scoped3A = tpu.sem_alloc : memref<!tpu.dma_semaphore, #tpu.memory_space<semaphore_mem>>
      %dma_start3A = arith.constant 0 : i32
      %dma_start3A_66 = tpu.memref_slice %arg6[%add3A_37, %dma_start3A] : memref<20480x128xf32, #tpu.memory_space<hbm>> -> memref<128x128xf32, #tpu.memory_space<hbm>>
      %dma_start3A_67 = arith.constant 0 : i32
      %dma_start3A_68 = tpu.memref_slice %arg6[%add3A_37, %dma_start3A_67] : memref<20480x128xf32, #tpu.memory_space<hbm>> -> memref<128x128xf32, #tpu.memory_space<hbm>>
      tpu.enqueue_dma source(%arg9 : memref<128x128xf32, #tpu.memory_space<vmem>>) target(%dma_start3A_68 : memref<128x128xf32, #tpu.memory_space<hbm>>) target_semaphore(%run_scoped3A : memref<!tpu.dma_semaphore, #tpu.memory_space<semaphore_mem>>)
      %dma_wait3A = arith.constant 0 : i32
      %dma_wait3A_69 = tpu.memref_slice %arg6[%add3A_37, %dma_wait3A] : memref<20480x128xf32, #tpu.memory_space<hbm>> -> memref<128x128xf32, #tpu.memory_space<hbm>>
      %dma_wait3A_70 = arith.constant 0 : i32
      %dma_wait3A_71 = tpu.memref_slice %arg6[%add3A_37, %dma_wait3A_70] : memref<20480x128xf32, #tpu.memory_space<hbm>> -> memref<128x128xf32, #tpu.memory_space<hbm>>
      tpu.wait_dma2 semaphore(%run_scoped3A : memref<!tpu.dma_semaphore, #tpu.memory_space<semaphore_mem>>) src(%arg9 : memref<128x128xf32, #tpu.memory_space<vmem>>) dst(%dma_wait3A_71 : memref<128x128xf32, #tpu.memory_space<hbm>>)
      tpu.yield
    }) : () -> ()
    %mul3A_38 = arith.constant 640 : i32
    %mul3A_39 = arith.muli %arg1, %mul3A_38 : i32
    %add3A_40 = arith.constant 128 : i32
    %add3A_41 = arith.addi %mul3A_39, %add3A_40 : i32
    "tpu.region"() ({
      %run_scoped3A = tpu.sem_alloc : memref<!tpu.dma_semaphore, #tpu.memory_space<semaphore_mem>>
      %dma_start3A = arith.constant 0 : i32
      %dma_start3A_66 = tpu.memref_slice %arg10[%add3A_41, %dma_start3A] : memref<10240x128xf32, #tpu.memory_space<vmem_shared>> -> memref<128x128xf32, #tpu.memory_space<vmem_shared>>
      %dma_start3A_67 = arith.constant 0 : i32
      %dma_start3A_68 = tpu.memref_slice %arg10[%add3A_41, %dma_start3A_67] : memref<10240x128xf32, #tpu.memory_space<vmem_shared>> -> memref<128x128xf32, #tpu.memory_space<vmem_shared>>
      tpu.enqueue_dma source(%dma_start3A_68 : memref<128x128xf32, #tpu.memory_space<vmem_shared>>) target(%arg9 : memref<128x128xf32, #tpu.memory_space<vmem>>) target_semaphore(%run_scoped3A : memref<!tpu.dma_semaphore, #tpu.memory_space<semaphore_mem>>)
      %dma_wait3A = arith.constant 0 : i32
      %dma_wait3A_69 = tpu.memref_slice %arg10[%add3A_41, %dma_wait3A] : memref<10240x128xf32, #tpu.memory_space<vmem_shared>> -> memref<128x128xf32, #tpu.memory_space<vmem_shared>>
      %dma_wait3A_70 = arith.constant 0 : i32
      %dma_wait3A_71 = tpu.memref_slice %arg10[%add3A_41, %dma_wait3A_70] : memref<10240x128xf32, #tpu.memory_space<vmem_shared>> -> memref<128x128xf32, #tpu.memory_space<vmem_shared>>
      tpu.wait_dma2 semaphore(%run_scoped3A : memref<!tpu.dma_semaphore, #tpu.memory_space<semaphore_mem>>) src(%dma_wait3A_71 : memref<128x128xf32, #tpu.memory_space<vmem_shared>>) dst(%arg9 : memref<128x128xf32, #tpu.memory_space<vmem>>)
      tpu.yield
    }) : () -> ()
    %mul3A_42 = arith.constant 10240 : i32
    %mul3A_43 = arith.muli %arg0, %mul3A_42 : i32
    %add3A_44 = arith.addi %mul3A_43, %add3A_41 : i32
    "tpu.region"() ({
      %run_scoped3A = tpu.sem_alloc : memref<!tpu.dma_semaphore, #tpu.memory_space<semaphore_mem>>
      %dma_start3A = arith.constant 0 : i32
      %dma_start3A_66 = tpu.memref_slice %arg6[%add3A_44, %dma_start3A] : memref<20480x128xf32, #tpu.memory_space<hbm>> -> memref<128x128xf32, #tpu.memory_space<hbm>>
      %dma_start3A_67 = arith.constant 0 : i32
      %dma_start3A_68 = tpu.memref_slice %arg6[%add3A_44, %dma_start3A_67] : memref<20480x128xf32, #tpu.memory_space<hbm>> -> memref<128x128xf32, #tpu.memory_space<hbm>>
      tpu.enqueue_dma source(%arg9 : memref<128x128xf32, #tpu.memory_space<vmem>>) target(%dma_start3A_68 : memref<128x128xf32, #tpu.memory_space<hbm>>) target_semaphore(%run_scoped3A : memref<!tpu.dma_semaphore, #tpu.memory_space<semaphore_mem>>)
      %dma_wait3A = arith.constant 0 : i32
      %dma_wait3A_69 = tpu.memref_slice %arg6[%add3A_44, %dma_wait3A] : memref<20480x128xf32, #tpu.memory_space<hbm>> -> memref<128x128xf32, #tpu.memory_space<hbm>>
      %dma_wait3A_70 = arith.constant 0 : i32
      %dma_wait3A_71 = tpu.memref_slice %arg6[%add3A_44, %dma_wait3A_70] : memref<20480x128xf32, #tpu.memory_space<hbm>> -> memref<128x128xf32, #tpu.memory_space<hbm>>
      tpu.wait_dma2 semaphore(%run_scoped3A : memref<!tpu.dma_semaphore, #tpu.memory_space<semaphore_mem>>) src(%arg9 : memref<128x128xf32, #tpu.memory_space<vmem>>) dst(%dma_wait3A_71 : memref<128x128xf32, #tpu.memory_space<hbm>>)
      tpu.yield
    }) : () -> ()
    %mul3A_45 = arith.constant 640 : i32
    %mul3A_46 = arith.muli %arg1, %mul3A_45 : i32
    %add3A_47 = arith.constant 256 : i32
    %add3A_48 = arith.addi %mul3A_46, %add3A_47 : i32
    "tpu.region"() ({
      %run_scoped3A = tpu.sem_alloc : memref<!tpu.dma_semaphore, #tpu.memory_space<semaphore_mem>>
      %dma_start3A = arith.constant 0 : i32
      %dma_start3A_66 = tpu.memref_slice %arg10[%add3A_48, %dma_start3A] : memref<10240x128xf32, #tpu.memory_space<vmem_shared>> -> memref<128x128xf32, #tpu.memory_space<vmem_shared>>
      %dma_start3A_67 = arith.constant 0 : i32
      %dma_start3A_68 = tpu.memref_slice %arg10[%add3A_48, %dma_start3A_67] : memref<10240x128xf32, #tpu.memory_space<vmem_shared>> -> memref<128x128xf32, #tpu.memory_space<vmem_shared>>
      tpu.enqueue_dma source(%dma_start3A_68 : memref<128x128xf32, #tpu.memory_space<vmem_shared>>) target(%arg9 : memref<128x128xf32, #tpu.memory_space<vmem>>) target_semaphore(%run_scoped3A : memref<!tpu.dma_semaphore, #tpu.memory_space<semaphore_mem>>)
      %dma_wait3A = arith.constant 0 : i32
      %dma_wait3A_69 = tpu.memref_slice %arg10[%add3A_48, %dma_wait3A] : memref<10240x128xf32, #tpu.memory_space<vmem_shared>> -> memref<128x128xf32, #tpu.memory_space<vmem_shared>>
      %dma_wait3A_70 = arith.constant 0 : i32
      %dma_wait3A_71 = tpu.memref_slice %arg10[%add3A_48, %dma_wait3A_70] : memref<10240x128xf32, #tpu.memory_space<vmem_shared>> -> memref<128x128xf32, #tpu.memory_space<vmem_shared>>
      tpu.wait_dma2 semaphore(%run_scoped3A : memref<!tpu.dma_semaphore, #tpu.memory_space<semaphore_mem>>) src(%dma_wait3A_71 : memref<128x128xf32, #tpu.memory_space<vmem_shared>>) dst(%arg9 : memref<128x128xf32, #tpu.memory_space<vmem>>)
      tpu.yield
    }) : () -> ()
    %mul3A_49 = arith.constant 10240 : i32
    %mul3A_50 = arith.muli %arg0, %mul3A_49 : i32
    %add3A_51 = arith.addi %mul3A_50, %add3A_48 : i32
    "tpu.region"() ({
      %run_scoped3A = tpu.sem_alloc : memref<!tpu.dma_semaphore, #tpu.memory_space<semaphore_mem>>
      %dma_start3A = arith.constant 0 : i32
      %dma_start3A_66 = tpu.memref_slice %arg6[%add3A_51, %dma_start3A] : memref<20480x128xf32, #tpu.memory_space<hbm>> -> memref<128x128xf32, #tpu.memory_space<hbm>>
      %dma_start3A_67 = arith.constant 0 : i32
      %dma_start3A_68 = tpu.memref_slice %arg6[%add3A_51, %dma_start3A_67] : memref<20480x128xf32, #tpu.memory_space<hbm>> -> memref<128x128xf32, #tpu.memory_space<hbm>>
      tpu.enqueue_dma source(%arg9 : memref<128x128xf32, #tpu.memory_space<vmem>>) target(%dma_start3A_68 : memref<128x128xf32, #tpu.memory_space<hbm>>) target_semaphore(%run_scoped3A : memref<!tpu.dma_semaphore, #tpu.memory_space<semaphore_mem>>)
      %dma_wait3A = arith.constant 0 : i32
      %dma_wait3A_69 = tpu.memref_slice %arg6[%add3A_51, %dma_wait3A] : memref<20480x128xf32, #tpu.memory_space<hbm>> -> memref<128x128xf32, #tpu.memory_space<hbm>>
      %dma_wait3A_70 = arith.constant 0 : i32
      %dma_wait3A_71 = tpu.memref_slice %arg6[%add3A_51, %dma_wait3A_70] : memref<20480x128xf32, #tpu.memory_space<hbm>> -> memref<128x128xf32, #tpu.memory_space<hbm>>
      tpu.wait_dma2 semaphore(%run_scoped3A : memref<!tpu.dma_semaphore, #tpu.memory_space<semaphore_mem>>) src(%arg9 : memref<128x128xf32, #tpu.memory_space<vmem>>) dst(%dma_wait3A_71 : memref<128x128xf32, #tpu.memory_space<hbm>>)
      tpu.yield
    }) : () -> ()
    %mul3A_52 = arith.constant 640 : i32
    %mul3A_53 = arith.muli %arg1, %mul3A_52 : i32
    %add3A_54 = arith.constant 384 : i32
    %add3A_55 = arith.addi %mul3A_53, %add3A_54 : i32
    "tpu.region"() ({
      %run_scoped3A = tpu.sem_alloc : memref<!tpu.dma_semaphore, #tpu.memory_space<semaphore_mem>>
      %dma_start3A = arith.constant 0 : i32
      %dma_start3A_66 = tpu.memref_slice %arg10[%add3A_55, %dma_start3A] : memref<10240x128xf32, #tpu.memory_space<vmem_shared>> -> memref<128x128xf32, #tpu.memory_space<vmem_shared>>
      %dma_start3A_67 = arith.constant 0 : i32
      %dma_start3A_68 = tpu.memref_slice %arg10[%add3A_55, %dma_start3A_67] : memref<10240x128xf32, #tpu.memory_space<vmem_shared>> -> memref<128x128xf32, #tpu.memory_space<vmem_shared>>
      tpu.enqueue_dma source(%dma_start3A_68 : memref<128x128xf32, #tpu.memory_space<vmem_shared>>) target(%arg9 : memref<128x128xf32, #tpu.memory_space<vmem>>) target_semaphore(%run_scoped3A : memref<!tpu.dma_semaphore, #tpu.memory_space<semaphore_mem>>)
      %dma_wait3A = arith.constant 0 : i32
      %dma_wait3A_69 = tpu.memref_slice %arg10[%add3A_55, %dma_wait3A] : memref<10240x128xf32, #tpu.memory_space<vmem_shared>> -> memref<128x128xf32, #tpu.memory_space<vmem_shared>>
      %dma_wait3A_70 = arith.constant 0 : i32
      %dma_wait3A_71 = tpu.memref_slice %arg10[%add3A_55, %dma_wait3A_70] : memref<10240x128xf32, #tpu.memory_space<vmem_shared>> -> memref<128x128xf32, #tpu.memory_space<vmem_shared>>
      tpu.wait_dma2 semaphore(%run_scoped3A : memref<!tpu.dma_semaphore, #tpu.memory_space<semaphore_mem>>) src(%dma_wait3A_71 : memref<128x128xf32, #tpu.memory_space<vmem_shared>>) dst(%arg9 : memref<128x128xf32, #tpu.memory_space<vmem>>)
      tpu.yield
    }) : () -> ()
    %mul3A_56 = arith.constant 10240 : i32
    %mul3A_57 = arith.muli %arg0, %mul3A_56 : i32
    %add3A_58 = arith.addi %mul3A_57, %add3A_55 : i32
    "tpu.region"() ({
      %run_scoped3A = tpu.sem_alloc : memref<!tpu.dma_semaphore, #tpu.memory_space<semaphore_mem>>
      %dma_start3A = arith.constant 0 : i32
      %dma_start3A_66 = tpu.memref_slice %arg6[%add3A_58, %dma_start3A] : memref<20480x128xf32, #tpu.memory_space<hbm>> -> memref<128x128xf32, #tpu.memory_space<hbm>>
      %dma_start3A_67 = arith.constant 0 : i32
      %dma_start3A_68 = tpu.memref_slice %arg6[%add3A_58, %dma_start3A_67] : memref<20480x128xf32, #tpu.memory_space<hbm>> -> memref<128x128xf32, #tpu.memory_space<hbm>>
      tpu.enqueue_dma source(%arg9 : memref<128x128xf32, #tpu.memory_space<vmem>>) target(%dma_start3A_68 : memref<128x128xf32, #tpu.memory_space<hbm>>) target_semaphore(%run_scoped3A : memref<!tpu.dma_semaphore, #tpu.memory_space<semaphore_mem>>)
      %dma_wait3A = arith.constant 0 : i32
      %dma_wait3A_69 = tpu.memref_slice %arg6[%add3A_58, %dma_wait3A] : memref<20480x128xf32, #tpu.memory_space<hbm>> -> memref<128x128xf32, #tpu.memory_space<hbm>>
      %dma_wait3A_70 = arith.constant 0 : i32
      %dma_wait3A_71 = tpu.memref_slice %arg6[%add3A_58, %dma_wait3A_70] : memref<20480x128xf32, #tpu.memory_space<hbm>> -> memref<128x128xf32, #tpu.memory_space<hbm>>
      tpu.wait_dma2 semaphore(%run_scoped3A : memref<!tpu.dma_semaphore, #tpu.memory_space<semaphore_mem>>) src(%arg9 : memref<128x128xf32, #tpu.memory_space<vmem>>) dst(%dma_wait3A_71 : memref<128x128xf32, #tpu.memory_space<hbm>>)
      tpu.yield
    }) : () -> ()
    %mul3A_59 = arith.constant 640 : i32
    %mul3A_60 = arith.muli %arg1, %mul3A_59 : i32
    %add3A_61 = arith.constant 512 : i32
    %add3A_62 = arith.addi %mul3A_60, %add3A_61 : i32
    "tpu.region"() ({
      %run_scoped3A = tpu.sem_alloc : memref<!tpu.dma_semaphore, #tpu.memory_space<semaphore_mem>>
      %dma_start3A = arith.constant 0 : i32
      %dma_start3A_66 = tpu.memref_slice %arg10[%add3A_62, %dma_start3A] : memref<10240x128xf32, #tpu.memory_space<vmem_shared>> -> memref<128x128xf32, #tpu.memory_space<vmem_shared>>
      %dma_start3A_67 = arith.constant 0 : i32
      %dma_start3A_68 = tpu.memref_slice %arg10[%add3A_62, %dma_start3A_67] : memref<10240x128xf32, #tpu.memory_space<vmem_shared>> -> memref<128x128xf32, #tpu.memory_space<vmem_shared>>
      tpu.enqueue_dma source(%dma_start3A_68 : memref<128x128xf32, #tpu.memory_space<vmem_shared>>) target(%arg9 : memref<128x128xf32, #tpu.memory_space<vmem>>) target_semaphore(%run_scoped3A : memref<!tpu.dma_semaphore, #tpu.memory_space<semaphore_mem>>)
      %dma_wait3A = arith.constant 0 : i32
      %dma_wait3A_69 = tpu.memref_slice %arg10[%add3A_62, %dma_wait3A] : memref<10240x128xf32, #tpu.memory_space<vmem_shared>> -> memref<128x128xf32, #tpu.memory_space<vmem_shared>>
      %dma_wait3A_70 = arith.constant 0 : i32
      %dma_wait3A_71 = tpu.memref_slice %arg10[%add3A_62, %dma_wait3A_70] : memref<10240x128xf32, #tpu.memory_space<vmem_shared>> -> memref<128x128xf32, #tpu.memory_space<vmem_shared>>
      tpu.wait_dma2 semaphore(%run_scoped3A : memref<!tpu.dma_semaphore, #tpu.memory_space<semaphore_mem>>) src(%dma_wait3A_71 : memref<128x128xf32, #tpu.memory_space<vmem_shared>>) dst(%arg9 : memref<128x128xf32, #tpu.memory_space<vmem>>)
      tpu.yield
    }) : () -> ()
    %mul3A_63 = arith.constant 10240 : i32
    %mul3A_64 = arith.muli %arg0, %mul3A_63 : i32
    %add3A_65 = arith.addi %mul3A_64, %add3A_62 : i32
    "tpu.region"() ({
      %run_scoped3A = tpu.sem_alloc : memref<!tpu.dma_semaphore, #tpu.memory_space<semaphore_mem>>
      %dma_start3A = arith.constant 0 : i32
      %dma_start3A_66 = tpu.memref_slice %arg6[%add3A_65, %dma_start3A] : memref<20480x128xf32, #tpu.memory_space<hbm>> -> memref<128x128xf32, #tpu.memory_space<hbm>>
      %dma_start3A_67 = arith.constant 0 : i32
      %dma_start3A_68 = tpu.memref_slice %arg6[%add3A_65, %dma_start3A_67] : memref<20480x128xf32, #tpu.memory_space<hbm>> -> memref<128x128xf32, #tpu.memory_space<hbm>>
      tpu.enqueue_dma source(%arg9 : memref<128x128xf32, #tpu.memory_space<vmem>>) target(%dma_start3A_68 : memref<128x128xf32, #tpu.memory_space<hbm>>) target_semaphore(%run_scoped3A : memref<!tpu.dma_semaphore, #tpu.memory_space<semaphore_mem>>)
      %dma_wait3A = arith.constant 0 : i32
      %dma_wait3A_69 = tpu.memref_slice %arg6[%add3A_65, %dma_wait3A] : memref<20480x128xf32, #tpu.memory_space<hbm>> -> memref<128x128xf32, #tpu.memory_space<hbm>>
      %dma_wait3A_70 = arith.constant 0 : i32
      %dma_wait3A_71 = tpu.memref_slice %arg6[%add3A_65, %dma_wait3A_70] : memref<20480x128xf32, #tpu.memory_space<hbm>> -> memref<128x128xf32, #tpu.memory_space<hbm>>
      tpu.wait_dma2 semaphore(%run_scoped3A : memref<!tpu.dma_semaphore, #tpu.memory_space<semaphore_mem>>) src(%arg9 : memref<128x128xf32, #tpu.memory_space<vmem>>) dst(%dma_wait3A_71 : memref<128x128xf32, #tpu.memory_space<hbm>>)
      tpu.yield
    }) : () -> ()
    return
  }
}

#map = affine_map<(d0, d1) -> (0, 0)>
module attributes {stable_mosaic.version = 14 : i64} {
  func.func @_sc_seg_body(%arg0: i32, %arg1: i32, %arg2: memref<10000x128xf32, #tpu.memory_space<hbm>>, %arg3: memref<2560x128xi32, #tpu.memory_space<hbm>>, %arg4: memref<2560x128xi32, #tpu.memory_space<hbm>>, %arg5: memref<128x128xf32, #tpu.memory_space<hbm>>, %arg6: memref<20480x128xf32, #tpu.memory_space<hbm>>, %arg7: memref<80x128xi32, #tpu.memory_space<vmem>>, %arg8: memref<80x128xi32, #tpu.memory_space<vmem>>, %arg9: memref<128x128xf32, #tpu.memory_space<vmem>>, %arg10: memref<10240x128xf32, #tpu.memory_space<vmem_shared>>, %arg11: memref<!tpu.dma_semaphore, #tpu.memory_space<semaphore_mem>>) attributes {dimension_semantics = [#tpu.dimension_semantics<core_parallel>, #tpu.dimension_semantics<subcore_parallel>], iteration_bounds = array<i64: 2, 16>, scalar_prefetch = 0 : i64, scratch_operands = 5 : i64, tpu.core_type = #tpu.core_type<sc_vector_subcore>, window_params = [{transform_indices = #map}, {transform_indices = #map}, {transform_indices = #map}, {transform_indices = #map}, {transform_indices = #map}]} {
    %mul3A = arith.constant 16 : i32
    %mul3A_0 = arith.muli %arg0, %mul3A : i32
    %add3A = arith.addi %mul3A_0, %arg1 : i32
    "tpu.region"() ({
      %run_scoped3A = tpu.sem_alloc : memref<!tpu.dma_semaphore, #tpu.memory_space<semaphore_mem>>
      tpu.enqueue_dma source(%arg5 : memref<128x128xf32, #tpu.memory_space<hbm>>) target(%arg9 : memref<128x128xf32, #tpu.memory_space<vmem>>) target_semaphore(%run_scoped3A : memref<!tpu.dma_semaphore, #tpu.memory_space<semaphore_mem>>)
      tpu.wait_dma2 semaphore(%run_scoped3A : memref<!tpu.dma_semaphore, #tpu.memory_space<semaphore_mem>>) src(%arg5 : memref<128x128xf32, #tpu.memory_space<hbm>>) dst(%arg9 : memref<128x128xf32, #tpu.memory_space<vmem>>)
      tpu.yield
    }) : () -> ()
    %mul3A_1 = arith.constant 640 : i32
    %mul3A_2 = arith.muli %arg1, %mul3A_1 : i32
    %add3A_3 = arith.constant 0 : i32
    %add3A_4 = arith.addi %mul3A_2, %add3A_3 : i32
    "tpu.region"() ({
      %run_scoped3A = tpu.sem_alloc : memref<!tpu.dma_semaphore, #tpu.memory_space<semaphore_mem>>
      %dma_start3A = arith.constant 0 : i32
      %dma_start3A_66 = tpu.memref_slice %arg10[%add3A_4, %dma_start3A] : memref<10240x128xf32, #tpu.memory_space<vmem_shared>> -> memref<128x128xf32, #tpu.memory_space<vmem_shared>>
      %dma_start3A_67 = arith.constant 0 : i32
      %dma_start3A_68 = tpu.memref_slice %arg10[%add3A_4, %dma_start3A_67] : memref<10240x128xf32, #tpu.memory_space<vmem_shared>> -> memref<128x128xf32, #tpu.memory_space<vmem_shared>>
      tpu.enqueue_dma source(%arg9 : memref<128x128xf32, #tpu.memory_space<vmem>>) target(%dma_start3A_68 : memref<128x128xf32, #tpu.memory_space<vmem_shared>>) target_semaphore(%run_scoped3A : memref<!tpu.dma_semaphore, #tpu.memory_space<semaphore_mem>>)
      %dma_wait3A = arith.constant 0 : i32
      %dma_wait3A_69 = tpu.memref_slice %arg10[%add3A_4, %dma_wait3A] : memref<10240x128xf32, #tpu.memory_space<vmem_shared>> -> memref<128x128xf32, #tpu.memory_space<vmem_shared>>
      %dma_wait3A_70 = arith.constant 0 : i32
      %dma_wait3A_71 = tpu.memref_slice %arg10[%add3A_4, %dma_wait3A_70] : memref<10240x128xf32, #tpu.memory_space<vmem_shared>> -> memref<128x128xf32, #tpu.memory_space<vmem_shared>>
      tpu.wait_dma2 semaphore(%run_scoped3A : memref<!tpu.dma_semaphore, #tpu.memory_space<semaphore_mem>>) src(%arg9 : memref<128x128xf32, #tpu.memory_space<vmem>>) dst(%dma_wait3A_71 : memref<128x128xf32, #tpu.memory_space<vmem_shared>>)
      tpu.yield
    }) : () -> ()
    %mul3A_5 = arith.constant 640 : i32
    %mul3A_6 = arith.muli %arg1, %mul3A_5 : i32
    %add3A_7 = arith.constant 128 : i32
    %add3A_8 = arith.addi %mul3A_6, %add3A_7 : i32
    "tpu.region"() ({
      %run_scoped3A = tpu.sem_alloc : memref<!tpu.dma_semaphore, #tpu.memory_space<semaphore_mem>>
      %dma_start3A = arith.constant 0 : i32
      %dma_start3A_66 = tpu.memref_slice %arg10[%add3A_8, %dma_start3A] : memref<10240x128xf32, #tpu.memory_space<vmem_shared>> -> memref<128x128xf32, #tpu.memory_space<vmem_shared>>
      %dma_start3A_67 = arith.constant 0 : i32
      %dma_start3A_68 = tpu.memref_slice %arg10[%add3A_8, %dma_start3A_67] : memref<10240x128xf32, #tpu.memory_space<vmem_shared>> -> memref<128x128xf32, #tpu.memory_space<vmem_shared>>
      tpu.enqueue_dma source(%arg9 : memref<128x128xf32, #tpu.memory_space<vmem>>) target(%dma_start3A_68 : memref<128x128xf32, #tpu.memory_space<vmem_shared>>) target_semaphore(%run_scoped3A : memref<!tpu.dma_semaphore, #tpu.memory_space<semaphore_mem>>)
      %dma_wait3A = arith.constant 0 : i32
      %dma_wait3A_69 = tpu.memref_slice %arg10[%add3A_8, %dma_wait3A] : memref<10240x128xf32, #tpu.memory_space<vmem_shared>> -> memref<128x128xf32, #tpu.memory_space<vmem_shared>>
      %dma_wait3A_70 = arith.constant 0 : i32
      %dma_wait3A_71 = tpu.memref_slice %arg10[%add3A_8, %dma_wait3A_70] : memref<10240x128xf32, #tpu.memory_space<vmem_shared>> -> memref<128x128xf32, #tpu.memory_space<vmem_shared>>
      tpu.wait_dma2 semaphore(%run_scoped3A : memref<!tpu.dma_semaphore, #tpu.memory_space<semaphore_mem>>) src(%arg9 : memref<128x128xf32, #tpu.memory_space<vmem>>) dst(%dma_wait3A_71 : memref<128x128xf32, #tpu.memory_space<vmem_shared>>)
      tpu.yield
    }) : () -> ()
    %mul3A_9 = arith.constant 640 : i32
    %mul3A_10 = arith.muli %arg1, %mul3A_9 : i32
    %add3A_11 = arith.constant 256 : i32
    %add3A_12 = arith.addi %mul3A_10, %add3A_11 : i32
    "tpu.region"() ({
      %run_scoped3A = tpu.sem_alloc : memref<!tpu.dma_semaphore, #tpu.memory_space<semaphore_mem>>
      %dma_start3A = arith.constant 0 : i32
      %dma_start3A_66 = tpu.memref_slice %arg10[%add3A_12, %dma_start3A] : memref<10240x128xf32, #tpu.memory_space<vmem_shared>> -> memref<128x128xf32, #tpu.memory_space<vmem_shared>>
      %dma_start3A_67 = arith.constant 0 : i32
      %dma_start3A_68 = tpu.memref_slice %arg10[%add3A_12, %dma_start3A_67] : memref<10240x128xf32, #tpu.memory_space<vmem_shared>> -> memref<128x128xf32, #tpu.memory_space<vmem_shared>>
      tpu.enqueue_dma source(%arg9 : memref<128x128xf32, #tpu.memory_space<vmem>>) target(%dma_start3A_68 : memref<128x128xf32, #tpu.memory_space<vmem_shared>>) target_semaphore(%run_scoped3A : memref<!tpu.dma_semaphore, #tpu.memory_space<semaphore_mem>>)
      %dma_wait3A = arith.constant 0 : i32
      %dma_wait3A_69 = tpu.memref_slice %arg10[%add3A_12, %dma_wait3A] : memref<10240x128xf32, #tpu.memory_space<vmem_shared>> -> memref<128x128xf32, #tpu.memory_space<vmem_shared>>
      %dma_wait3A_70 = arith.constant 0 : i32
      %dma_wait3A_71 = tpu.memref_slice %arg10[%add3A_12, %dma_wait3A_70] : memref<10240x128xf32, #tpu.memory_space<vmem_shared>> -> memref<128x128xf32, #tpu.memory_space<vmem_shared>>
      tpu.wait_dma2 semaphore(%run_scoped3A : memref<!tpu.dma_semaphore, #tpu.memory_space<semaphore_mem>>) src(%arg9 : memref<128x128xf32, #tpu.memory_space<vmem>>) dst(%dma_wait3A_71 : memref<128x128xf32, #tpu.memory_space<vmem_shared>>)
      tpu.yield
    }) : () -> ()
    %mul3A_13 = arith.constant 640 : i32
    %mul3A_14 = arith.muli %arg1, %mul3A_13 : i32
    %add3A_15 = arith.constant 384 : i32
    %add3A_16 = arith.addi %mul3A_14, %add3A_15 : i32
    "tpu.region"() ({
      %run_scoped3A = tpu.sem_alloc : memref<!tpu.dma_semaphore, #tpu.memory_space<semaphore_mem>>
      %dma_start3A = arith.constant 0 : i32
      %dma_start3A_66 = tpu.memref_slice %arg10[%add3A_16, %dma_start3A] : memref<10240x128xf32, #tpu.memory_space<vmem_shared>> -> memref<128x128xf32, #tpu.memory_space<vmem_shared>>
      %dma_start3A_67 = arith.constant 0 : i32
      %dma_start3A_68 = tpu.memref_slice %arg10[%add3A_16, %dma_start3A_67] : memref<10240x128xf32, #tpu.memory_space<vmem_shared>> -> memref<128x128xf32, #tpu.memory_space<vmem_shared>>
      tpu.enqueue_dma source(%arg9 : memref<128x128xf32, #tpu.memory_space<vmem>>) target(%dma_start3A_68 : memref<128x128xf32, #tpu.memory_space<vmem_shared>>) target_semaphore(%run_scoped3A : memref<!tpu.dma_semaphore, #tpu.memory_space<semaphore_mem>>)
      %dma_wait3A = arith.constant 0 : i32
      %dma_wait3A_69 = tpu.memref_slice %arg10[%add3A_16, %dma_wait3A] : memref<10240x128xf32, #tpu.memory_space<vmem_shared>> -> memref<128x128xf32, #tpu.memory_space<vmem_shared>>
      %dma_wait3A_70 = arith.constant 0 : i32
      %dma_wait3A_71 = tpu.memref_slice %arg10[%add3A_16, %dma_wait3A_70] : memref<10240x128xf32, #tpu.memory_space<vmem_shared>> -> memref<128x128xf32, #tpu.memory_space<vmem_shared>>
      tpu.wait_dma2 semaphore(%run_scoped3A : memref<!tpu.dma_semaphore, #tpu.memory_space<semaphore_mem>>) src(%arg9 : memref<128x128xf32, #tpu.memory_space<vmem>>) dst(%dma_wait3A_71 : memref<128x128xf32, #tpu.memory_space<vmem_shared>>)
      tpu.yield
    }) : () -> ()
    %mul3A_17 = arith.constant 640 : i32
    %mul3A_18 = arith.muli %arg1, %mul3A_17 : i32
    %add3A_19 = arith.constant 512 : i32
    %add3A_20 = arith.addi %mul3A_18, %add3A_19 : i32
    "tpu.region"() ({
      %run_scoped3A = tpu.sem_alloc : memref<!tpu.dma_semaphore, #tpu.memory_space<semaphore_mem>>
      %dma_start3A = arith.constant 0 : i32
      %dma_start3A_66 = tpu.memref_slice %arg10[%add3A_20, %dma_start3A] : memref<10240x128xf32, #tpu.memory_space<vmem_shared>> -> memref<128x128xf32, #tpu.memory_space<vmem_shared>>
      %dma_start3A_67 = arith.constant 0 : i32
      %dma_start3A_68 = tpu.memref_slice %arg10[%add3A_20, %dma_start3A_67] : memref<10240x128xf32, #tpu.memory_space<vmem_shared>> -> memref<128x128xf32, #tpu.memory_space<vmem_shared>>
      tpu.enqueue_dma source(%arg9 : memref<128x128xf32, #tpu.memory_space<vmem>>) target(%dma_start3A_68 : memref<128x128xf32, #tpu.memory_space<vmem_shared>>) target_semaphore(%run_scoped3A : memref<!tpu.dma_semaphore, #tpu.memory_space<semaphore_mem>>)
      %dma_wait3A = arith.constant 0 : i32
      %dma_wait3A_69 = tpu.memref_slice %arg10[%add3A_20, %dma_wait3A] : memref<10240x128xf32, #tpu.memory_space<vmem_shared>> -> memref<128x128xf32, #tpu.memory_space<vmem_shared>>
      %dma_wait3A_70 = arith.constant 0 : i32
      %dma_wait3A_71 = tpu.memref_slice %arg10[%add3A_20, %dma_wait3A_70] : memref<10240x128xf32, #tpu.memory_space<vmem_shared>> -> memref<128x128xf32, #tpu.memory_space<vmem_shared>>
      tpu.wait_dma2 semaphore(%run_scoped3A : memref<!tpu.dma_semaphore, #tpu.memory_space<semaphore_mem>>) src(%arg9 : memref<128x128xf32, #tpu.memory_space<vmem>>) dst(%dma_wait3A_71 : memref<128x128xf32, #tpu.memory_space<vmem_shared>>)
      tpu.yield
    }) : () -> ()
    %mul3A_21 = arith.constant 80 : i32
    %mul3A_22 = arith.muli %add3A, %mul3A_21 : i32
    "tpu.region"() ({
      %run_scoped3A = tpu.sem_alloc : memref<!tpu.dma_semaphore, #tpu.memory_space<semaphore_mem>>
      %dma_start3A = arith.constant 0 : i32
      %dma_start3A_66 = tpu.memref_slice %arg3[%mul3A_22, %dma_start3A] : memref<2560x128xi32, #tpu.memory_space<hbm>> -> memref<80x128xi32, #tpu.memory_space<hbm>>
      %dma_start3A_67 = arith.constant 0 : i32
      %dma_start3A_68 = tpu.memref_slice %arg3[%mul3A_22, %dma_start3A_67] : memref<2560x128xi32, #tpu.memory_space<hbm>> -> memref<80x128xi32, #tpu.memory_space<hbm>>
      tpu.enqueue_dma source(%dma_start3A_68 : memref<80x128xi32, #tpu.memory_space<hbm>>) target(%arg7 : memref<80x128xi32, #tpu.memory_space<vmem>>) target_semaphore(%run_scoped3A : memref<!tpu.dma_semaphore, #tpu.memory_space<semaphore_mem>>)
      %dma_wait3A = arith.constant 0 : i32
      %dma_wait3A_69 = tpu.memref_slice %arg3[%mul3A_22, %dma_wait3A] : memref<2560x128xi32, #tpu.memory_space<hbm>> -> memref<80x128xi32, #tpu.memory_space<hbm>>
      %dma_wait3A_70 = arith.constant 0 : i32
      %dma_wait3A_71 = tpu.memref_slice %arg3[%mul3A_22, %dma_wait3A_70] : memref<2560x128xi32, #tpu.memory_space<hbm>> -> memref<80x128xi32, #tpu.memory_space<hbm>>
      tpu.wait_dma2 semaphore(%run_scoped3A : memref<!tpu.dma_semaphore, #tpu.memory_space<semaphore_mem>>) src(%dma_wait3A_71 : memref<80x128xi32, #tpu.memory_space<hbm>>) dst(%arg7 : memref<80x128xi32, #tpu.memory_space<vmem>>)
      tpu.yield
    }) : () -> ()
    %mul3A_23 = arith.constant 80 : i32
    %mul3A_24 = arith.muli %add3A, %mul3A_23 : i32
    "tpu.region"() ({
      %run_scoped3A = tpu.sem_alloc : memref<!tpu.dma_semaphore, #tpu.memory_space<semaphore_mem>>
      %dma_start3A = arith.constant 0 : i32
      %dma_start3A_66 = tpu.memref_slice %arg4[%mul3A_24, %dma_start3A] : memref<2560x128xi32, #tpu.memory_space<hbm>> -> memref<80x128xi32, #tpu.memory_space<hbm>>
      %dma_start3A_67 = arith.constant 0 : i32
      %dma_start3A_68 = tpu.memref_slice %arg4[%mul3A_24, %dma_start3A_67] : memref<2560x128xi32, #tpu.memory_space<hbm>> -> memref<80x128xi32, #tpu.memory_space<hbm>>
      tpu.enqueue_dma source(%dma_start3A_68 : memref<80x128xi32, #tpu.memory_space<hbm>>) target(%arg8 : memref<80x128xi32, #tpu.memory_space<vmem>>) target_semaphore(%run_scoped3A : memref<!tpu.dma_semaphore, #tpu.memory_space<semaphore_mem>>)
      %dma_wait3A = arith.constant 0 : i32
      %dma_wait3A_69 = tpu.memref_slice %arg4[%mul3A_24, %dma_wait3A] : memref<2560x128xi32, #tpu.memory_space<hbm>> -> memref<80x128xi32, #tpu.memory_space<hbm>>
      %dma_wait3A_70 = arith.constant 0 : i32
      %dma_wait3A_71 = tpu.memref_slice %arg4[%mul3A_24, %dma_wait3A_70] : memref<2560x128xi32, #tpu.memory_space<hbm>> -> memref<80x128xi32, #tpu.memory_space<hbm>>
      tpu.wait_dma2 semaphore(%run_scoped3A : memref<!tpu.dma_semaphore, #tpu.memory_space<semaphore_mem>>) src(%dma_wait3A_71 : memref<80x128xi32, #tpu.memory_space<hbm>>) dst(%arg8 : memref<80x128xi32, #tpu.memory_space<vmem>>)
      tpu.yield
    }) : () -> ()
    %barrier3A = arith.constant 0 : index
    tpu.barrier barrier_id(%barrier3A)
    %scan3A = arith.constant 0 : i32
    %scan3A_25 = arith.constant 0 : i32
    %scan3A_26 = arith.constant 80 : i32
    %scan3A_27 = arith.addi %scan3A_25, %scan3A_26 : i32
    %scan3A_28 = arith.constant 1 : i32
    scf.for %scan3A_66 = %scan3A_25 to %scan3A_27 step %scan3A_28  : i32 {
      %dma_start3A = arith.constant 0 : i32
      %dma_start3A_67 = tpu.memref_slice %arg7[%scan3A_66, %dma_start3A] : memref<80x128xi32, #tpu.memory_space<vmem>> -> memref<1x128xi32, #tpu.memory_space<vmem>>
      %dma_start3A_68 = tpu.memref_squeeze %dma_start3A_67 : memref<1x128xi32, #tpu.memory_space<vmem>> -> memref<128xi32, #tpu.memory_space<vmem>>
      %dma_start3A_69 = arith.constant 0 : i32
      %dma_start3A_70 = arith.constant 0 : i32
      %dma_start3A_71 = tpu.memref_slice %arg2[%dma_start3A_69, %dma_start3A_70] : memref<10000x128xf32, #tpu.memory_space<hbm>> -> memref<10000x128xf32, #tpu.memory_space<hbm>>
      tpu.enqueue_indirect_dma source(%dma_start3A_71 : memref<10000x128xf32, #tpu.memory_space<hbm>>) target(%arg9 : memref<128x128xf32, #tpu.memory_space<vmem>>) offsets(%dma_start3A_68 : memref<128xi32, #tpu.memory_space<vmem>>) semaphore(%arg11 : memref<!tpu.dma_semaphore, #tpu.memory_space<semaphore_mem>>)
      %dma_wait3A = arith.constant 0 : i32
      %dma_wait3A_72 = tpu.memref_slice %arg7[%scan3A_66, %dma_wait3A] : memref<80x128xi32, #tpu.memory_space<vmem>> -> memref<1x128xi32, #tpu.memory_space<vmem>>
      %dma_wait3A_73 = tpu.memref_squeeze %dma_wait3A_72 : memref<1x128xi32, #tpu.memory_space<vmem>> -> memref<128xi32, #tpu.memory_space<vmem>>
      %dma_wait3A_74 = arith.constant 0 : i32
      %dma_wait3A_75 = arith.constant 0 : i32
      %dma_wait3A_76 = tpu.memref_slice %arg2[%dma_wait3A_74, %dma_wait3A_75] : memref<10000x128xf32, #tpu.memory_space<hbm>> -> memref<10000x128xf32, #tpu.memory_space<hbm>>
      tpu.wait_indirect_dma semaphore(%arg11 : memref<!tpu.dma_semaphore, #tpu.memory_space<semaphore_mem>>) src(%dma_wait3A_76 : memref<10000x128xf32, #tpu.memory_space<hbm>>) dst(%arg9 : memref<128x128xf32, #tpu.memory_space<vmem>>)
      "tpu.region"() ({
        %run_scoped3A = tpu.sem_alloc : memref<!tpu.dma_semaphore, #tpu.memory_space<semaphore_mem>>
        %dma_start3A_77 = arith.constant 0 : i32
        %dma_start3A_78 = tpu.memref_slice %arg8[%scan3A_66, %dma_start3A_77] : memref<80x128xi32, #tpu.memory_space<vmem>> -> memref<1x128xi32, #tpu.memory_space<vmem>>
        %dma_start3A_79 = tpu.memref_squeeze %dma_start3A_78 : memref<1x128xi32, #tpu.memory_space<vmem>> -> memref<128xi32, #tpu.memory_space<vmem>>
        %dma_start3A_80 = arith.constant 0 : i32
        %dma_start3A_81 = arith.constant 0 : i32
        %dma_start3A_82 = tpu.memref_slice %arg10[%dma_start3A_80, %dma_start3A_81] : memref<10240x128xf32, #tpu.memory_space<vmem_shared>> -> memref<10240x128xf32, #tpu.memory_space<vmem_shared>>
        tpu.enqueue_indirect_dma source(%arg9 : memref<128x128xf32, #tpu.memory_space<vmem>>) target(%dma_start3A_82 : memref<10240x128xf32, #tpu.memory_space<vmem_shared>>) offsets(%dma_start3A_79 : memref<128xi32, #tpu.memory_space<vmem>>) semaphore(%run_scoped3A : memref<!tpu.dma_semaphore, #tpu.memory_space<semaphore_mem>>) {add = true}
        %dma_wait3A_83 = arith.constant 0 : i32
        %dma_wait3A_84 = tpu.memref_slice %arg8[%scan3A_66, %dma_wait3A_83] : memref<80x128xi32, #tpu.memory_space<vmem>> -> memref<1x128xi32, #tpu.memory_space<vmem>>
        %dma_wait3A_85 = tpu.memref_squeeze %dma_wait3A_84 : memref<1x128xi32, #tpu.memory_space<vmem>> -> memref<128xi32, #tpu.memory_space<vmem>>
        %dma_wait3A_86 = arith.constant 0 : i32
        %dma_wait3A_87 = arith.constant 0 : i32
        %dma_wait3A_88 = tpu.memref_slice %arg10[%dma_wait3A_86, %dma_wait3A_87] : memref<10240x128xf32, #tpu.memory_space<vmem_shared>> -> memref<10240x128xf32, #tpu.memory_space<vmem_shared>>
        tpu.wait_indirect_dma semaphore(%run_scoped3A : memref<!tpu.dma_semaphore, #tpu.memory_space<semaphore_mem>>) src(%arg9 : memref<128x128xf32, #tpu.memory_space<vmem>>) dst(%dma_wait3A_88 : memref<10240x128xf32, #tpu.memory_space<vmem_shared>>)
        tpu.yield
      }) : () -> ()
    }
    %scan3A_29 = arith.constant 80 : i32
    %barrier3A_30 = arith.constant 0 : index
    tpu.barrier barrier_id(%barrier3A_30)
    %mul3A_31 = arith.constant 640 : i32
    %mul3A_32 = arith.muli %arg1, %mul3A_31 : i32
    %add3A_33 = arith.constant 0 : i32
    %add3A_34 = arith.addi %mul3A_32, %add3A_33 : i32
    "tpu.region"() ({
      %run_scoped3A = tpu.sem_alloc : memref<!tpu.dma_semaphore, #tpu.memory_space<semaphore_mem>>
      %dma_start3A = arith.constant 0 : i32
      %dma_start3A_66 = tpu.memref_slice %arg10[%add3A_34, %dma_start3A] : memref<10240x128xf32, #tpu.memory_space<vmem_shared>> -> memref<128x128xf32, #tpu.memory_space<vmem_shared>>
      %dma_start3A_67 = arith.constant 0 : i32
      %dma_start3A_68 = tpu.memref_slice %arg10[%add3A_34, %dma_start3A_67] : memref<10240x128xf32, #tpu.memory_space<vmem_shared>> -> memref<128x128xf32, #tpu.memory_space<vmem_shared>>
      tpu.enqueue_dma source(%dma_start3A_68 : memref<128x128xf32, #tpu.memory_space<vmem_shared>>) target(%arg9 : memref<128x128xf32, #tpu.memory_space<vmem>>) target_semaphore(%run_scoped3A : memref<!tpu.dma_semaphore, #tpu.memory_space<semaphore_mem>>)
      %dma_wait3A = arith.constant 0 : i32
      %dma_wait3A_69 = tpu.memref_slice %arg10[%add3A_34, %dma_wait3A] : memref<10240x128xf32, #tpu.memory_space<vmem_shared>> -> memref<128x128xf32, #tpu.memory_space<vmem_shared>>
      %dma_wait3A_70 = arith.constant 0 : i32
      %dma_wait3A_71 = tpu.memref_slice %arg10[%add3A_34, %dma_wait3A_70] : memref<10240x128xf32, #tpu.memory_space<vmem_shared>> -> memref<128x128xf32, #tpu.memory_space<vmem_shared>>
      tpu.wait_dma2 semaphore(%run_scoped3A : memref<!tpu.dma_semaphore, #tpu.memory_space<semaphore_mem>>) src(%dma_wait3A_71 : memref<128x128xf32, #tpu.memory_space<vmem_shared>>) dst(%arg9 : memref<128x128xf32, #tpu.memory_space<vmem>>)
      tpu.yield
    }) : () -> ()
    %mul3A_35 = arith.constant 10240 : i32
    %mul3A_36 = arith.muli %arg0, %mul3A_35 : i32
    %add3A_37 = arith.addi %mul3A_36, %add3A_34 : i32
    "tpu.region"() ({
      %run_scoped3A = tpu.sem_alloc : memref<!tpu.dma_semaphore, #tpu.memory_space<semaphore_mem>>
      %dma_start3A = arith.constant 0 : i32
      %dma_start3A_66 = tpu.memref_slice %arg6[%add3A_37, %dma_start3A] : memref<20480x128xf32, #tpu.memory_space<hbm>> -> memref<128x128xf32, #tpu.memory_space<hbm>>
      %dma_start3A_67 = arith.constant 0 : i32
      %dma_start3A_68 = tpu.memref_slice %arg6[%add3A_37, %dma_start3A_67] : memref<20480x128xf32, #tpu.memory_space<hbm>> -> memref<128x128xf32, #tpu.memory_space<hbm>>
      tpu.enqueue_dma source(%arg9 : memref<128x128xf32, #tpu.memory_space<vmem>>) target(%dma_start3A_68 : memref<128x128xf32, #tpu.memory_space<hbm>>) target_semaphore(%run_scoped3A : memref<!tpu.dma_semaphore, #tpu.memory_space<semaphore_mem>>)
      %dma_wait3A = arith.constant 0 : i32
      %dma_wait3A_69 = tpu.memref_slice %arg6[%add3A_37, %dma_wait3A] : memref<20480x128xf32, #tpu.memory_space<hbm>> -> memref<128x128xf32, #tpu.memory_space<hbm>>
      %dma_wait3A_70 = arith.constant 0 : i32
      %dma_wait3A_71 = tpu.memref_slice %arg6[%add3A_37, %dma_wait3A_70] : memref<20480x128xf32, #tpu.memory_space<hbm>> -> memref<128x128xf32, #tpu.memory_space<hbm>>
      tpu.wait_dma2 semaphore(%run_scoped3A : memref<!tpu.dma_semaphore, #tpu.memory_space<semaphore_mem>>) src(%arg9 : memref<128x128xf32, #tpu.memory_space<vmem>>) dst(%dma_wait3A_71 : memref<128x128xf32, #tpu.memory_space<hbm>>)
      tpu.yield
    }) : () -> ()
    %mul3A_38 = arith.constant 640 : i32
    %mul3A_39 = arith.muli %arg1, %mul3A_38 : i32
    %add3A_40 = arith.constant 128 : i32
    %add3A_41 = arith.addi %mul3A_39, %add3A_40 : i32
    "tpu.region"() ({
      %run_scoped3A = tpu.sem_alloc : memref<!tpu.dma_semaphore, #tpu.memory_space<semaphore_mem>>
      %dma_start3A = arith.constant 0 : i32
      %dma_start3A_66 = tpu.memref_slice %arg10[%add3A_41, %dma_start3A] : memref<10240x128xf32, #tpu.memory_space<vmem_shared>> -> memref<128x128xf32, #tpu.memory_space<vmem_shared>>
      %dma_start3A_67 = arith.constant 0 : i32
      %dma_start3A_68 = tpu.memref_slice %arg10[%add3A_41, %dma_start3A_67] : memref<10240x128xf32, #tpu.memory_space<vmem_shared>> -> memref<128x128xf32, #tpu.memory_space<vmem_shared>>
      tpu.enqueue_dma source(%dma_start3A_68 : memref<128x128xf32, #tpu.memory_space<vmem_shared>>) target(%arg9 : memref<128x128xf32, #tpu.memory_space<vmem>>) target_semaphore(%run_scoped3A : memref<!tpu.dma_semaphore, #tpu.memory_space<semaphore_mem>>)
      %dma_wait3A = arith.constant 0 : i32
      %dma_wait3A_69 = tpu.memref_slice %arg10[%add3A_41, %dma_wait3A] : memref<10240x128xf32, #tpu.memory_space<vmem_shared>> -> memref<128x128xf32, #tpu.memory_space<vmem_shared>>
      %dma_wait3A_70 = arith.constant 0 : i32
      %dma_wait3A_71 = tpu.memref_slice %arg10[%add3A_41, %dma_wait3A_70] : memref<10240x128xf32, #tpu.memory_space<vmem_shared>> -> memref<128x128xf32, #tpu.memory_space<vmem_shared>>
      tpu.wait_dma2 semaphore(%run_scoped3A : memref<!tpu.dma_semaphore, #tpu.memory_space<semaphore_mem>>) src(%dma_wait3A_71 : memref<128x128xf32, #tpu.memory_space<vmem_shared>>) dst(%arg9 : memref<128x128xf32, #tpu.memory_space<vmem>>)
      tpu.yield
    }) : () -> ()
    %mul3A_42 = arith.constant 10240 : i32
    %mul3A_43 = arith.muli %arg0, %mul3A_42 : i32
    %add3A_44 = arith.addi %mul3A_43, %add3A_41 : i32
    "tpu.region"() ({
      %run_scoped3A = tpu.sem_alloc : memref<!tpu.dma_semaphore, #tpu.memory_space<semaphore_mem>>
      %dma_start3A = arith.constant 0 : i32
      %dma_start3A_66 = tpu.memref_slice %arg6[%add3A_44, %dma_start3A] : memref<20480x128xf32, #tpu.memory_space<hbm>> -> memref<128x128xf32, #tpu.memory_space<hbm>>
      %dma_start3A_67 = arith.constant 0 : i32
      %dma_start3A_68 = tpu.memref_slice %arg6[%add3A_44, %dma_start3A_67] : memref<20480x128xf32, #tpu.memory_space<hbm>> -> memref<128x128xf32, #tpu.memory_space<hbm>>
      tpu.enqueue_dma source(%arg9 : memref<128x128xf32, #tpu.memory_space<vmem>>) target(%dma_start3A_68 : memref<128x128xf32, #tpu.memory_space<hbm>>) target_semaphore(%run_scoped3A : memref<!tpu.dma_semaphore, #tpu.memory_space<semaphore_mem>>)
      %dma_wait3A = arith.constant 0 : i32
      %dma_wait3A_69 = tpu.memref_slice %arg6[%add3A_44, %dma_wait3A] : memref<20480x128xf32, #tpu.memory_space<hbm>> -> memref<128x128xf32, #tpu.memory_space<hbm>>
      %dma_wait3A_70 = arith.constant 0 : i32
      %dma_wait3A_71 = tpu.memref_slice %arg6[%add3A_44, %dma_wait3A_70] : memref<20480x128xf32, #tpu.memory_space<hbm>> -> memref<128x128xf32, #tpu.memory_space<hbm>>
      tpu.wait_dma2 semaphore(%run_scoped3A : memref<!tpu.dma_semaphore, #tpu.memory_space<semaphore_mem>>) src(%arg9 : memref<128x128xf32, #tpu.memory_space<vmem>>) dst(%dma_wait3A_71 : memref<128x128xf32, #tpu.memory_space<hbm>>)
      tpu.yield
    }) : () -> ()
    %mul3A_45 = arith.constant 640 : i32
    %mul3A_46 = arith.muli %arg1, %mul3A_45 : i32
    %add3A_47 = arith.constant 256 : i32
    %add3A_48 = arith.addi %mul3A_46, %add3A_47 : i32
    "tpu.region"() ({
      %run_scoped3A = tpu.sem_alloc : memref<!tpu.dma_semaphore, #tpu.memory_space<semaphore_mem>>
      %dma_start3A = arith.constant 0 : i32
      %dma_start3A_66 = tpu.memref_slice %arg10[%add3A_48, %dma_start3A] : memref<10240x128xf32, #tpu.memory_space<vmem_shared>> -> memref<128x128xf32, #tpu.memory_space<vmem_shared>>
      %dma_start3A_67 = arith.constant 0 : i32
      %dma_start3A_68 = tpu.memref_slice %arg10[%add3A_48, %dma_start3A_67] : memref<10240x128xf32, #tpu.memory_space<vmem_shared>> -> memref<128x128xf32, #tpu.memory_space<vmem_shared>>
      tpu.enqueue_dma source(%dma_start3A_68 : memref<128x128xf32, #tpu.memory_space<vmem_shared>>) target(%arg9 : memref<128x128xf32, #tpu.memory_space<vmem>>) target_semaphore(%run_scoped3A : memref<!tpu.dma_semaphore, #tpu.memory_space<semaphore_mem>>)
      %dma_wait3A = arith.constant 0 : i32
      %dma_wait3A_69 = tpu.memref_slice %arg10[%add3A_48, %dma_wait3A] : memref<10240x128xf32, #tpu.memory_space<vmem_shared>> -> memref<128x128xf32, #tpu.memory_space<vmem_shared>>
      %dma_wait3A_70 = arith.constant 0 : i32
      %dma_wait3A_71 = tpu.memref_slice %arg10[%add3A_48, %dma_wait3A_70] : memref<10240x128xf32, #tpu.memory_space<vmem_shared>> -> memref<128x128xf32, #tpu.memory_space<vmem_shared>>
      tpu.wait_dma2 semaphore(%run_scoped3A : memref<!tpu.dma_semaphore, #tpu.memory_space<semaphore_mem>>) src(%dma_wait3A_71 : memref<128x128xf32, #tpu.memory_space<vmem_shared>>) dst(%arg9 : memref<128x128xf32, #tpu.memory_space<vmem>>)
      tpu.yield
    }) : () -> ()
    %mul3A_49 = arith.constant 10240 : i32
    %mul3A_50 = arith.muli %arg0, %mul3A_49 : i32
    %add3A_51 = arith.addi %mul3A_50, %add3A_48 : i32
    "tpu.region"() ({
      %run_scoped3A = tpu.sem_alloc : memref<!tpu.dma_semaphore, #tpu.memory_space<semaphore_mem>>
      %dma_start3A = arith.constant 0 : i32
      %dma_start3A_66 = tpu.memref_slice %arg6[%add3A_51, %dma_start3A] : memref<20480x128xf32, #tpu.memory_space<hbm>> -> memref<128x128xf32, #tpu.memory_space<hbm>>
      %dma_start3A_67 = arith.constant 0 : i32
      %dma_start3A_68 = tpu.memref_slice %arg6[%add3A_51, %dma_start3A_67] : memref<20480x128xf32, #tpu.memory_space<hbm>> -> memref<128x128xf32, #tpu.memory_space<hbm>>
      tpu.enqueue_dma source(%arg9 : memref<128x128xf32, #tpu.memory_space<vmem>>) target(%dma_start3A_68 : memref<128x128xf32, #tpu.memory_space<hbm>>) target_semaphore(%run_scoped3A : memref<!tpu.dma_semaphore, #tpu.memory_space<semaphore_mem>>)
      %dma_wait3A = arith.constant 0 : i32
      %dma_wait3A_69 = tpu.memref_slice %arg6[%add3A_51, %dma_wait3A] : memref<20480x128xf32, #tpu.memory_space<hbm>> -> memref<128x128xf32, #tpu.memory_space<hbm>>
      %dma_wait3A_70 = arith.constant 0 : i32
      %dma_wait3A_71 = tpu.memref_slice %arg6[%add3A_51, %dma_wait3A_70] : memref<20480x128xf32, #tpu.memory_space<hbm>> -> memref<128x128xf32, #tpu.memory_space<hbm>>
      tpu.wait_dma2 semaphore(%run_scoped3A : memref<!tpu.dma_semaphore, #tpu.memory_space<semaphore_mem>>) src(%arg9 : memref<128x128xf32, #tpu.memory_space<vmem>>) dst(%dma_wait3A_71 : memref<128x128xf32, #tpu.memory_space<hbm>>)
      tpu.yield
    }) : () -> ()
    %mul3A_52 = arith.constant 640 : i32
    %mul3A_53 = arith.muli %arg1, %mul3A_52 : i32
    %add3A_54 = arith.constant 384 : i32
    %add3A_55 = arith.addi %mul3A_53, %add3A_54 : i32
    "tpu.region"() ({
      %run_scoped3A = tpu.sem_alloc : memref<!tpu.dma_semaphore, #tpu.memory_space<semaphore_mem>>
      %dma_start3A = arith.constant 0 : i32
      %dma_start3A_66 = tpu.memref_slice %arg10[%add3A_55, %dma_start3A] : memref<10240x128xf32, #tpu.memory_space<vmem_shared>> -> memref<128x128xf32, #tpu.memory_space<vmem_shared>>
      %dma_start3A_67 = arith.constant 0 : i32
      %dma_start3A_68 = tpu.memref_slice %arg10[%add3A_55, %dma_start3A_67] : memref<10240x128xf32, #tpu.memory_space<vmem_shared>> -> memref<128x128xf32, #tpu.memory_space<vmem_shared>>
      tpu.enqueue_dma source(%dma_start3A_68 : memref<128x128xf32, #tpu.memory_space<vmem_shared>>) target(%arg9 : memref<128x128xf32, #tpu.memory_space<vmem>>) target_semaphore(%run_scoped3A : memref<!tpu.dma_semaphore, #tpu.memory_space<semaphore_mem>>)
      %dma_wait3A = arith.constant 0 : i32
      %dma_wait3A_69 = tpu.memref_slice %arg10[%add3A_55, %dma_wait3A] : memref<10240x128xf32, #tpu.memory_space<vmem_shared>> -> memref<128x128xf32, #tpu.memory_space<vmem_shared>>
      %dma_wait3A_70 = arith.constant 0 : i32
      %dma_wait3A_71 = tpu.memref_slice %arg10[%add3A_55, %dma_wait3A_70] : memref<10240x128xf32, #tpu.memory_space<vmem_shared>> -> memref<128x128xf32, #tpu.memory_space<vmem_shared>>
      tpu.wait_dma2 semaphore(%run_scoped3A : memref<!tpu.dma_semaphore, #tpu.memory_space<semaphore_mem>>) src(%dma_wait3A_71 : memref<128x128xf32, #tpu.memory_space<vmem_shared>>) dst(%arg9 : memref<128x128xf32, #tpu.memory_space<vmem>>)
      tpu.yield
    }) : () -> ()
    %mul3A_56 = arith.constant 10240 : i32
    %mul3A_57 = arith.muli %arg0, %mul3A_56 : i32
    %add3A_58 = arith.addi %mul3A_57, %add3A_55 : i32
    "tpu.region"() ({
      %run_scoped3A = tpu.sem_alloc : memref<!tpu.dma_semaphore, #tpu.memory_space<semaphore_mem>>
      %dma_start3A = arith.constant 0 : i32
      %dma_start3A_66 = tpu.memref_slice %arg6[%add3A_58, %dma_start3A] : memref<20480x128xf32, #tpu.memory_space<hbm>> -> memref<128x128xf32, #tpu.memory_space<hbm>>
      %dma_start3A_67 = arith.constant 0 : i32
      %dma_start3A_68 = tpu.memref_slice %arg6[%add3A_58, %dma_start3A_67] : memref<20480x128xf32, #tpu.memory_space<hbm>> -> memref<128x128xf32, #tpu.memory_space<hbm>>
      tpu.enqueue_dma source(%arg9 : memref<128x128xf32, #tpu.memory_space<vmem>>) target(%dma_start3A_68 : memref<128x128xf32, #tpu.memory_space<hbm>>) target_semaphore(%run_scoped3A : memref<!tpu.dma_semaphore, #tpu.memory_space<semaphore_mem>>)
      %dma_wait3A = arith.constant 0 : i32
      %dma_wait3A_69 = tpu.memref_slice %arg6[%add3A_58, %dma_wait3A] : memref<20480x128xf32, #tpu.memory_space<hbm>> -> memref<128x128xf32, #tpu.memory_space<hbm>>
      %dma_wait3A_70 = arith.constant 0 : i32
      %dma_wait3A_71 = tpu.memref_slice %arg6[%add3A_58, %dma_wait3A_70] : memref<20480x128xf32, #tpu.memory_space<hbm>> -> memref<128x128xf32, #tpu.memory_space<hbm>>
      tpu.wait_dma2 semaphore(%run_scoped3A : memref<!tpu.dma_semaphore, #tpu.memory_space<semaphore_mem>>) src(%arg9 : memref<128x128xf32, #tpu.memory_space<vmem>>) dst(%dma_wait3A_71 : memref<128x128xf32, #tpu.memory_space<hbm>>)
      tpu.yield
    }) : () -> ()
    %mul3A_59 = arith.constant 640 : i32
    %mul3A_60 = arith.muli %arg1, %mul3A_59 : i32
    %add3A_61 = arith.constant 512 : i32
    %add3A_62 = arith.addi %mul3A_60, %add3A_61 : i32
    "tpu.region"() ({
      %run_scoped3A = tpu.sem_alloc : memref<!tpu.dma_semaphore, #tpu.memory_space<semaphore_mem>>
      %dma_start3A = arith.constant 0 : i32
      %dma_start3A_66 = tpu.memref_slice %arg10[%add3A_62, %dma_start3A] : memref<10240x128xf32, #tpu.memory_space<vmem_shared>> -> memref<128x128xf32, #tpu.memory_space<vmem_shared>>
      %dma_start3A_67 = arith.constant 0 : i32
      %dma_start3A_68 = tpu.memref_slice %arg10[%add3A_62, %dma_start3A_67] : memref<10240x128xf32, #tpu.memory_space<vmem_shared>> -> memref<128x128xf32, #tpu.memory_space<vmem_shared>>
      tpu.enqueue_dma source(%dma_start3A_68 : memref<128x128xf32, #tpu.memory_space<vmem_shared>>) target(%arg9 : memref<128x128xf32, #tpu.memory_space<vmem>>) target_semaphore(%run_scoped3A : memref<!tpu.dma_semaphore, #tpu.memory_space<semaphore_mem>>)
      %dma_wait3A = arith.constant 0 : i32
      %dma_wait3A_69 = tpu.memref_slice %arg10[%add3A_62, %dma_wait3A] : memref<10240x128xf32, #tpu.memory_space<vmem_shared>> -> memref<128x128xf32, #tpu.memory_space<vmem_shared>>
      %dma_wait3A_70 = arith.constant 0 : i32
      %dma_wait3A_71 = tpu.memref_slice %arg10[%add3A_62, %dma_wait3A_70] : memref<10240x128xf32, #tpu.memory_space<vmem_shared>> -> memref<128x128xf32, #tpu.memory_space<vmem_shared>>
      tpu.wait_dma2 semaphore(%run_scoped3A : memref<!tpu.dma_semaphore, #tpu.memory_space<semaphore_mem>>) src(%dma_wait3A_71 : memref<128x128xf32, #tpu.memory_space<vmem_shared>>) dst(%arg9 : memref<128x128xf32, #tpu.memory_space<vmem>>)
      tpu.yield
    }) : () -> ()
    %mul3A_63 = arith.constant 10240 : i32
    %mul3A_64 = arith.muli %arg0, %mul3A_63 : i32
    %add3A_65 = arith.addi %mul3A_64, %add3A_62 : i32
    "tpu.region"() ({
      %run_scoped3A = tpu.sem_alloc : memref<!tpu.dma_semaphore, #tpu.memory_space<semaphore_mem>>
      %dma_start3A = arith.constant 0 : i32
      %dma_start3A_66 = tpu.memref_slice %arg6[%add3A_65, %dma_start3A] : memref<20480x128xf32, #tpu.memory_space<hbm>> -> memref<128x128xf32, #tpu.memory_space<hbm>>
      %dma_start3A_67 = arith.constant 0 : i32
      %dma_start3A_68 = tpu.memref_slice %arg6[%add3A_65, %dma_start3A_67] : memref<20480x128xf32, #tpu.memory_space<hbm>> -> memref<128x128xf32, #tpu.memory_space<hbm>>
      tpu.enqueue_dma source(%arg9 : memref<128x128xf32, #tpu.memory_space<vmem>>) target(%dma_start3A_68 : memref<128x128xf32, #tpu.memory_space<hbm>>) target_semaphore(%run_scoped3A : memref<!tpu.dma_semaphore, #tpu.memory_space<semaphore_mem>>)
      %dma_wait3A = arith.constant 0 : i32
      %dma_wait3A_69 = tpu.memref_slice %arg6[%add3A_65, %dma_wait3A] : memref<20480x128xf32, #tpu.memory_space<hbm>> -> memref<128x128xf32, #tpu.memory_space<hbm>>
      %dma_wait3A_70 = arith.constant 0 : i32
      %dma_wait3A_71 = tpu.memref_slice %arg6[%add3A_65, %dma_wait3A_70] : memref<20480x128xf32, #tpu.memory_space<hbm>> -> memref<128x128xf32, #tpu.memory_space<hbm>>
      tpu.wait_dma2 semaphore(%run_scoped3A : memref<!tpu.dma_semaphore, #tpu.memory_space<semaphore_mem>>) src(%arg9 : memref<128x128xf32, #tpu.memory_space<vmem>>) dst(%dma_wait3A_71 : memref<128x128xf32, #tpu.memory_space<hbm>>)
      tpu.yield
    }) : () -> ()
    return
  }
}

module attributes {stable_mosaic.version = 14 : i64} {
  func.func @_dense_body(%arg0: memref<10000x128xf32, #tpu.memory_space<vmem>>, %arg1: memref<10000x128xf32, #tpu.memory_space<vmem>>, %arg2: memref<10000x128xf32, #tpu.memory_space<vmem>>, %arg3: memref<10000x128xf32, #tpu.memory_space<vmem>>, %arg4: memref<10000x128xf32, #tpu.memory_space<vmem>>, %arg5: memref<128x128xf32, #tpu.memory_space<vmem>>, %arg6: memref<16x128xf32, #tpu.memory_space<vmem>>, %arg7: memref<128x128xf32, #tpu.memory_space<vmem>>, %arg8: memref<1x128xf32, #tpu.memory_space<vmem>>, %arg9: memref<1x128xf32, #tpu.memory_space<vmem>>, %arg10: memref<1x128xf32, #tpu.memory_space<vmem>>, %arg11: memref<1x128xf32, #tpu.memory_space<vmem>>, %arg12: memref<10000x128xf32, #tpu.memory_space<vmem>>) attributes {dimension_semantics = [], scalar_prefetch = 0 : i64, scratch_operands = 0 : i64, tpu.core_type = #tpu.core_type<tc>} {
    %get3A = arith.constant 0 : index
    %get3A_0 = arith.constant 0 : index
    %get3A_1 = vector.load %arg3[%get3A, %get3A_0] : memref<10000x128xf32, #tpu.memory_space<vmem>>, vector<10000x16xf32>
    %get3A_2 = arith.constant 0 : index
    %get3A_3 = arith.constant 0 : index
    %get3A_4 = vector.load %arg4[%get3A_2, %get3A_3] : memref<10000x128xf32, #tpu.memory_space<vmem>>, vector<10000x16xf32>
    %add3A = arith.addf %get3A_1, %get3A_4 : vector<10000x16xf32>
    %get3A_5 = arith.constant 0 : index
    %get3A_6 = arith.constant 16 : index
    %get3A_7 = vector.load %arg3[%get3A_5, %get3A_6] : memref<10000x128xf32, #tpu.memory_space<vmem>>, vector<10000x1xf32>
    %get3A_8 = arith.constant 0 : index
    %get3A_9 = arith.constant 16 : index
    %get3A_10 = vector.load %arg4[%get3A_8, %get3A_9] : memref<10000x128xf32, #tpu.memory_space<vmem>>, vector<10000x1xf32>
    %add3A_11 = arith.addf %get3A_7, %get3A_10 : vector<10000x1xf32>
    %get3A_12 = arith.constant 0 : index
    %get3A_13 = arith.constant 0 : index
    %get3A_14 = vector.load %arg1[%get3A_12, %get3A_13] : memref<10000x128xf32, #tpu.memory_space<vmem>>, vector<10000x128xf32>
    %get3A_15 = arith.constant 0 : index
    %get3A_16 = arith.constant 0 : index
    %get3A_17 = vector.load %arg2[%get3A_15, %get3A_16] : memref<10000x128xf32, #tpu.memory_space<vmem>>, vector<10000x128xf32>
    %add3A_18 = arith.addf %get3A_14, %get3A_17 : vector<10000x128xf32>
    %get3A_19 = arith.constant 0 : index
    %get3A_20 = arith.constant 0 : index
    %get3A_21 = vector.load %arg5[%get3A_19, %get3A_20] : memref<128x128xf32, #tpu.memory_space<vmem>>, vector<128x128xf32>
    %dot_general3A = arith.constant dense<0.000000e+00> : vector<10000x128xf32>
    %dot_general3A_22 = tpu.matmul %add3A_18, %get3A_21, %dot_general3A {dimension_numbers = #tpu.dot_dimension_numbers<[1], [0], [0], [1], [0, 0, 1, 1], [], []>, transpose_lhs_hint = false} : vector<10000x128xf32>, vector<128x128xf32>, vector<10000x128xf32> -> vector<10000x128xf32>
    %get3A_23 = arith.constant 0 : index
    %get3A_24 = arith.constant 0 : index
    %get3A_25 = vector.load %arg6[%get3A_23, %get3A_24] : memref<16x128xf32, #tpu.memory_space<vmem>>, vector<16x128xf32>
    %dot_general3A_26 = arith.constant dense<0.000000e+00> : vector<10000x128xf32>
    %dot_general3A_27 = tpu.matmul %add3A, %get3A_25, %dot_general3A_26 {dimension_numbers = #tpu.dot_dimension_numbers<[1], [0], [0], [1], [0, 0, 1, 1], [], []>, transpose_lhs_hint = false} : vector<10000x16xf32>, vector<16x128xf32>, vector<10000x128xf32> -> vector<10000x128xf32>
    %add3A_28 = arith.addf %dot_general3A_22, %dot_general3A_27 : vector<10000x128xf32>
    %get3A_29 = arith.constant 0 : index
    %get3A_30 = arith.constant 0 : index
    %get3A_31 = vector.load %arg8[%get3A_29, %get3A_30] : memref<1x128xf32, #tpu.memory_space<vmem>>, vector<1x128xf32>
    %mul3A = vector.broadcast %add3A_11 : vector<10000x1xf32> to vector<10000x128xf32>
    %mul3A_32 = vector.broadcast %get3A_31 : vector<1x128xf32> to vector<10000x128xf32>
    %mul3A_33 = arith.mulf %mul3A, %mul3A_32 : vector<10000x128xf32>
    %add3A_34 = arith.addf %add3A_28, %mul3A_33 : vector<10000x128xf32>
    %max3A = arith.constant 1.000000e+00 : f32
    %max3A_35 = vector.broadcast %max3A : f32 to vector<10000x1xf32>
    %max3A_36 = arith.maximumf %add3A_11, %max3A_35 : vector<10000x1xf32>
    %div3A = vector.broadcast %max3A_36 : vector<10000x1xf32> to vector<10000x128xf32>
    %div3A_37 = arith.divf %add3A_34, %div3A : vector<10000x128xf32>
    %get3A_38 = arith.constant 0 : index
    %get3A_39 = arith.constant 0 : index
    %get3A_40 = vector.load %arg0[%get3A_38, %get3A_39] : memref<10000x128xf32, #tpu.memory_space<vmem>>, vector<10000x128xf32>
    %get3A_41 = arith.constant 0 : index
    %get3A_42 = arith.constant 0 : index
    %get3A_43 = vector.load %arg7[%get3A_41, %get3A_42] : memref<128x128xf32, #tpu.memory_space<vmem>>, vector<128x128xf32>
    %dot_general3A_44 = arith.constant dense<0.000000e+00> : vector<10000x128xf32>
    %dot_general3A_45 = tpu.matmul %get3A_40, %get3A_43, %dot_general3A_44 {dimension_numbers = #tpu.dot_dimension_numbers<[1], [0], [0], [1], [0, 0, 1, 1], [], []>, transpose_lhs_hint = false} : vector<10000x128xf32>, vector<128x128xf32>, vector<10000x128xf32> -> vector<10000x128xf32>
    %get3A_46 = arith.constant 0 : index
    %get3A_47 = arith.constant 0 : index
    %get3A_48 = vector.load %arg9[%get3A_46, %get3A_47] : memref<1x128xf32, #tpu.memory_space<vmem>>, vector<1x128xf32>
    %add3A_49 = vector.broadcast %get3A_48 : vector<1x128xf32> to vector<10000x128xf32>
    %add3A_50 = arith.addf %dot_general3A_45, %add3A_49 : vector<10000x128xf32>
    %add3A_51 = arith.addf %add3A_50, %div3A_37 : vector<10000x128xf32>
    %max3A_52 = arith.constant 0.000000e+00 : f32
    %max3A_53 = vector.broadcast %max3A_52 : f32 to vector<10000x128xf32>
    %max3A_54 = arith.maximumf %add3A_51, %max3A_53 : vector<10000x128xf32>
    %reduce_sum3A = arith.constant dense<0.000000e+00> : vector<128xf32>
    %reduce_sum3A_55 = vector.multi_reduction <add>, %max3A_54, %reduce_sum3A [0] : vector<10000x128xf32> to vector<128xf32>
    %broadcast_in_dim3A = vector.shape_cast %reduce_sum3A_55 : vector<128xf32> to vector<1x128xf32>
    %div3A_56 = arith.constant 1.000000e+04 : f32
    %div3A_57 = vector.broadcast %div3A_56 : f32 to vector<1x128xf32>
    %div3A_58 = arith.divf %broadcast_in_dim3A, %div3A_57 : vector<1x128xf32>
    %sub3A = vector.broadcast %div3A_58 : vector<1x128xf32> to vector<10000x128xf32>
    %sub3A_59 = arith.subf %max3A_54, %sub3A : vector<10000x128xf32>
    %mul3A_60 = arith.mulf %sub3A_59, %sub3A_59 : vector<10000x128xf32>
    %reduce_sum3A_61 = arith.constant dense<0.000000e+00> : vector<128xf32>
    %reduce_sum3A_62 = vector.multi_reduction <add>, %mul3A_60, %reduce_sum3A_61 [0] : vector<10000x128xf32> to vector<128xf32>
    %broadcast_in_dim3A_63 = vector.shape_cast %reduce_sum3A_62 : vector<128xf32> to vector<1x128xf32>
    %div3A_64 = arith.constant 1.000000e+04 : f32
    %div3A_65 = vector.broadcast %div3A_64 : f32 to vector<1x128xf32>
    %div3A_66 = arith.divf %broadcast_in_dim3A_63, %div3A_65 : vector<1x128xf32>
    %add3A_67 = arith.constant 9.99999974E-6 : f32
    %add3A_68 = vector.broadcast %add3A_67 : f32 to vector<1x128xf32>
    %add3A_69 = arith.addf %div3A_66, %add3A_68 : vector<1x128xf32>
    %rsqrt3A = math.rsqrt %add3A_69 : vector<1x128xf32>
    %mul3A_70 = vector.broadcast %rsqrt3A : vector<1x128xf32> to vector<10000x128xf32>
    %mul3A_71 = arith.mulf %sub3A_59, %mul3A_70 : vector<10000x128xf32>
    %get3A_72 = arith.constant 0 : index
    %get3A_73 = arith.constant 0 : index
    %get3A_74 = vector.load %arg10[%get3A_72, %get3A_73] : memref<1x128xf32, #tpu.memory_space<vmem>>, vector<1x128xf32>
    %mul3A_75 = vector.broadcast %get3A_74 : vector<1x128xf32> to vector<10000x128xf32>
    %mul3A_76 = arith.mulf %mul3A_71, %mul3A_75 : vector<10000x128xf32>
    %get3A_77 = arith.constant 0 : index
    %get3A_78 = arith.constant 0 : index
    %get3A_79 = vector.load %arg11[%get3A_77, %get3A_78] : memref<1x128xf32, #tpu.memory_space<vmem>>, vector<1x128xf32>
    %add3A_80 = vector.broadcast %get3A_79 : vector<1x128xf32> to vector<10000x128xf32>
    %add3A_81 = arith.addf %mul3A_76, %add3A_80 : vector<10000x128xf32>
    %max3A_82 = arith.constant 0.000000e+00 : f32
    %max3A_83 = vector.broadcast %max3A_82 : f32 to vector<10000x128xf32>
    %max3A_84 = arith.maximumf %add3A_81, %max3A_83 : vector<10000x128xf32>
    %swap3A = arith.constant 0 : index
    %swap3A_85 = arith.constant 0 : index
    %swap3A_86 = vector.load %arg12[%swap3A, %swap3A_85] : memref<10000x128xf32, #tpu.memory_space<vmem>>, vector<10000x128xf32>
    tpu.vector_store %arg12[%swap3A, %swap3A_85], %max3A_84 {strides = array<i32>} : memref<10000x128xf32, #tpu.memory_space<vmem>>, vector<10000x128xf32>,
    return
  }
}

module attributes {stable_mosaic.version = 14 : i64} {
  func.func @_dense_body(%arg0: memref<10000x128xf32, #tpu.memory_space<vmem>>, %arg1: memref<10000x128xf32, #tpu.memory_space<vmem>>, %arg2: memref<10000x128xf32, #tpu.memory_space<vmem>>, %arg3: memref<10000x128xf32, #tpu.memory_space<vmem>>, %arg4: memref<10000x128xf32, #tpu.memory_space<vmem>>, %arg5: memref<128x128xf32, #tpu.memory_space<vmem>>, %arg6: memref<16x128xf32, #tpu.memory_space<vmem>>, %arg7: memref<128x128xf32, #tpu.memory_space<vmem>>, %arg8: memref<1x128xf32, #tpu.memory_space<vmem>>, %arg9: memref<1x128xf32, #tpu.memory_space<vmem>>, %arg10: memref<1x128xf32, #tpu.memory_space<vmem>>, %arg11: memref<1x128xf32, #tpu.memory_space<vmem>>, %arg12: memref<10000x128xf32, #tpu.memory_space<vmem>>) attributes {dimension_semantics = [], scalar_prefetch = 0 : i64, scratch_operands = 0 : i64, tpu.core_type = #tpu.core_type<tc>} {
    %get3A = arith.constant 0 : index
    %get3A_0 = arith.constant 0 : index
    %get3A_1 = vector.load %arg3[%get3A, %get3A_0] : memref<10000x128xf32, #tpu.memory_space<vmem>>, vector<10000x16xf32>
    %get3A_2 = arith.constant 0 : index
    %get3A_3 = arith.constant 0 : index
    %get3A_4 = vector.load %arg4[%get3A_2, %get3A_3] : memref<10000x128xf32, #tpu.memory_space<vmem>>, vector<10000x16xf32>
    %add3A = arith.addf %get3A_1, %get3A_4 : vector<10000x16xf32>
    %get3A_5 = arith.constant 0 : index
    %get3A_6 = arith.constant 16 : index
    %get3A_7 = vector.load %arg3[%get3A_5, %get3A_6] : memref<10000x128xf32, #tpu.memory_space<vmem>>, vector<10000x1xf32>
    %get3A_8 = arith.constant 0 : index
    %get3A_9 = arith.constant 16 : index
    %get3A_10 = vector.load %arg4[%get3A_8, %get3A_9] : memref<10000x128xf32, #tpu.memory_space<vmem>>, vector<10000x1xf32>
    %add3A_11 = arith.addf %get3A_7, %get3A_10 : vector<10000x1xf32>
    %get3A_12 = arith.constant 0 : index
    %get3A_13 = arith.constant 0 : index
    %get3A_14 = vector.load %arg1[%get3A_12, %get3A_13] : memref<10000x128xf32, #tpu.memory_space<vmem>>, vector<10000x128xf32>
    %get3A_15 = arith.constant 0 : index
    %get3A_16 = arith.constant 0 : index
    %get3A_17 = vector.load %arg2[%get3A_15, %get3A_16] : memref<10000x128xf32, #tpu.memory_space<vmem>>, vector<10000x128xf32>
    %add3A_18 = arith.addf %get3A_14, %get3A_17 : vector<10000x128xf32>
    %get3A_19 = arith.constant 0 : index
    %get3A_20 = arith.constant 0 : index
    %get3A_21 = vector.load %arg5[%get3A_19, %get3A_20] : memref<128x128xf32, #tpu.memory_space<vmem>>, vector<128x128xf32>
    %dot_general3A = arith.constant dense<0.000000e+00> : vector<10000x128xf32>
    %dot_general3A_22 = tpu.matmul %add3A_18, %get3A_21, %dot_general3A {dimension_numbers = #tpu.dot_dimension_numbers<[1], [0], [0], [1], [0, 0, 1, 1], [], []>, transpose_lhs_hint = false} : vector<10000x128xf32>, vector<128x128xf32>, vector<10000x128xf32> -> vector<10000x128xf32>
    %get3A_23 = arith.constant 0 : index
    %get3A_24 = arith.constant 0 : index
    %get3A_25 = vector.load %arg6[%get3A_23, %get3A_24] : memref<16x128xf32, #tpu.memory_space<vmem>>, vector<16x128xf32>
    %dot_general3A_26 = arith.constant dense<0.000000e+00> : vector<10000x128xf32>
    %dot_general3A_27 = tpu.matmul %add3A, %get3A_25, %dot_general3A_26 {dimension_numbers = #tpu.dot_dimension_numbers<[1], [0], [0], [1], [0, 0, 1, 1], [], []>, transpose_lhs_hint = false} : vector<10000x16xf32>, vector<16x128xf32>, vector<10000x128xf32> -> vector<10000x128xf32>
    %add3A_28 = arith.addf %dot_general3A_22, %dot_general3A_27 : vector<10000x128xf32>
    %get3A_29 = arith.constant 0 : index
    %get3A_30 = arith.constant 0 : index
    %get3A_31 = vector.load %arg8[%get3A_29, %get3A_30] : memref<1x128xf32, #tpu.memory_space<vmem>>, vector<1x128xf32>
    %mul3A = vector.broadcast %add3A_11 : vector<10000x1xf32> to vector<10000x128xf32>
    %mul3A_32 = vector.broadcast %get3A_31 : vector<1x128xf32> to vector<10000x128xf32>
    %mul3A_33 = arith.mulf %mul3A, %mul3A_32 : vector<10000x128xf32>
    %add3A_34 = arith.addf %add3A_28, %mul3A_33 : vector<10000x128xf32>
    %max3A = arith.constant 1.000000e+00 : f32
    %max3A_35 = vector.broadcast %max3A : f32 to vector<10000x1xf32>
    %max3A_36 = arith.maximumf %add3A_11, %max3A_35 : vector<10000x1xf32>
    %div3A = vector.broadcast %max3A_36 : vector<10000x1xf32> to vector<10000x128xf32>
    %div3A_37 = arith.divf %add3A_34, %div3A : vector<10000x128xf32>
    %get3A_38 = arith.constant 0 : index
    %get3A_39 = arith.constant 0 : index
    %get3A_40 = vector.load %arg0[%get3A_38, %get3A_39] : memref<10000x128xf32, #tpu.memory_space<vmem>>, vector<10000x128xf32>
    %get3A_41 = arith.constant 0 : index
    %get3A_42 = arith.constant 0 : index
    %get3A_43 = vector.load %arg7[%get3A_41, %get3A_42] : memref<128x128xf32, #tpu.memory_space<vmem>>, vector<128x128xf32>
    %dot_general3A_44 = arith.constant dense<0.000000e+00> : vector<10000x128xf32>
    %dot_general3A_45 = tpu.matmul %get3A_40, %get3A_43, %dot_general3A_44 {dimension_numbers = #tpu.dot_dimension_numbers<[1], [0], [0], [1], [0, 0, 1, 1], [], []>, transpose_lhs_hint = false} : vector<10000x128xf32>, vector<128x128xf32>, vector<10000x128xf32> -> vector<10000x128xf32>
    %get3A_46 = arith.constant 0 : index
    %get3A_47 = arith.constant 0 : index
    %get3A_48 = vector.load %arg9[%get3A_46, %get3A_47] : memref<1x128xf32, #tpu.memory_space<vmem>>, vector<1x128xf32>
    %add3A_49 = vector.broadcast %get3A_48 : vector<1x128xf32> to vector<10000x128xf32>
    %add3A_50 = arith.addf %dot_general3A_45, %add3A_49 : vector<10000x128xf32>
    %add3A_51 = arith.addf %add3A_50, %div3A_37 : vector<10000x128xf32>
    %max3A_52 = arith.constant 0.000000e+00 : f32
    %max3A_53 = vector.broadcast %max3A_52 : f32 to vector<10000x128xf32>
    %max3A_54 = arith.maximumf %add3A_51, %max3A_53 : vector<10000x128xf32>
    %reduce_sum3A = arith.constant dense<0.000000e+00> : vector<128xf32>
    %reduce_sum3A_55 = vector.multi_reduction <add>, %max3A_54, %reduce_sum3A [0] : vector<10000x128xf32> to vector<128xf32>
    %broadcast_in_dim3A = vector.shape_cast %reduce_sum3A_55 : vector<128xf32> to vector<1x128xf32>
    %div3A_56 = arith.constant 1.000000e+04 : f32
    %div3A_57 = vector.broadcast %div3A_56 : f32 to vector<1x128xf32>
    %div3A_58 = arith.divf %broadcast_in_dim3A, %div3A_57 : vector<1x128xf32>
    %sub3A = vector.broadcast %div3A_58 : vector<1x128xf32> to vector<10000x128xf32>
    %sub3A_59 = arith.subf %max3A_54, %sub3A : vector<10000x128xf32>
    %mul3A_60 = arith.mulf %sub3A_59, %sub3A_59 : vector<10000x128xf32>
    %reduce_sum3A_61 = arith.constant dense<0.000000e+00> : vector<128xf32>
    %reduce_sum3A_62 = vector.multi_reduction <add>, %mul3A_60, %reduce_sum3A_61 [0] : vector<10000x128xf32> to vector<128xf32>
    %broadcast_in_dim3A_63 = vector.shape_cast %reduce_sum3A_62 : vector<128xf32> to vector<1x128xf32>
    %div3A_64 = arith.constant 1.000000e+04 : f32
    %div3A_65 = vector.broadcast %div3A_64 : f32 to vector<1x128xf32>
    %div3A_66 = arith.divf %broadcast_in_dim3A_63, %div3A_65 : vector<1x128xf32>
    %add3A_67 = arith.constant 9.99999974E-6 : f32
    %add3A_68 = vector.broadcast %add3A_67 : f32 to vector<1x128xf32>
    %add3A_69 = arith.addf %div3A_66, %add3A_68 : vector<1x128xf32>
    %rsqrt3A = math.rsqrt %add3A_69 : vector<1x128xf32>
    %mul3A_70 = vector.broadcast %rsqrt3A : vector<1x128xf32> to vector<10000x128xf32>
    %mul3A_71 = arith.mulf %sub3A_59, %mul3A_70 : vector<10000x128xf32>
    %get3A_72 = arith.constant 0 : index
    %get3A_73 = arith.constant 0 : index
    %get3A_74 = vector.load %arg10[%get3A_72, %get3A_73] : memref<1x128xf32, #tpu.memory_space<vmem>>, vector<1x128xf32>
    %mul3A_75 = vector.broadcast %get3A_74 : vector<1x128xf32> to vector<10000x128xf32>
    %mul3A_76 = arith.mulf %mul3A_71, %mul3A_75 : vector<10000x128xf32>
    %get3A_77 = arith.constant 0 : index
    %get3A_78 = arith.constant 0 : index
    %get3A_79 = vector.load %arg11[%get3A_77, %get3A_78] : memref<1x128xf32, #tpu.memory_space<vmem>>, vector<1x128xf32>
    %add3A_80 = vector.broadcast %get3A_79 : vector<1x128xf32> to vector<10000x128xf32>
    %add3A_81 = arith.addf %mul3A_76, %add3A_80 : vector<10000x128xf32>
    %swap3A = arith.constant 0 : index
    %swap3A_82 = arith.constant 0 : index
    %swap3A_83 = vector.load %arg12[%swap3A, %swap3A_82] : memref<10000x128xf32, #tpu.memory_space<vmem>>, vector<10000x128xf32>
    tpu.vector_store %arg12[%swap3A, %swap3A_82], %add3A_81 {strides = array<i32>} : memref<10000x128xf32, #tpu.memory_space<vmem>>, vector<10000x128xf32>,
    return
  }
}

</mosaic_0001>

<sc_bundles>
// kernel: kernel.12.cloned.1.call-start
scs
__scs_entry_jumppad:
0x0: {  	(pc) =	sbr.rel $0x88, $3  }
0x1: {  	(tag) =	ssettag $0x0;
	lr =	simm.s32 $0x1  }
0x2: {  	[smem:$0x3F8C] =	sst lr;
	_ =	strace $0xD0000000  }
0x3: {  	_ = 	snop  }
0x4: {  	_ = 	snop  }
0x5: {  	_ = 	snop  }
0x6: {  	_ = 	snop  }
0x7: {  	_ = 	snop  }
__scs_overlays_trampoline_lowered:
0x8: {  	[smem:$0x3F9B] =	sst s0  }
0x9: {  	[smem:$0x3F9C] =	sst s1  }
0xa: {  	[smem:$0x3F9D] =	sst s2  }
0xb: {  	[smem:$0x3F9E] =	sst s3  }
0xc: {  	[smem:$0x3F9F] =	sst s4  }
0xd: {  	[smem:$0x3FA0] =	sst s5  }
0xe: {  	[smem:$0x3FA1] =	sst s6  }
0xf: {  	[smem:$0x3FA2] =	sst s7  }
0x10: {  	[smem:$0x3FA3] =	sst s8  }
0x11: {  	[smem:$0x3FA4] =	sst s9;
	s0 =	simm.s32 @!p0 $0x0  }
0x12: {  	s1 =	sld [smem:$0x3F8A];
	s0 =	simm.s32 @p0 $0x1  }
0x13: {  	[smem:$0x3FA5] =	sst s0;
	s0 =	simm.s32 @!p1 $0x0  }
0x14: {  	s2 =	sld [smem:$0x3F89];
	s0 =	simm.s32 @p1 $0x1  }
0x15: {  	[smem:$0x3FA6] =	sst s0;
	s0 =	simm.s32 @!p2 $0x0  }
0x16: {  	s3 =	sld [smem:$0x3FDB];
	s0 =	simm.s32 @p2 $0x1  }
0x17: {  	s4 =	simm.s32 $0x1BF5;
	[smem:$0x3FA8] =	sst s0  }
0x18: {  	s0 =	sld [smem:$0x3F8B];
	_ =	swait.ge [sflag:s4], $0x0  }
0x19: {  	s7 =	sld [smem:$0x3F8C]  }
0x1a: {  	s8 =	sadd.s32 $0xFFFFE003, lr  }
0x1b: {  	s9 =	sadd.s32 $0xFFFFFEF7, lr;
	s5 =	simm.s32 $0xFFFFFFFF;
	p2 =	slt.u32 s8, $0xFFFFF086  }
0x1c: {  	p1 =	slt.u32 s9, $0xF7A;
	s5 =	simm.s32 @!p2 $0x0  }
0x1d: {  	s5 =	simm.s32 @p1 $0x1;
	p0 =	seq.s32 s7, s2  }
0x1e: {  	s7 =	smul.u32 @!p0 $0xF7A, s2;
	p2 =	seq.s32 @!p0 s5, $0x0  }
0x1f: {  	s9 =	smul.u32 $0xF7A, s1;
	s8 =	simm.s32 @!p0 $0x1BF5;
	p2 =	por !p2, p0  }
0x20: {  	[sflag:s8] =	ssyncset.s32 @!p0 $0xFFFFF086;
	s6 =	sadd.s32 @!p0 s3, s7;
	s7 =	simm.s32 @!p0 $0x108  }
0x21: {  	s3 =	sadd.s32 s3, s9;
	s6 =	sadd.s32 @!p0 $0x88, s6;
	s7 =	simm.s32 @p2 $0x1082  }
0x22: {  	[simem:s7], [sflag:s8] =	dma.local @!p0 [hbm:s6], $0xF7A  }
0x23: {  	s9 =	sor.u32 $0xD0000000, s2;
	s6 =	simm.s32 $0x108;
	_ =	swait.ge @!p0 [sflag:s8], $0x0  }
0x24: {  	s3 =	sadd.s32 $0x88, s3;
	s6 =	simm.s32 @!p1 $0x1082;
	[sflag:s4] =	ssyncset.s32 $0xFFFFF086  }
0x25: {  	[simem:s6], [sflag:s4] =	dma.local [hbm:s3], $0xF7A  }
0x26: {  	[smem:$0x3F8C] =	sst s1;
	(tag) =	ssettag s2;
	_ =	strace s9  }
0x27: {  	s1 =	sld [smem:$0x3F9C]  }
0x28: {  	s2 =	sld [smem:$0x3F9D]  }
0x29: {  	s4 =	sld [smem:$0x3F9F]  }
0x2a: {  	p0 =	seq.s32 s5, $0x0;
	s5 =	sld [smem:$0x3FA0]  }
0x2b: {  	s6 =	sld [smem:$0x3FA1]  }
0x2c: {  	s7 =	sld [smem:$0x3FA2]  }
0x2d: {  	s3 =	simm.s32 $0x108;
	s8 =	sld [smem:$0x3FA3]  }
0x2e: {  	s3 =	simm.s32 @!p0 $0x1082;
	s9 =	sld [smem:$0x3FA4]  }
0x2f: {  	lr =	sadd.s32 s0, s3;
	s0 =	sld [smem:$0x3F9B]  }
0x30: {  	s3 =	sld [smem:$0x3F9E]  }
0x31: {  	[smem:$0x3FA7] =	sst s10  }
0x32: {  	s10 =	sld [smem:$0x3FA5];
	_ =	sdelay $0x3  }
0x33: {  	p0 =	seq.s32 s10, $0x1;
	s10 =	sld [smem:$0x3FA7];
	_ =	sdelay $0x3  }
0x34: {  	[smem:$0x3FA7] =	sst s10  }
0x35: {  	s10 =	sld [smem:$0x3FA6];
	_ =	sdelay $0x3  }
0x36: {  	p1 =	seq.s32 s10, $0x1;
	s10 =	sld [smem:$0x3FA7];
	_ =	sdelay $0x3  }
0x37: {  	[smem:$0x3FA7] =	sst s10  }
0x38: {  	s10 =	sld [smem:$0x3FA8]  }
0x39: {  	_ = 	snop;
	(pc) =	sbr.ind lr, $3  }
0x3a: {  	_ = 	snop  }
0x3b: {  	_ = 	snop  }
0x3c: {  	p2 =	seq.s32 s10, $0x1;
	s10 =	sld [smem:$0x3FA7]  }
0x3d: {  	_ =	shalt  }
0x3e: {  	_ =	shalt  }
0x3f: {  	_ =	shalt  }
0x40: {  	_ =	shalt  }
0x41: {  	_ =	shalt  }
0x42: {  	_ =	shalt  }
0x43: {  	_ =	shalt  }
0x44: {  	_ =	shalt  }
0x45: {  	_ =	shalt  }
0x46: {  	_ =	shalt  }
0x47: {  	_ =	shalt  }
0x48: {  	_ =	shalt  }
0x49: {  	_ =	shalt  }
0x4a: {  	_ =	shalt  }
0x4b: {  	_ =	shalt  }
0x4c: {  	_ =	shalt  }
0x4d: {  	_ =	shalt  }
0x4e: {  	_ =	shalt  }
0x4f: {  	_ =	shalt  }
0x50: {  	_ =	shalt  }
0x51: {  	_ =	shalt  }
0x52: {  	_ =	shalt  }
0x53: {  	_ =	shalt  }
0x54: {  	_ =	shalt  }
0x55: {  	_ =	shalt  }
0x56: {  	_ =	shalt  }
0x57: {  	_ =	shalt  }
0x58: {  	_ =	shalt  }
0x59: {  	_ =	shalt  }
0x5a: {  	_ =	shalt  }
0x5b: {  	_ =	shalt  }
0x5c: {  	_ =	shalt  }
0x5d: {  	_ =	shalt  }
0x5e: {  	_ =	shalt  }
0x5f: {  	_ =	shalt  }
0x60: {  	_ =	shalt  }
0x61: {  	_ =	shalt  }
0x62: {  	_ =	shalt  }
0x63: {  	_ =	shalt  }
0x64: {  	_ =	shalt  }
0x65: {  	_ =	shalt  }
0x66: {  	_ =	shalt  }
0x67: {  	_ =	shalt  }
0x68: {  	_ =	shalt  }
0x69: {  	_ =	shalt  }
0x6a: {  	_ =	shalt  }
0x6b: {  	_ =	shalt  }
0x6c: {  	_ =	shalt  }
0x6d: {  	_ =	shalt  }
0x6e: {  	_ =	shalt  }
0x6f: {  	_ =	shalt  }
0x70: {  	_ =	shalt  }
0x71: {  	_ =	shalt  }
0x72: {  	_ =	shalt  }
0x73: {  	_ =	shalt  }
0x74: {  	_ =	shalt  }
0x75: {  	_ =	shalt  }
0x76: {  	_ =	shalt  }
0x77: {  	_ =	shalt  }
0x78: {  	_ =	shalt  }
0x79: {  	_ =	shalt  }
0x7a: {  	_ =	shalt  }
0x7b: {  	_ =	shalt  }
0x7c: {  	_ =	shalt  }
0x7d: {  	_ =	shalt  }
0x7e: {  	_ =	shalt  }
0x7f: {  	_ =	shalt  }
0x80: {  	_ =	shalt  }
0x81: {  	_ =	shalt  }
0x82: {  	_ =	shalt  }
0x83: {  	_ =	shalt  }
0x84: {  	_ =	shalt  }
0x85: {  	_ =	shalt  }
0x86: {  	_ =	shalt  }
0x87: {  	_ =	shalt  }
.Lfunc_end0:
.L_simem_size_0:
called_computation.1_lowered:
.L_overlay_start_0:
0x88: {  	s2 =	sld [smem:$0x3FD9]  }
0x89: {  	s3 =	sld [smem:$0x3FFE];
	_ =	sdelay $0x1  }
0x8a: {  	s1 =	srdreg.scid  }
0x8b: {  	s0 =	sand.u32 $0x1, s1  }
0x8c: {  	s17 =	sshll.u32 s0, $0xA;
	s2 =	sadd.s32 s3, s2  }
0x8d: {  	s2 =	sadd.s32 s2, s17  }
0x8e: {  	[smem:$0x3FB3] =	sst s2  }
0x8f: {  	_ = 	snop  }
0x90: {  	s2 =	sld [smem:$0x3FC9];
	(tm) =	ssettm $0x1  }
0x91: {  	s18 =	sld [smem:$0x3FFB];
	_ =	sdelay $0x3  }
0x92: {  	_ =	strace s18  }
0x93: {  	s3 =	sld [smem:$0x3FFC];
	_ =	sdelay $0x3  }
0x94: {  	_ =	strace s3  }
0x95: {  	s3 =	sld [smem:$0x3FFD];
	_ =	sdelay $0x3  }
0x96: {  	_ =	strace s3  }
0x97: {  	_ =	strace $0x8FFFFFFF  }
0x98: {  	s19 =	sld [smem:$0x3FDB];
	_ =	sdelay $0x1  }
0x99: {  	s4 =	simm.s32 $_scs_section_size  }
0x9a: {  	s5 =	simm.s32 $_size__tile_overlayer_lowered;
	s6 =	simm.s32 $_tile_overlayer_lowered  }
0x9b: {  	s22 =	simm.s32 $0x1BFF;
	s21 =	sshll.u32 s6, $0x1;
	s3 =	sadd.s32 s4, s19  }
0x9c: {  	s7 =	simm.s32 $0x0;
	s20 =	sshll.u32 s5, $0x1;
	s5 =	sadd.s32 s21, s3  }
0x9d: {  	[timem:s7], [sflag:s22] =	dma.local [hbm:s5], s20  }
0x9e: {  	_ =	swait.ge [sflag:s22], s20  }
0x9f: {  	s4 =	ssub.s32 $0x0, s20;
	[sflag:s22] =	ssyncset.done $0x0  }
0xa0: {  	[sflag:s22] =	ssyncadd.s32 s4;
	_ =	sdelay $0x1  }
0xa1: {  	s23 =	simm.s32 $0x1B8B  }
0xa2: {  	_ =	swait.ge [sflag:s23], $0x1  }
0xa3: {  	[sflag:s23] =	ssyncset.done $0x0  }
0xa4: {  	s25 =	simm.s32 $0x1B8E;
	s24 =	sld [smem:$0x3FFE];
	[sflag:s23] =	ssyncadd.s32 $0xFFFFFFFF  }
0xa5: {  	s26 =	simm.s32 $execute0_lowered;
	[smem:$0x3FD2] =	sst s25  }
0xa6: {  	s5 =	sshll.u32 s26, $0x1;
	_ =	strace $0x80000046;
	[dreg:$0x1] =	wrdreg $0xFFFFFFFF  }
0xa7: {  	s28 =	simm.s32 $_size_execute0_lowered;
	s3 =	sadd.s32 s3, s5;
	[dreg:$0x0] =	wrdreg $0x0  }
0xa8: {  	s5 =	sshll.u32 s28, $0x1;
	[dreg:$0x2] =	wrdreg s3  }
0xa9: {  	[dreg:$0x3] =	wrdreg s5  }
0xaa: {  	[dreg:$0x4] =	wrdreg $0xC0  }
0xab: {  	_ =	task [dreg:s7], $0x5FFFF  }
0xac: {  	[dreg:$0x1] =	wrdreg $0xFFFFFFFF  }
0xad: {  	[dreg:$0x0] =	wrdreg $0x60  }
0xae: {  	[dreg:$0x2] =	wrdreg s2  }
0xaf: {  	[dreg:$0x3] =	wrdreg s24  }
0xb0: {  	[dreg:$0x4] =	wrdreg $0x90000  }
0xb1: {  	[dreg:$0x5] =	wrdreg $0xA  }
0xb2: {  	_ =	task.clear_ibuf [dreg:s7], $0x6FFFF;
	_ =	strace $0x90000046  }
0xb3: {  	s29 =	simm.s32 $0xA;
	_ =	strace $0x80000048  }
0xb4: {  	_ =	swait.ge [sflag:s29], $0x1  }
0xb5: {  	[sflag:s29] =	ssyncadd.s32 $0xFFFFFFFF  }
0xb6: {  	_ =	strace $0x90000048  }
0xb7: {  	_ =	sfence  }
0xb8: {  	s30 =	sld [smem:$0x0];
	_ =	sdelay $0x2  }
0xb9: {  	s31 =	sshll.u32 s1, $0xD;
	s1 =	sshrl.u32 s1, $0x2  }
0xba: {  	s3 =	sand.u32 $0x4000, s31;
	s1 =	sadd.s32 s1, s30  }
0xbb: {  	s0 =	sor.u32 s3, s0;
	s1 =	sshll.u32 s1, $0x11  }
0xbc: {  	s0 =	sor.u32 s1, s0  }
0xbd: {  	s0 =	sadd.s32 $0x8F2B, s0  }
0xbe: {  	[sflag:s0] =	ssyncadd.remote.s32 $0x1  }
0xbf: {  	_ =	sfence.sel $0xFFFF  }
0xc0: {  	[dreg:$0x0] =	wrdreg $0xFFFFFFFF;
	(pc) =	sbr.abs _section_cstart, $3  }
0xc1: {  	[dreg:$0x1] =	wrdreg $0xFFFFFFFF  }
0xc2: {  	_ =	task.clear_ibuf [dreg:s7], $0x2FFFF;
	_ =	strace $0x9FFFFFFF  }
0xc3: {  	(tm) =	ssettm $0x7FFFFFFF  }
tec
execute0_lowered:
.L_overlay_start_1:
0x0: {  	(tag) =	ssettag $0x1  }
0x1: {  	s1 =	rddreg [dreg:$0x0]  }
0x2: {  	s0 =	srdreg.scid;
	s6 =	rddreg [dreg:$0x1]  }
0x3: {  	s3 =	rddreg [dreg:$0x2];
	s4 =	simm.s32 $0x0;
	s21 =	simm.s32 $0x2800  }
0x4: {  	s22 =	simm.s32 $0x80;
	s8 =	sand.u32 $0x1, s0;
	s0 =	stileid.u32  }
0x5: {  	s23 =	simm.s32 $0x1;
	s24 =	simm.s32 $0x0;
	s13 =	smul.u32 $0x280, s0  }
0x6: {  	[smem:$0x7FF] =	sst s4;
	s17 =	sadd.s32 $0x1B600, s6;
	s9 =	smul.u32 $0x50000, s0  }
0x7: {  	s2 =	sshll.u32 s8, $0x4;
	s7 =	ssub.s32 $0x2, s8;
	s20 =	smul.u32 $0x2800, s8  }
0x8: {  	s5 =	sor.u32 s0, s2;
	s2 =	rddreg [dreg:$0x3];
	_ =	strace $0x80000047  }
0x9: {  	s28 =	sshrl.u32 s7, $0x1;
	s5 =	smul.u32 $0x500, s5;
	s14 =	sadd.s32 $0x80, s13  }
0xa: {  	s18 =	ssub.s32 s7, s28;
	s29 =	sshrl.u32 s9, $0x2;
	s15 =	sadd.s32 $0x100, s13  }
0xb: {  	s16 =	sadd.s32 $0x180, s13;
	s19 =	sadd.s32 $0x200, s13;
	s13 =	sadd.s32 s13, s20  }
0xc: {  	s30 =	sshll.u32 s14, $0x7;
	s31 =	sshll.u32 s15, $0x7;
	s10 =	sshll.u32 s16, $0x7  }
0xd: {  	s11 =	sshll.u32 s19, $0x7;
	s14 =	sadd.s32 s20, s14;
	s13 =	sshll.u32 s13, $0x4  }
0xe: {  	s15 =	sadd.s32 s20, s15;
	s16 =	sadd.s32 s20, s16;
	s19 =	sadd.s32 s20, s19  }
0xf: {  	s18 =	smax.u32 s18, $0x1;
	s20 =	simm.s32 $0x2;
	s12 =	sadd.s32 s5, s6  }
0x10: {  	s5 =	sadd.s32 $0x1AE00, s6;
	s6 =	sadd.s32 s29, s3;
	s7 =	sadd.s32 s30, s3  }
0x11: {  	s8 =	sadd.s32 s31, s3;
	s9 =	sadd.s32 s10, s3;
	s10 =	sadd.s32 s11, s3  }
0x12: {  	s14 =	sshll.u32 s14, $0x4;
	s13 =	sadd.s32 s17, s13;
	s15 =	sshll.u32 s15, $0x4  }
0x13: {  	s16 =	sshll.u32 s16, $0x4;
	s19 =	sshll.u32 s19, $0x4;
	s11 =	sadd.s32 $0x6E00, s12  }
0x14: {  	s12 =	sadd.s32 $0x10E00, s12;
	s14 =	sadd.s32 s17, s14;
	s15 =	sadd.s32 s17, s15  }
0x15: {  	s16 =	sadd.s32 s17, s16;
	s17 =	sadd.s32 s17, s19;
	s19 =	simm.s32 $0x5000  }
.LBB2_1:
0x16: {  	[tilespmem:s19], [sflag:$0x2] =	stream.linear.gather [hbm4b:s5+s4], $0x4000, $0x38;
	[tilespmem:$0x1D000] =	vst v63  }
0x17: {  	_ =	swait.ge [sflag:s20], $0x4000  }
0x18: {  	[sflag:s20] =	ssyncset.done $0x0  }
0x19: {  	[sflag:s20] =	ssyncadd.s32 $0xFFFFC000  }
0x1a: {  	[spmem:s6] =	stream.linear.scatter [tilespmem:s19], [sflag:$0x2], $0x4000, $0x38;
	[tilespmem:$0x1D000] =	vst v63  }
0x1b: {  	_ =	swait.ge [sflag:s20], $0x4000  }
0x1c: {  	[sflag:s20] =	ssyncset.done $0x0  }
0x1d: {  	[sflag:s20] =	ssyncadd.s32 $0xFFFFC000  }
0x1e: {  	[spmem:s7] =	stream.linear.scatter [tilespmem:s19], [sflag:$0x2], $0x4000, $0x38;
	[tilespmem:$0x1D000] =	vst v63  }
0x1f: {  	_ =	swait.ge [sflag:s20], $0x4000  }
0x20: {  	[sflag:s20] =	ssyncset.done $0x0  }
0x21: {  	[sflag:s20] =	ssyncadd.s32 $0xFFFFC000  }
0x22: {  	[spmem:s8] =	stream.linear.scatter [tilespmem:s19], [sflag:$0x2], $0x4000, $0x38;
	[tilespmem:$0x1D000] =	vst v63  }
0x23: {  	_ =	swait.ge [sflag:s20], $0x4000  }
0x24: {  	[sflag:s20] =	ssyncset.done $0x0  }
0x25: {  	[sflag:s20] =	ssyncadd.s32 $0xFFFFC000  }
0x26: {  	[spmem:s9] =	stream.linear.scatter [tilespmem:s19], [sflag:$0x2], $0x4000, $0x38;
	[tilespmem:$0x1D000] =	vst v63  }
0x27: {  	_ =	swait.ge [sflag:s20], $0x4000  }
0x28: {  	[sflag:s20] =	ssyncset.done $0x0  }
0x29: {  	[sflag:s20] =	ssyncadd.s32 $0xFFFFC000  }
0x2a: {  	[spmem:s10] =	stream.linear.scatter [tilespmem:s19], [sflag:$0x2], $0x4000, $0x38;
	[tilespmem:$0x1D000] =	vst v63  }
0x2b: {  	_ =	swait.ge [sflag:s20], $0x4000  }
0x2c: {  	[sflag:s20] =	ssyncset.done $0x0  }
0x2d: {  	[sflag:s20] =	ssyncadd.s32 $0xFFFFC000  }
0x2e: {  	[tilespmem:s4], [sflag:$0x2] =	stream.linear.gather [hbm4b:s11+s4], $0x2800, $0x38;
	[tilespmem:$0x1D000] =	vst v63  }
0x2f: {  	_ =	swait.ge [sflag:s20], $0x2800  }
0x30: {  	[sflag:s20] =	ssyncset.done $0x0  }
0x31: {  	[sflag:s20] =	ssyncadd.s32 $0xFFFFD800  }
0x32: {  	[tilespmem:s21], [sflag:$0x2] =	stream.linear.gather [hbm4b:s12+s4], $0x2800, $0x38;
	[tilespmem:$0x1D000] =	vst v63  }
0x33: {  	_ =	swait.ge [sflag:s20], $0x2800  }
0x34: {  	[sflag:s20] =	ssyncset.done $0x0  }
0x35: {  	[sflag:s20] =	ssyncadd.s32 $0xFFFFD800  }
0x36: {  	s25 =	simm.s32 $0x0;
	[bflag:$0x0] =	sbarrier.arrive $0xFFFF  }
0x37: {  	[tilespmem:s19], [sflag:$0x1] =	stream.indirect.gather [hbm4b:s1+s22], $0x80, s25, s22, $0xb8;
	[tilespmem:$0x1D000] =	vst v63  }
0x38: {  	_ =	swait.ge [sflag:s23], $0x4000  }
0x39: {  	[sflag:s23] =	ssyncset.done $0x0  }
0x3a: {  	s31 =	simm.s32 $0x2800;
	[sflag:s23] =	ssyncadd.s32 $0xFFFFC000  }
0x3b: {  	[spmem:s3] =	stream.indirect.scatter.add.f32 [tilespmem:s19], [sflag:$0x2], $0x80, s31, s22, $0xb8;
	[tilespmem:$0x1D000] =	vst v63  }
0x3c: {  	_ =	swait.ge [sflag:s20], $0x4000  }
0x3d: {  	s26 =	simm.s32 $0x400;
	s25 =	simm.s32 $0x200;
	[sflag:s20] =	ssyncset.done $0x0  }
.LBB2_2:
0x3e: {  	s28 =	sshra.s32 s25, $0x2  }
0x3f: {  	[sflag:s20] =	ssyncadd.s32 $0xFFFFC000;
	s25 =	smov.u32 s26;
	s29 =	sadd.s32 $0x200, s26  }
0x40: {  	[tilespmem:s19], [sflag:$0x1] =	stream.indirect.gather [hbm4b:s1+s22], $0x80, s28, s22, $0xb8;
	[tilespmem:$0x1D000] =	vst v63  }
0x41: {  	p0 =	sne.s32 s26, $0x9E00;
	_ =	swait.ge [sflag:s23], $0x4000  }
.Ltmp0:
0x42: {  	[sflag:s23] =	ssyncset.done $0x0;
	(pc) =	sbr.rel @p0 .LBB2_2-.Ltmp0, $4  }
0x43: {  	s26 =	sadd.s32 $0x2800, s28;
	[sflag:s23] =	ssyncadd.s32 $0xFFFFC000  }
0x44: {  	[spmem:s3] =	stream.indirect.scatter.add.f32 [tilespmem:s19], [sflag:$0x2], $0x80, s26, s22, $0xb8;
	[tilespmem:$0x1D000] =	vst v63  }
0x45: {  	_ =	swait.ge [sflag:s20], $0x4000  }
0x46: {  	s26 =	smov.u32 s29;
	[sflag:s20] =	ssyncset.done $0x0  }
0x47: {  	s25 =	sshra.s32 s25, $0x2;
	[sflag:s20] =	ssyncadd.s32 $0xFFFFC000  }
0x48: {  	[tilespmem:s19], [sflag:$0x1] =	stream.indirect.gather [hbm4b:s1+s22], $0x80, s25, s22, $0xb8;
	[tilespmem:$0x1D000] =	vst v63  }
0x49: {  	_ =	swait.ge [sflag:s23], $0x4000  }
0x4a: {  	[sflag:s23] =	ssyncset.done $0x0  }
0x4b: {  	s25 =	sadd.s32 $0x2800, s25;
	[sflag:s23] =	ssyncadd.s32 $0xFFFFC000  }
0x4c: {  	[spmem:s3] =	stream.indirect.scatter.add.f32 [tilespmem:s19], [sflag:$0x2], $0x80, s25, s22, $0xb8;
	[tilespmem:$0x1D000] =	vst v63  }
0x4d: {  	_ =	swait.ge [sflag:s20], $0x4000  }
0x4e: {  	[sflag:s20] =	ssyncset.done $0x0  }
0x4f: {  	[sflag:s20] =	ssyncadd.s32 $0xFFFFC000  }
0x50: {  	[bflag:$0x0] =	sbarrier.arrive $0xFFFF  }
0x51: {  	[tilespmem:s19], [sflag:$0x2] =	stream.linear.gather [spmem:s6], $0x4000, $0x38;
	[tilespmem:$0x1D000] =	vst v63  }
0x52: {  	_ =	swait.ge [sflag:s20], $0x4000  }
0x53: {  	[sflag:s20] =	ssyncset.done $0x0  }
0x54: {  	[sflag:s20] =	ssyncadd.s32 $0xFFFFC000  }
0x55: {  	[hbm4b:s13+s4] =	stream.linear.scatter [tilespmem:s19], [sflag:$0x2], $0x4000, $0x38;
	[tilespmem:$0x1D000] =	vst v63  }
0x56: {  	_ =	swait.ge [sflag:s20], $0x4000  }
0x57: {  	[sflag:s20] =	ssyncset.done $0x0  }
0x58: {  	[sflag:s20] =	ssyncadd.s32 $0xFFFFC000  }
0x59: {  	[tilespmem:s19], [sflag:$0x2] =	stream.linear.gather [spmem:s7], $0x4000, $0x38;
	[tilespmem:$0x1D000] =	vst v63  }
0x5a: {  	_ =	swait.ge [sflag:s20], $0x4000  }
0x5b: {  	[sflag:s20] =	ssyncset.done $0x0  }
0x5c: {  	[sflag:s20] =	ssyncadd.s32 $0xFFFFC000  }
0x5d: {  	[hbm4b:s14+s4] =	stream.linear.scatter [tilespmem:s19], [sflag:$0x2], $0x4000, $0x38;
	[tilespmem:$0x1D000] =	vst v63  }
0x5e: {  	_ =	swait.ge [sflag:s20], $0x4000  }
0x5f: {  	[sflag:s20] =	ssyncset.done $0x0  }
0x60: {  	[sflag:s20] =	ssyncadd.s32 $0xFFFFC000  }
0x61: {  	[tilespmem:s19], [sflag:$0x2] =	stream.linear.gather [spmem:s8], $0x4000, $0x38;
	[tilespmem:$0x1D000] =	vst v63  }
0x62: {  	_ =	swait.ge [sflag:s20], $0x4000  }
0x63: {  	[sflag:s20] =	ssyncset.done $0x0  }
0x64: {  	[sflag:s20] =	ssyncadd.s32 $0xFFFFC000  }
0x65: {  	[hbm4b:s15+s4] =	stream.linear.scatter [tilespmem:s19], [sflag:$0x2], $0x4000, $0x38;
	[tilespmem:$0x1D000] =	vst v63  }
0x66: {  	_ =	swait.ge [sflag:s20], $0x4000  }
0x67: {  	[sflag:s20] =	ssyncset.done $0x0  }
0x68: {  	[sflag:s20] =	ssyncadd.s32 $0xFFFFC000  }
0x69: {  	[tilespmem:s19], [sflag:$0x2] =	stream.linear.gather [spmem:s9], $0x4000, $0x38;
	[tilespmem:$0x1D000] =	vst v63  }
0x6a: {  	_ =	swait.ge [sflag:s20], $0x4000  }
0x6b: {  	[sflag:s20] =	ssyncset.done $0x0  }
0x6c: {  	[sflag:s20] =	ssyncadd.s32 $0xFFFFC000  }
0x6d: {  	[hbm4b:s16+s4] =	stream.linear.scatter [tilespmem:s19], [sflag:$0x2], $0x4000, $0x38;
	[tilespmem:$0x1D000] =	vst v63  }
0x6e: {  	_ =	swait.ge [sflag:s20], $0x4000  }
0x6f: {  	[sflag:s20] =	ssyncset.done $0x0  }
0x70: {  	[sflag:s20] =	ssyncadd.s32 $0xFFFFC000  }
0x71: {  	[tilespmem:s19], [sflag:$0x2] =	stream.linear.gather [spmem:s10], $0x4000, $0x38;
	[tilespmem:$0x1D000] =	vst v63  }
0x72: {  	s24 =	sadd.s32 $0x1, s24;
	_ =	swait.ge [sflag:s20], $0x4000  }
0x73: {  	p0 =	sne.s32 s24, s18;
	[sflag:s20] =	ssyncset.done $0x0  }
.Ltmp1:
0x74: {  	[sflag:s20] =	ssyncadd.s32 $0xFFFFC000;
	(pc) =	sbr.rel @p0 .LBB2_1-.Ltmp1, $4  }
0x75: {  	[hbm4b:s17+s4] =	stream.linear.scatter [tilespmem:s19], [sflag:$0x2], $0x4000, $0x38;
	[tilespmem:$0x1D000] =	vst v63  }
0x76: {  	_ =	swait.ge [sflag:s20], $0x4000  }
0x77: {  	[sflag:s20] =	ssyncset.done $0x0  }
0x78: {  	[sflag:s20] =	ssyncadd.s32 $0xFFFFC000  }
0x79: {  	_ =	sfence.sel $0x180000  }
0x7a: {  	[bflag:$0x0] =	sbarrier.arrive $0xFFFF  }
0x7b: {  	p0 =	sne.s32 s0, $0x0;
	_ =	strace $0x90000047  }
0x7c: {  	s0 =	sadd.s32 @!p0 $0x100000, s2;
	[bflag:$0x2] =	sbarrier.arrive $0xFFFF  }
0x7d: {  	[sflag:s0] =	ssyncadd.tile.s32 @!p0 $0x1;
	_ =	shalt  }
.Lfunc_end2:
_tile_overlayer_lowered:
.L_overlay_start_2:
0x7e: {  	(tag) =	ssettag $0x2  }
0x7f: {  	s0 =	rddreg [dreg:$0x0];
	s2 =	stileid.u32  }
0x80: {  	s1 =	rddreg [dreg:$0x1];
	p0 =	sne.s32 s2, $0x0  }
0x81: {  	s3 =	rddreg [dreg:$0x2];
	[bflag:$0x3] =	sbarrier.arrive $0xFFFF;
	s2 =	simm.s32 @!p0 $0x1C02  }
0x82: {  	[timem:s3], [sflag:s2] =	dma.local @!p0 [hbm:s0], s1  }
0x83: {  	s0 =	simm.s32 @!p0 $0x2  }
0x84: {  	_ =	swait.ge @!p0 [sflag:s0], s1  }
0x85: {  	s1 =	ssub.s32 @!p0 $0x0, s1;
	[sflag:s0] =	ssyncset.done @!p0 $0x0  }
0x86: {  	[sflag:s0] =	ssyncadd.s32 @!p0 s1  }
0x87: {  	[bflag:$0x3] =	sbarrier.arrive $0xFFFF  }
0x88: {  	_ =	shalt  }

// kernel: kernel.15.cloned.1.call-start
scs
__scs_entry_jumppad:
0x0: {  	(pc) =	sbr.rel $0x88, $3  }
0x1: {  	(tag) =	ssettag $0x0;
	lr =	simm.s32 $0x1  }
0x2: {  	[smem:$0x3F8C] =	sst lr;
	_ =	strace $0xD0000000  }
0x3: {  	_ = 	snop  }
0x4: {  	_ = 	snop  }
0x5: {  	_ = 	snop  }
0x6: {  	_ = 	snop  }
0x7: {  	_ = 	snop  }
__scs_overlays_trampoline_lowered:
0x8: {  	[smem:$0x3F9B] =	sst s0  }
0x9: {  	[smem:$0x3F9C] =	sst s1  }
0xa: {  	[smem:$0x3F9D] =	sst s2  }
0xb: {  	[smem:$0x3F9E] =	sst s3  }
0xc: {  	[smem:$0x3F9F] =	sst s4  }
0xd: {  	[smem:$0x3FA0] =	sst s5  }
0xe: {  	[smem:$0x3FA1] =	sst s6  }
0xf: {  	[smem:$0x3FA2] =	sst s7  }
0x10: {  	[smem:$0x3FA3] =	sst s8  }
0x11: {  	[smem:$0x3FA4] =	sst s9;
	s0 =	simm.s32 @!p0 $0x0  }
0x12: {  	s1 =	sld [smem:$0x3F8A];
	s0 =	simm.s32 @p0 $0x1  }
0x13: {  	[smem:$0x3FA5] =	sst s0;
	s0 =	simm.s32 @!p1 $0x0  }
0x14: {  	s2 =	sld [smem:$0x3F89];
	s0 =	simm.s32 @p1 $0x1  }
0x15: {  	[smem:$0x3FA6] =	sst s0;
	s0 =	simm.s32 @!p2 $0x0  }
0x16: {  	s3 =	sld [smem:$0x3FDB];
	s0 =	simm.s32 @p2 $0x1  }
0x17: {  	s4 =	simm.s32 $0x1BF5;
	[smem:$0x3FA8] =	sst s0  }
0x18: {  	s0 =	sld [smem:$0x3F8B];
	_ =	swait.ge [sflag:s4], $0x0  }
0x19: {  	s7 =	sld [smem:$0x3F8C]  }
0x1a: {  	s8 =	sadd.s32 $0xFFFFE003, lr  }
0x1b: {  	s9 =	sadd.s32 $0xFFFFFEF7, lr;
	s5 =	simm.s32 $0xFFFFFFFF;
	p2 =	slt.u32 s8, $0xFFFFF086  }
0x1c: {  	p1 =	slt.u32 s9, $0xF7A;
	s5 =	simm.s32 @!p2 $0x0  }
0x1d: {  	s5 =	simm.s32 @p1 $0x1;
	p0 =	seq.s32 s7, s2  }
0x1e: {  	s7 =	smul.u32 @!p0 $0xF7A, s2;
	p2 =	seq.s32 @!p0 s5, $0x0  }
0x1f: {  	s9 =	smul.u32 $0xF7A, s1;
	s8 =	simm.s32 @!p0 $0x1BF5;
	p2 =	por !p2, p0  }
0x20: {  	[sflag:s8] =	ssyncset.s32 @!p0 $0xFFFFF086;
	s6 =	sadd.s32 @!p0 s3, s7;
	s7 =	simm.s32 @!p0 $0x108  }
0x21: {  	s3 =	sadd.s32 s3, s9;
	s6 =	sadd.s32 @!p0 $0x88, s6;
	s7 =	simm.s32 @p2 $0x1082  }
0x22: {  	[simem:s7], [sflag:s8] =	dma.local @!p0 [hbm:s6], $0xF7A  }
0x23: {  	s9 =	sor.u32 $0xD0000000, s2;
	s6 =	simm.s32 $0x108;
	_ =	swait.ge @!p0 [sflag:s8], $0x0  }
0x24: {  	s3 =	sadd.s32 $0x88, s3;
	s6 =	simm.s32 @!p1 $0x1082;
	[sflag:s4] =	ssyncset.s32 $0xFFFFF086  }
0x25: {  	[simem:s6], [sflag:s4] =	dma.local [hbm:s3], $0xF7A  }
0x26: {  	[smem:$0x3F8C] =	sst s1;
	(tag) =	ssettag s2;
	_ =	strace s9  }
0x27: {  	s1 =	sld [smem:$0x3F9C]  }
0x28: {  	s2 =	sld [smem:$0x3F9D]  }
0x29: {  	s4 =	sld [smem:$0x3F9F]  }
0x2a: {  	p0 =	seq.s32 s5, $0x0;
	s5 =	sld [smem:$0x3FA0]  }
0x2b: {  	s6 =	sld [smem:$0x3FA1]  }
0x2c: {  	s7 =	sld [smem:$0x3FA2]  }
0x2d: {  	s3 =	simm.s32 $0x108;
	s8 =	sld [smem:$0x3FA3]  }
0x2e: {  	s3 =	simm.s32 @!p0 $0x1082;
	s9 =	sld [smem:$0x3FA4]  }
0x2f: {  	lr =	sadd.s32 s0, s3;
	s0 =	sld [smem:$0x3F9B]  }
0x30: {  	s3 =	sld [smem:$0x3F9E]  }
0x31: {  	[smem:$0x3FA7] =	sst s10  }
0x32: {  	s10 =	sld [smem:$0x3FA5];
	_ =	sdelay $0x3  }
0x33: {  	p0 =	seq.s32 s10, $0x1;
	s10 =	sld [smem:$0x3FA7];
	_ =	sdelay $0x3  }
0x34: {  	[smem:$0x3FA7] =	sst s10  }
0x35: {  	s10 =	sld [smem:$0x3FA6];
	_ =	sdelay $0x3  }
0x36: {  	p1 =	seq.s32 s10, $0x1;
	s10 =	sld [smem:$0x3FA7];
	_ =	sdelay $0x3  }
0x37: {  	[smem:$0x3FA7] =	sst s10  }
0x38: {  	s10 =	sld [smem:$0x3FA8]  }
0x39: {  	_ = 	snop;
	(pc) =	sbr.ind lr, $3  }
0x3a: {  	_ = 	snop  }
0x3b: {  	_ = 	snop  }
0x3c: {  	p2 =	seq.s32 s10, $0x1;
	s10 =	sld [smem:$0x3FA7]  }
0x3d: {  	_ =	shalt  }
0x3e: {  	_ =	shalt  }
0x3f: {  	_ =	shalt  }
0x40: {  	_ =	shalt  }
0x41: {  	_ =	shalt  }
0x42: {  	_ =	shalt  }
0x43: {  	_ =	shalt  }
0x44: {  	_ =	shalt  }
0x45: {  	_ =	shalt  }
0x46: {  	_ =	shalt  }
0x47: {  	_ =	shalt  }
0x48: {  	_ =	shalt  }
0x49: {  	_ =	shalt  }
0x4a: {  	_ =	shalt  }
0x4b: {  	_ =	shalt  }
0x4c: {  	_ =	shalt  }
0x4d: {  	_ =	shalt  }
0x4e: {  	_ =	shalt  }
0x4f: {  	_ =	shalt  }
0x50: {  	_ =	shalt  }
0x51: {  	_ =	shalt  }
0x52: {  	_ =	shalt  }
0x53: {  	_ =	shalt  }
0x54: {  	_ =	shalt  }
0x55: {  	_ =	shalt  }
0x56: {  	_ =	shalt  }
0x57: {  	_ =	shalt  }
0x58: {  	_ =	shalt  }
0x59: {  	_ =	shalt  }
0x5a: {  	_ =	shalt  }
0x5b: {  	_ =	shalt  }
0x5c: {  	_ =	shalt  }
0x5d: {  	_ =	shalt  }
0x5e: {  	_ =	shalt  }
0x5f: {  	_ =	shalt  }
0x60: {  	_ =	shalt  }
0x61: {  	_ =	shalt  }
0x62: {  	_ =	shalt  }
0x63: {  	_ =	shalt  }
0x64: {  	_ =	shalt  }
0x65: {  	_ =	shalt  }
0x66: {  	_ =	shalt  }
0x67: {  	_ =	shalt  }
0x68: {  	_ =	shalt  }
0x69: {  	_ =	shalt  }
0x6a: {  	_ =	shalt  }
0x6b: {  	_ =	shalt  }
0x6c: {  	_ =	shalt  }
0x6d: {  	_ =	shalt  }
0x6e: {  	_ =	shalt  }
0x6f: {  	_ =	shalt  }
0x70: {  	_ =	shalt  }
0x71: {  	_ =	shalt  }
0x72: {  	_ =	shalt  }
0x73: {  	_ =	shalt  }
0x74: {  	_ =	shalt  }
0x75: {  	_ =	shalt  }
0x76: {  	_ =	shalt  }
0x77: {  	_ =	shalt  }
0x78: {  	_ =	shalt  }
0x79: {  	_ =	shalt  }
0x7a: {  	_ =	shalt  }
0x7b: {  	_ =	shalt  }
0x7c: {  	_ =	shalt  }
0x7d: {  	_ =	shalt  }
0x7e: {  	_ =	shalt  }
0x7f: {  	_ =	shalt  }
0x80: {  	_ =	shalt  }
0x81: {  	_ =	shalt  }
0x82: {  	_ =	shalt  }
0x83: {  	_ =	shalt  }
0x84: {  	_ =	shalt  }
0x85: {  	_ =	shalt  }
0x86: {  	_ =	shalt  }
0x87: {  	_ =	shalt  }
.Lfunc_end0:
.L_simem_size_0:
called_computation.2_lowered:
.L_overlay_start_0:
0x88: {  	s2 =	sld [smem:$0x3FD9]  }
0x89: {  	s3 =	sld [smem:$0x3FFE];
	_ =	sdelay $0x1  }
0x8a: {  	s1 =	srdreg.scid  }
0x8b: {  	s0 =	sand.u32 $0x1, s1  }
0x8c: {  	s16 =	sshll.u32 s0, $0xA;
	s2 =	sadd.s32 s3, s2  }
0x8d: {  	s2 =	sadd.s32 s2, s16  }
0x8e: {  	[smem:$0x3FB3] =	sst s2  }
0x8f: {  	_ = 	snop  }
0x90: {  	(tm) =	ssettm $0x1  }
0x91: {  	s17 =	sld [smem:$0x3FFB];
	_ =	sdelay $0x3  }
0x92: {  	_ =	strace s17  }
0x93: {  	s2 =	sld [smem:$0x3FFC];
	_ =	sdelay $0x3  }
0x94: {  	_ =	strace s2  }
0x95: {  	s2 =	sld [smem:$0x3FFD];
	_ =	sdelay $0x3  }
0x96: {  	_ =	strace s2  }
0x97: {  	_ =	strace $0x8FFFFFFF  }
0x98: {  	s18 =	sld [smem:$0x3FDB];
	_ =	sdelay $0x1  }
0x99: {  	s19 =	simm.s32 $_scs_section_size  }
0x9a: {  	s4 =	simm.s32 $_size__tile_overlayer_lowered;
	s5 =	simm.s32 $_tile_overlayer_lowered  }
0x9b: {  	s22 =	simm.s32 $0x1BFF;
	s21 =	sshll.u32 s5, $0x1;
	s2 =	sadd.s32 s19, s18  }
0x9c: {  	s6 =	simm.s32 $0x0;
	s20 =	sshll.u32 s4, $0x1;
	s4 =	sadd.s32 s21, s2  }
0x9d: {  	[timem:s6], [sflag:s22] =	dma.local [hbm:s4], s20  }
0x9e: {  	_ =	swait.ge [sflag:s22], s20  }
0x9f: {  	s3 =	ssub.s32 $0x0, s20;
	[sflag:s22] =	ssyncset.done $0x0  }
0xa0: {  	[sflag:s22] =	ssyncadd.s32 s3;
	_ =	sdelay $0x1  }
0xa1: {  	s23 =	simm.s32 $0x1B8B  }
0xa2: {  	_ =	swait.ge [sflag:s23], $0x1  }
0xa3: {  	[sflag:s23] =	ssyncset.done $0x0  }
0xa4: {  	s25 =	simm.s32 $0x1B8E;
	s24 =	sld [smem:$0x3FFE];
	[sflag:s23] =	ssyncadd.s32 $0xFFFFFFFF  }
0xa5: {  	s26 =	simm.s32 $execute0_lowered;
	[smem:$0x3FD2] =	sst s25  }
0xa6: {  	s4 =	sshll.u32 s26, $0x1;
	_ =	strace $0x8000004C;
	[dreg:$0x1] =	wrdreg $0xFFFFFFFF  }
0xa7: {  	s28 =	simm.s32 $_size_execute0_lowered;
	s2 =	sadd.s32 s2, s4;
	[dreg:$0x0] =	wrdreg $0x0  }
0xa8: {  	s4 =	sshll.u32 s28, $0x1;
	[dreg:$0x2] =	wrdreg s2  }
0xa9: {  	[dreg:$0x3] =	wrdreg s4  }
0xaa: {  	[dreg:$0x4] =	wrdreg $0xC0  }
0xab: {  	_ =	task [dreg:s6], $0x5FFFF  }
0xac: {  	[dreg:$0x1] =	wrdreg $0xFFFFFFFF  }
0xad: {  	[dreg:$0x0] =	wrdreg $0x60  }
0xae: {  	[dreg:$0x2] =	wrdreg s24  }
0xaf: {  	[dreg:$0x3] =	wrdreg $0x90000  }
0xb0: {  	[dreg:$0x4] =	wrdreg $0x9  }
0xb1: {  	_ =	task.clear_ibuf [dreg:s6], $0x5FFFF;
	_ =	strace $0x9000004C  }
0xb2: {  	s29 =	simm.s32 $0x9;
	_ =	strace $0x8000004E  }
0xb3: {  	_ =	swait.ge [sflag:s29], $0x1  }
0xb4: {  	[sflag:s29] =	ssyncadd.s32 $0xFFFFFFFF  }
0xb5: {  	_ =	strace $0x9000004E  }
0xb6: {  	_ =	sfence  }
0xb7: {  	s30 =	sld [smem:$0x0];
	_ =	sdelay $0x2  }
0xb8: {  	s31 =	sshll.u32 s1, $0xD;
	s1 =	sshrl.u32 s1, $0x2  }
0xb9: {  	s3 =	sand.u32 $0x4000, s31;
	s1 =	sadd.s32 s1, s30  }
0xba: {  	s0 =	sor.u32 s3, s0;
	s1 =	sshll.u32 s1, $0x11  }
0xbb: {  	s0 =	sor.u32 s1, s0  }
0xbc: {  	s0 =	sadd.s32 $0x8F2B, s0  }
0xbd: {  	[sflag:s0] =	ssyncadd.remote.s32 $0x1  }
0xbe: {  	_ =	sfence.sel $0xFFFF  }
0xbf: {  	[dreg:$0x0] =	wrdreg $0xFFFFFFFF;
	(pc) =	sbr.abs _section_cstart, $3  }
0xc0: {  	[dreg:$0x1] =	wrdreg $0xFFFFFFFF  }
0xc1: {  	_ =	task.clear_ibuf [dreg:s6], $0x2FFFF;
	_ =	strace $0x9FFFFFFF  }
0xc2: {  	(tm) =	ssettm $0x7FFFFFFF  }
0xc3: {  	_ =	shalt  }
tec
execute0_lowered:
.L_overlay_start_1:
0x0: {  	(tag) =	ssettag $0x1  }
0x1: {  	s6 =	rddreg [dreg:$0x0]  }
0x2: {  	s0 =	srdreg.scid;
	s2 =	rddreg [dreg:$0x1]  }
0x3: {  	s1 =	stileid.u32;
	s3 =	simm.s32 $0x0;
	s21 =	simm.s32 $0x2800  }
0x4: {  	s22 =	simm.s32 $0x80;
	s23 =	simm.s32 $0x1;
	s24 =	simm.s32 $0x0  }
0x5: {  	s8 =	sand.u32 $0x1, s0;
	s0 =	rddreg [dreg:$0x2];
	s13 =	smul.u32 $0x280, s1  }
0x6: {  	[smem:$0x7FF] =	sst s3;
	s9 =	smul.u32 $0x50000, s1;
	s17 =	sadd.s32 $0x69A00, s6  }
0x7: {  	s4 =	sshll.u32 s8, $0x4;
	_ =	strace $0x8000004D;
	s7 =	ssub.s32 $0x2, s8  }
0x8: {  	s20 =	smul.u32 $0x2800, s8;
	s4 =	sor.u32 s1, s4;
	s28 =	sshrl.u32 s7, $0x1  }
0x9: {  	s14 =	sadd.s32 $0x80, s13;
	s29 =	sshrl.u32 s9, $0x2;
	s15 =	sadd.s32 $0x100, s13  }
0xa: {  	s16 =	sadd.s32 $0x180, s13;
	s19 =	sadd.s32 $0x200, s13;
	s5 =	smul.u32 $0x500, s4  }
0xb: {  	s4 =	sadd.s32 $0x42800, s6;
	s18 =	ssub.s32 s7, s28;
	s30 =	sshll.u32 s14, $0x7  }
0xc: {  	s31 =	sshll.u32 s15, $0x7;
	s10 =	sshll.u32 s16, $0x7;
	s11 =	sshll.u32 s19, $0x7  }
0xd: {  	s13 =	sadd.s32 s13, s20;
	s14 =	sadd.s32 s20, s14;
	s15 =	sadd.s32 s20, s15  }
0xe: {  	s16 =	sadd.s32 s20, s16;
	s19 =	sadd.s32 s20, s19;
	s20 =	simm.s32 $0x2  }
0xf: {  	s7 =	sadd.s32 s30, s2;
	s8 =	sadd.s32 s31, s2;
	s9 =	sadd.s32 s10, s2  }
0x10: {  	s10 =	sadd.s32 s11, s2;
	s13 =	sshll.u32 s13, $0x4;
	s14 =	sshll.u32 s14, $0x4  }
0x11: {  	s15 =	sshll.u32 s15, $0x4;
	s16 =	sshll.u32 s16, $0x4;
	s19 =	sshll.u32 s19, $0x4  }
0x12: {  	s18 =	smax.u32 s18, $0x1;
	s12 =	sadd.s32 s5, s6;
	s5 =	sadd.s32 $0x1AE00, s6  }
0x13: {  	s6 =	sadd.s32 s29, s2;
	s13 =	sadd.s32 s17, s13;
	s14 =	sadd.s32 s17, s14  }
0x14: {  	s15 =	sadd.s32 s17, s15;
	s16 =	sadd.s32 s17, s16;
	s17 =	sadd.s32 s17, s19  }
0x15: {  	s19 =	simm.s32 $0x5000;
	s11 =	sadd.s32 $0x6E00, s12;
	s12 =	sadd.s32 $0x10E00, s12  }
.LBB2_1:
0x16: {  	[tilespmem:s19], [sflag:$0x2] =	stream.linear.gather [hbm4b:s5+s3], $0x4000, $0x38;
	[tilespmem:$0x1D000] =	vst v63  }
0x17: {  	_ =	swait.ge [sflag:s20], $0x4000  }
0x18: {  	[sflag:s20] =	ssyncset.done $0x0  }
0x19: {  	[sflag:s20] =	ssyncadd.s32 $0xFFFFC000  }
0x1a: {  	[spmem:s6] =	stream.linear.scatter [tilespmem:s19], [sflag:$0x2], $0x4000, $0x38;
	[tilespmem:$0x1D000] =	vst v63  }
0x1b: {  	_ =	swait.ge [sflag:s20], $0x4000  }
0x1c: {  	[sflag:s20] =	ssyncset.done $0x0  }
0x1d: {  	[sflag:s20] =	ssyncadd.s32 $0xFFFFC000  }
0x1e: {  	[spmem:s7] =	stream.linear.scatter [tilespmem:s19], [sflag:$0x2], $0x4000, $0x38;
	[tilespmem:$0x1D000] =	vst v63  }
0x1f: {  	_ =	swait.ge [sflag:s20], $0x4000  }
0x20: {  	[sflag:s20] =	ssyncset.done $0x0  }
0x21: {  	[sflag:s20] =	ssyncadd.s32 $0xFFFFC000  }
0x22: {  	[spmem:s8] =	stream.linear.scatter [tilespmem:s19], [sflag:$0x2], $0x4000, $0x38;
	[tilespmem:$0x1D000] =	vst v63  }
0x23: {  	_ =	swait.ge [sflag:s20], $0x4000  }
0x24: {  	[sflag:s20] =	ssyncset.done $0x0  }
0x25: {  	[sflag:s20] =	ssyncadd.s32 $0xFFFFC000  }
0x26: {  	[spmem:s9] =	stream.linear.scatter [tilespmem:s19], [sflag:$0x2], $0x4000, $0x38;
	[tilespmem:$0x1D000] =	vst v63  }
0x27: {  	_ =	swait.ge [sflag:s20], $0x4000  }
0x28: {  	[sflag:s20] =	ssyncset.done $0x0  }
0x29: {  	[sflag:s20] =	ssyncadd.s32 $0xFFFFC000  }
0x2a: {  	[spmem:s10] =	stream.linear.scatter [tilespmem:s19], [sflag:$0x2], $0x4000, $0x38;
	[tilespmem:$0x1D000] =	vst v63  }
0x2b: {  	_ =	swait.ge [sflag:s20], $0x4000  }
0x2c: {  	[sflag:s20] =	ssyncset.done $0x0  }
0x2d: {  	[sflag:s20] =	ssyncadd.s32 $0xFFFFC000  }
0x2e: {  	[tilespmem:s3], [sflag:$0x2] =	stream.linear.gather [hbm4b:s11+s3], $0x2800, $0x38;
	[tilespmem:$0x1D000] =	vst v63  }
0x2f: {  	_ =	swait.ge [sflag:s20], $0x2800  }
0x30: {  	[sflag:s20] =	ssyncset.done $0x0  }
0x31: {  	[sflag:s20] =	ssyncadd.s32 $0xFFFFD800  }
0x32: {  	[tilespmem:s21], [sflag:$0x2] =	stream.linear.gather [hbm4b:s12+s3], $0x2800, $0x38;
	[tilespmem:$0x1D000] =	vst v63  }
0x33: {  	_ =	swait.ge [sflag:s20], $0x2800  }
0x34: {  	[sflag:s20] =	ssyncset.done $0x0  }
0x35: {  	[sflag:s20] =	ssyncadd.s32 $0xFFFFD800  }
0x36: {  	s25 =	simm.s32 $0x0;
	[bflag:$0x0] =	sbarrier.arrive $0xFFFF  }
0x37: {  	[tilespmem:s19], [sflag:$0x1] =	stream.indirect.gather [hbm4b:s4+s22], $0x80, s25, s22, $0xb8;
	[tilespmem:$0x1D000] =	vst v63  }
0x38: {  	_ =	swait.ge [sflag:s23], $0x4000  }
0x39: {  	[sflag:s23] =	ssyncset.done $0x0  }
0x3a: {  	s31 =	simm.s32 $0x2800;
	[sflag:s23] =	ssyncadd.s32 $0xFFFFC000  }
0x3b: {  	[spmem:s2] =	stream.indirect.scatter.add.f32 [tilespmem:s19], [sflag:$0x2], $0x80, s31, s22, $0xb8;
	[tilespmem:$0x1D000] =	vst v63  }
0x3c: {  	_ =	swait.ge [sflag:s20], $0x4000  }
0x3d: {  	s26 =	simm.s32 $0x400;
	s25 =	simm.s32 $0x200;
	[sflag:s20] =	ssyncset.done $0x0  }
.LBB2_2:
0x3e: {  	s28 =	sshra.s32 s25, $0x2  }
0x3f: {  	[sflag:s20] =	ssyncadd.s32 $0xFFFFC000;
	s25 =	smov.u32 s26;
	s29 =	sadd.s32 $0x200, s26  }
0x40: {  	[tilespmem:s19], [sflag:$0x1] =	stream.indirect.gather [hbm4b:s4+s22], $0x80, s28, s22, $0xb8;
	[tilespmem:$0x1D000] =	vst v63  }
0x41: {  	p0 =	sne.s32 s26, $0x9E00;
	_ =	swait.ge [sflag:s23], $0x4000  }
.Ltmp0:
0x42: {  	[sflag:s23] =	ssyncset.done $0x0;
	(pc) =	sbr.rel @p0 .LBB2_2-.Ltmp0, $4  }
0x43: {  	s26 =	sadd.s32 $0x2800, s28;
	[sflag:s23] =	ssyncadd.s32 $0xFFFFC000  }
0x44: {  	[spmem:s2] =	stream.indirect.scatter.add.f32 [tilespmem:s19], [sflag:$0x2], $0x80, s26, s22, $0xb8;
	[tilespmem:$0x1D000] =	vst v63  }
0x45: {  	_ =	swait.ge [sflag:s20], $0x4000  }
0x46: {  	s26 =	smov.u32 s29;
	[sflag:s20] =	ssyncset.done $0x0  }
0x47: {  	s25 =	sshra.s32 s25, $0x2;
	[sflag:s20] =	ssyncadd.s32 $0xFFFFC000  }
0x48: {  	[tilespmem:s19], [sflag:$0x1] =	stream.indirect.gather [hbm4b:s4+s22], $0x80, s25, s22, $0xb8;
	[tilespmem:$0x1D000] =	vst v63  }
0x49: {  	_ =	swait.ge [sflag:s23], $0x4000  }
0x4a: {  	[sflag:s23] =	ssyncset.done $0x0  }
0x4b: {  	s25 =	sadd.s32 $0x2800, s25;
	[sflag:s23] =	ssyncadd.s32 $0xFFFFC000  }
0x4c: {  	[spmem:s2] =	stream.indirect.scatter.add.f32 [tilespmem:s19], [sflag:$0x2], $0x80, s25, s22, $0xb8;
	[tilespmem:$0x1D000] =	vst v63  }
0x4d: {  	_ =	swait.ge [sflag:s20], $0x4000  }
0x4e: {  	[sflag:s20] =	ssyncset.done $0x0  }
0x4f: {  	[sflag:s20] =	ssyncadd.s32 $0xFFFFC000  }
0x50: {  	[bflag:$0x0] =	sbarrier.arrive $0xFFFF  }
0x51: {  	[tilespmem:s19], [sflag:$0x2] =	stream.linear.gather [spmem:s6], $0x4000, $0x38;
	[tilespmem:$0x1D000] =	vst v63  }
0x52: {  	_ =	swait.ge [sflag:s20], $0x4000  }
0x53: {  	[sflag:s20] =	ssyncset.done $0x0  }
0x54: {  	[sflag:s20] =	ssyncadd.s32 $0xFFFFC000  }
0x55: {  	[hbm4b:s13+s3] =	stream.linear.scatter [tilespmem:s19], [sflag:$0x2], $0x4000, $0x38;
	[tilespmem:$0x1D000] =	vst v63  }
0x56: {  	_ =	swait.ge [sflag:s20], $0x4000  }
0x57: {  	[sflag:s20] =	ssyncset.done $0x0  }
0x58: {  	[sflag:s20] =	ssyncadd.s32 $0xFFFFC000  }
0x59: {  	[tilespmem:s19], [sflag:$0x2] =	stream.linear.gather [spmem:s7], $0x4000, $0x38;
	[tilespmem:$0x1D000] =	vst v63  }
0x5a: {  	_ =	swait.ge [sflag:s20], $0x4000  }
0x5b: {  	[sflag:s20] =	ssyncset.done $0x0  }
0x5c: {  	[sflag:s20] =	ssyncadd.s32 $0xFFFFC000  }
0x5d: {  	[hbm4b:s14+s3] =	stream.linear.scatter [tilespmem:s19], [sflag:$0x2], $0x4000, $0x38;
	[tilespmem:$0x1D000] =	vst v63  }
0x5e: {  	_ =	swait.ge [sflag:s20], $0x4000  }
0x5f: {  	[sflag:s20] =	ssyncset.done $0x0  }
0x60: {  	[sflag:s20] =	ssyncadd.s32 $0xFFFFC000  }
0x61: {  	[tilespmem:s19], [sflag:$0x2] =	stream.linear.gather [spmem:s8], $0x4000, $0x38;
	[tilespmem:$0x1D000] =	vst v63  }
0x62: {  	_ =	swait.ge [sflag:s20], $0x4000  }
0x63: {  	[sflag:s20] =	ssyncset.done $0x0  }
0x64: {  	[sflag:s20] =	ssyncadd.s32 $0xFFFFC000  }
0x65: {  	[hbm4b:s15+s3] =	stream.linear.scatter [tilespmem:s19], [sflag:$0x2], $0x4000, $0x38;
	[tilespmem:$0x1D000] =	vst v63  }
0x66: {  	_ =	swait.ge [sflag:s20], $0x4000  }
0x67: {  	[sflag:s20] =	ssyncset.done $0x0  }
0x68: {  	[sflag:s20] =	ssyncadd.s32 $0xFFFFC000  }
0x69: {  	[tilespmem:s19], [sflag:$0x2] =	stream.linear.gather [spmem:s9], $0x4000, $0x38;
	[tilespmem:$0x1D000] =	vst v63  }
0x6a: {  	_ =	swait.ge [sflag:s20], $0x4000  }
0x6b: {  	[sflag:s20] =	ssyncset.done $0x0  }
0x6c: {  	[sflag:s20] =	ssyncadd.s32 $0xFFFFC000  }
0x6d: {  	[hbm4b:s16+s3] =	stream.linear.scatter [tilespmem:s19], [sflag:$0x2], $0x4000, $0x38;
	[tilespmem:$0x1D000] =	vst v63  }
0x6e: {  	_ =	swait.ge [sflag:s20], $0x4000  }
0x6f: {  	[sflag:s20] =	ssyncset.done $0x0  }
0x70: {  	[sflag:s20] =	ssyncadd.s32 $0xFFFFC000  }
0x71: {  	[tilespmem:s19], [sflag:$0x2] =	stream.linear.gather [spmem:s10], $0x4000, $0x38;
	[tilespmem:$0x1D000] =	vst v63  }
0x72: {  	s24 =	sadd.s32 $0x1, s24;
	_ =	swait.ge [sflag:s20], $0x4000  }
0x73: {  	p0 =	sne.s32 s24, s18;
	[sflag:s20] =	ssyncset.done $0x0  }
.Ltmp1:
0x74: {  	[sflag:s20] =	ssyncadd.s32 $0xFFFFC000;
	(pc) =	sbr.rel @p0 .LBB2_1-.Ltmp1, $4  }
0x75: {  	[hbm4b:s17+s3] =	stream.linear.scatter [tilespmem:s19], [sflag:$0x2], $0x4000, $0x38;
	[tilespmem:$0x1D000] =	vst v63  }
0x76: {  	_ =	swait.ge [sflag:s20], $0x4000  }
0x77: {  	[sflag:s20] =	ssyncset.done $0x0  }
0x78: {  	[sflag:s20] =	ssyncadd.s32 $0xFFFFC000  }
0x79: {  	_ =	sfence.sel $0x180000  }
0x7a: {  	[bflag:$0x0] =	sbarrier.arrive $0xFFFF  }
0x7b: {  	p0 =	sne.s32 s1, $0x0;
	_ =	strace $0x9000004D  }
0x7c: {  	s0 =	sadd.s32 @!p0 $0x100000, s0;
	[bflag:$0x2] =	sbarrier.arrive $0xFFFF  }
0x7d: {  	[sflag:s0] =	ssyncadd.tile.s32 @!p0 $0x1;
	_ =	shalt  }
.Lfunc_end2:
_tile_overlayer_lowered:
.L_overlay_start_2:
0x7e: {  	(tag) =	ssettag $0x2  }
0x7f: {  	s0 =	rddreg [dreg:$0x0];
	s2 =	stileid.u32  }
0x80: {  	s1 =	rddreg [dreg:$0x1];
	p0 =	sne.s32 s2, $0x0  }
0x81: {  	s3 =	rddreg [dreg:$0x2];
	[bflag:$0x3] =	sbarrier.arrive $0xFFFF;
	s2 =	simm.s32 @!p0 $0x1C02  }
0x82: {  	[timem:s3], [sflag:s2] =	dma.local @!p0 [hbm:s0], s1  }
0x83: {  	s0 =	simm.s32 @!p0 $0x2  }
0x84: {  	_ =	swait.ge @!p0 [sflag:s0], s1  }
0x85: {  	s1 =	ssub.s32 @!p0 $0x0, s1;
	[sflag:s0] =	ssyncset.done @!p0 $0x0  }
0x86: {  	[sflag:s0] =	ssyncadd.s32 @!p0 s1  }
0x87: {  	[bflag:$0x3] =	sbarrier.arrive $0xFFFF  }
0x88: {  	_ =	shalt  }

// kernel: kernel.18.cloned.1.call-start
scs
__scs_entry_jumppad:
0x0: {  	(pc) =	sbr.rel $0x88, $3  }
0x1: {  	(tag) =	ssettag $0x0;
	lr =	simm.s32 $0x1  }
0x2: {  	[smem:$0x3F8C] =	sst lr;
	_ =	strace $0xD0000000  }
0x3: {  	_ = 	snop  }
0x4: {  	_ = 	snop  }
0x5: {  	_ = 	snop  }
0x6: {  	_ = 	snop  }
0x7: {  	_ = 	snop  }
__scs_overlays_trampoline_lowered:
0x8: {  	[smem:$0x3F9B] =	sst s0  }
0x9: {  	[smem:$0x3F9C] =	sst s1  }
0xa: {  	[smem:$0x3F9D] =	sst s2  }
0xb: {  	[smem:$0x3F9E] =	sst s3  }
0xc: {  	[smem:$0x3F9F] =	sst s4  }
0xd: {  	[smem:$0x3FA0] =	sst s5  }
0xe: {  	[smem:$0x3FA1] =	sst s6  }
0xf: {  	[smem:$0x3FA2] =	sst s7  }
0x10: {  	[smem:$0x3FA3] =	sst s8  }
0x11: {  	[smem:$0x3FA4] =	sst s9;
	s0 =	simm.s32 @!p0 $0x0  }
0x12: {  	s1 =	sld [smem:$0x3F8A];
	s0 =	simm.s32 @p0 $0x1  }
0x13: {  	[smem:$0x3FA5] =	sst s0;
	s0 =	simm.s32 @!p1 $0x0  }
0x14: {  	s2 =	sld [smem:$0x3F89];
	s0 =	simm.s32 @p1 $0x1  }
0x15: {  	[smem:$0x3FA6] =	sst s0;
	s0 =	simm.s32 @!p2 $0x0  }
0x16: {  	s3 =	sld [smem:$0x3FDB];
	s0 =	simm.s32 @p2 $0x1  }
0x17: {  	s4 =	simm.s32 $0x1BF5;
	[smem:$0x3FA8] =	sst s0  }
0x18: {  	s0 =	sld [smem:$0x3F8B];
	_ =	swait.ge [sflag:s4], $0x0  }
0x19: {  	s7 =	sld [smem:$0x3F8C]  }
0x1a: {  	s8 =	sadd.s32 $0xFFFFE003, lr  }
0x1b: {  	s9 =	sadd.s32 $0xFFFFFEF7, lr;
	s5 =	simm.s32 $0xFFFFFFFF;
	p2 =	slt.u32 s8, $0xFFFFF086  }
0x1c: {  	p1 =	slt.u32 s9, $0xF7A;
	s5 =	simm.s32 @!p2 $0x0  }
0x1d: {  	s5 =	simm.s32 @p1 $0x1;
	p0 =	seq.s32 s7, s2  }
0x1e: {  	s7 =	smul.u32 @!p0 $0xF7A, s2;
	p2 =	seq.s32 @!p0 s5, $0x0  }
0x1f: {  	s9 =	smul.u32 $0xF7A, s1;
	s8 =	simm.s32 @!p0 $0x1BF5;
	p2 =	por !p2, p0  }
0x20: {  	[sflag:s8] =	ssyncset.s32 @!p0 $0xFFFFF086;
	s6 =	sadd.s32 @!p0 s3, s7;
	s7 =	simm.s32 @!p0 $0x108  }
0x21: {  	s3 =	sadd.s32 s3, s9;
	s6 =	sadd.s32 @!p0 $0x88, s6;
	s7 =	simm.s32 @p2 $0x1082  }
0x22: {  	[simem:s7], [sflag:s8] =	dma.local @!p0 [hbm:s6], $0xF7A  }
0x23: {  	s9 =	sor.u32 $0xD0000000, s2;
	s6 =	simm.s32 $0x108;
	_ =	swait.ge @!p0 [sflag:s8], $0x0  }
0x24: {  	s3 =	sadd.s32 $0x88, s3;
	s6 =	simm.s32 @!p1 $0x1082;
	[sflag:s4] =	ssyncset.s32 $0xFFFFF086  }
0x25: {  	[simem:s6], [sflag:s4] =	dma.local [hbm:s3], $0xF7A  }
0x26: {  	[smem:$0x3F8C] =	sst s1;
	(tag) =	ssettag s2;
	_ =	strace s9  }
0x27: {  	s1 =	sld [smem:$0x3F9C]  }
0x28: {  	s2 =	sld [smem:$0x3F9D]  }
0x29: {  	s4 =	sld [smem:$0x3F9F]  }
0x2a: {  	p0 =	seq.s32 s5, $0x0;
	s5 =	sld [smem:$0x3FA0]  }
0x2b: {  	s6 =	sld [smem:$0x3FA1]  }
0x2c: {  	s7 =	sld [smem:$0x3FA2]  }
0x2d: {  	s3 =	simm.s32 $0x108;
	s8 =	sld [smem:$0x3FA3]  }
0x2e: {  	s3 =	simm.s32 @!p0 $0x1082;
	s9 =	sld [smem:$0x3FA4]  }
0x2f: {  	lr =	sadd.s32 s0, s3;
	s0 =	sld [smem:$0x3F9B]  }
0x30: {  	s3 =	sld [smem:$0x3F9E]  }
0x31: {  	[smem:$0x3FA7] =	sst s10  }
0x32: {  	s10 =	sld [smem:$0x3FA5];
	_ =	sdelay $0x3  }
0x33: {  	p0 =	seq.s32 s10, $0x1;
	s10 =	sld [smem:$0x3FA7];
	_ =	sdelay $0x3  }
0x34: {  	[smem:$0x3FA7] =	sst s10  }
0x35: {  	s10 =	sld [smem:$0x3FA6];
	_ =	sdelay $0x3  }
0x36: {  	p1 =	seq.s32 s10, $0x1;
	s10 =	sld [smem:$0x3FA7];
	_ =	sdelay $0x3  }
0x37: {  	[smem:$0x3FA7] =	sst s10  }
0x38: {  	s10 =	sld [smem:$0x3FA8]  }
0x39: {  	_ = 	snop;
	(pc) =	sbr.ind lr, $3  }
0x3a: {  	_ = 	snop  }
0x3b: {  	_ = 	snop  }
0x3c: {  	p2 =	seq.s32 s10, $0x1;
	s10 =	sld [smem:$0x3FA7]  }
0x3d: {  	_ =	shalt  }
0x3e: {  	_ =	shalt  }
0x3f: {  	_ =	shalt  }
0x40: {  	_ =	shalt  }
0x41: {  	_ =	shalt  }
0x42: {  	_ =	shalt  }
0x43: {  	_ =	shalt  }
0x44: {  	_ =	shalt  }
0x45: {  	_ =	shalt  }
0x46: {  	_ =	shalt  }
0x47: {  	_ =	shalt  }
0x48: {  	_ =	shalt  }
0x49: {  	_ =	shalt  }
0x4a: {  	_ =	shalt  }
0x4b: {  	_ =	shalt  }
0x4c: {  	_ =	shalt  }
0x4d: {  	_ =	shalt  }
0x4e: {  	_ =	shalt  }
0x4f: {  	_ =	shalt  }
0x50: {  	_ =	shalt  }
0x51: {  	_ =	shalt  }
0x52: {  	_ =	shalt  }
0x53: {  	_ =	shalt  }
0x54: {  	_ =	shalt  }
0x55: {  	_ =	shalt  }
0x56: {  	_ =	shalt  }
0x57: {  	_ =	shalt  }
0x58: {  	_ =	shalt  }
0x59: {  	_ =	shalt  }
0x5a: {  	_ =	shalt  }
0x5b: {  	_ =	shalt  }
0x5c: {  	_ =	shalt  }
0x5d: {  	_ =	shalt  }
0x5e: {  	_ =	shalt  }
0x5f: {  	_ =	shalt  }
0x60: {  	_ =	shalt  }
0x61: {  	_ =	shalt  }
0x62: {  	_ =	shalt  }
0x63: {  	_ =	shalt  }
0x64: {  	_ =	shalt  }
0x65: {  	_ =	shalt  }
0x66: {  	_ =	shalt  }
0x67: {  	_ =	shalt  }
0x68: {  	_ =	shalt  }
0x69: {  	_ =	shalt  }
0x6a: {  	_ =	shalt  }
0x6b: {  	_ =	shalt  }
0x6c: {  	_ =	shalt  }
0x6d: {  	_ =	shalt  }
0x6e: {  	_ =	shalt  }
0x6f: {  	_ =	shalt  }
0x70: {  	_ =	shalt  }
0x71: {  	_ =	shalt  }
0x72: {  	_ =	shalt  }
0x73: {  	_ =	shalt  }
0x74: {  	_ =	shalt  }
0x75: {  	_ =	shalt  }
0x76: {  	_ =	shalt  }
0x77: {  	_ =	shalt  }
0x78: {  	_ =	shalt  }
0x79: {  	_ =	shalt  }
0x7a: {  	_ =	shalt  }
0x7b: {  	_ =	shalt  }
0x7c: {  	_ =	shalt  }
0x7d: {  	_ =	shalt  }
0x7e: {  	_ =	shalt  }
0x7f: {  	_ =	shalt  }
0x80: {  	_ =	shalt  }
0x81: {  	_ =	shalt  }
0x82: {  	_ =	shalt  }
0x83: {  	_ =	shalt  }
0x84: {  	_ =	shalt  }
0x85: {  	_ =	shalt  }
0x86: {  	_ =	shalt  }
0x87: {  	_ =	shalt  }
.Lfunc_end0:
.L_simem_size_0:
called_computation.3_lowered:
.L_overlay_start_0:
0x88: {  	s2 =	sld [smem:$0x3FD9]  }
0x89: {  	s3 =	sld [smem:$0x3FFE];
	_ =	sdelay $0x1  }
0x8a: {  	s1 =	srdreg.scid  }
0x8b: {  	s0 =	sand.u32 $0x1, s1  }
0x8c: {  	s16 =	sshll.u32 s0, $0xA;
	s2 =	sadd.s32 s3, s2  }
0x8d: {  	s2 =	sadd.s32 s2, s16  }
0x8e: {  	[smem:$0x3FB3] =	sst s2  }
0x8f: {  	_ = 	snop  }
0x90: {  	(tm) =	ssettm $0x1  }
0x91: {  	s17 =	sld [smem:$0x3FFB];
	_ =	sdelay $0x3  }
0x92: {  	_ =	strace s17  }
0x93: {  	s2 =	sld [smem:$0x3FFC];
	_ =	sdelay $0x3  }
0x94: {  	_ =	strace s2  }
0x95: {  	s2 =	sld [smem:$0x3FFD];
	_ =	sdelay $0x3  }
0x96: {  	_ =	strace s2  }
0x97: {  	_ =	strace $0x8FFFFFFF  }
0x98: {  	s18 =	sld [smem:$0x3FDB];
	_ =	sdelay $0x1  }
0x99: {  	s19 =	simm.s32 $_scs_section_size  }
0x9a: {  	s4 =	simm.s32 $_size__tile_overlayer_lowered;
	s5 =	simm.s32 $_tile_overlayer_lowered  }
0x9b: {  	s22 =	simm.s32 $0x1BFF;
	s21 =	sshll.u32 s5, $0x1;
	s2 =	sadd.s32 s19, s18  }
0x9c: {  	s6 =	simm.s32 $0x0;
	s20 =	sshll.u32 s4, $0x1;
	s4 =	sadd.s32 s21, s2  }
0x9d: {  	[timem:s6], [sflag:s22] =	dma.local [hbm:s4], s20  }
0x9e: {  	_ =	swait.ge [sflag:s22], s20  }
0x9f: {  	s3 =	ssub.s32 $0x0, s20;
	[sflag:s22] =	ssyncset.done $0x0  }
0xa0: {  	[sflag:s22] =	ssyncadd.s32 s3;
	_ =	sdelay $0x1  }
0xa1: {  	s23 =	simm.s32 $0x1B8B  }
0xa2: {  	_ =	swait.ge [sflag:s23], $0x1  }
0xa3: {  	[sflag:s23] =	ssyncset.done $0x0  }
0xa4: {  	s25 =	simm.s32 $0x1B8E;
	s24 =	sld [smem:$0x3FFE];
	[sflag:s23] =	ssyncadd.s32 $0xFFFFFFFF  }
0xa5: {  	s26 =	simm.s32 $execute0_lowered;
	[smem:$0x3FD2] =	sst s25  }
0xa6: {  	s4 =	sshll.u32 s26, $0x1;
	_ =	strace $0x8000004F;
	[dreg:$0x1] =	wrdreg $0xFFFFFFFF  }
0xa7: {  	s28 =	simm.s32 $_size_execute0_lowered;
	s2 =	sadd.s32 s2, s4;
	[dreg:$0x0] =	wrdreg $0x0  }
0xa8: {  	s4 =	sshll.u32 s28, $0x1;
	[dreg:$0x2] =	wrdreg s2  }
0xa9: {  	[dreg:$0x3] =	wrdreg s4  }
0xaa: {  	[dreg:$0x4] =	wrdreg $0xC0  }
0xab: {  	_ =	task [dreg:s6], $0x5FFFF  }
0xac: {  	[dreg:$0x1] =	wrdreg $0xFFFFFFFF  }
0xad: {  	[dreg:$0x0] =	wrdreg $0x60  }
0xae: {  	[dreg:$0x2] =	wrdreg s24  }
0xaf: {  	[dreg:$0x3] =	wrdreg $0x90000  }
0xb0: {  	[dreg:$0x4] =	wrdreg $0x9  }
0xb1: {  	_ =	task.clear_ibuf [dreg:s6], $0x5FFFF;
	_ =	strace $0x9000004F  }
0xb2: {  	s29 =	simm.s32 $0x9;
	_ =	strace $0x80000051  }
0xb3: {  	_ =	swait.ge [sflag:s29], $0x1  }
0xb4: {  	[sflag:s29] =	ssyncadd.s32 $0xFFFFFFFF  }
0xb5: {  	_ =	strace $0x90000051  }
0xb6: {  	_ =	sfence  }
0xb7: {  	s30 =	sld [smem:$0x0];
	_ =	sdelay $0x2  }
0xb8: {  	s31 =	sshll.u32 s1, $0xD;
	s1 =	sshrl.u32 s1, $0x2  }
0xb9: {  	s3 =	sand.u32 $0x4000, s31;
	s1 =	sadd.s32 s1, s30  }
0xba: {  	s0 =	sor.u32 s3, s0;
	s1 =	sshll.u32 s1, $0x11  }
0xbb: {  	s0 =	sor.u32 s1, s0  }
0xbc: {  	s0 =	sadd.s32 $0x8F2B, s0  }
0xbd: {  	[sflag:s0] =	ssyncadd.remote.s32 $0x1  }
0xbe: {  	_ =	sfence.sel $0xFFFF  }
0xbf: {  	[dreg:$0x0] =	wrdreg $0xFFFFFFFF;
	(pc) =	sbr.abs _section_cstart, $3  }
0xc0: {  	[dreg:$0x1] =	wrdreg $0xFFFFFFFF  }
0xc1: {  	_ =	task.clear_ibuf [dreg:s6], $0x2FFFF;
	_ =	strace $0x9FFFFFFF  }
0xc2: {  	(tm) =	ssettm $0x7FFFFFFF  }
0xc3: {  	_ =	shalt  }
tec
execute0_lowered:
.L_overlay_start_1:
0x0: {  	(tag) =	ssettag $0x1  }
0x1: {  	s6 =	rddreg [dreg:$0x0]  }
0x2: {  	s0 =	srdreg.scid;
	s2 =	rddreg [dreg:$0x1]  }
0x3: {  	s1 =	stileid.u32;
	s3 =	simm.s32 $0x0;
	s21 =	simm.s32 $0x2800  }
0x4: {  	s22 =	simm.s32 $0x80;
	s23 =	simm.s32 $0x1;
	s24 =	simm.s32 $0x0  }
0x5: {  	s8 =	sand.u32 $0x1, s0;
	s0 =	rddreg [dreg:$0x2];
	s13 =	smul.u32 $0x280, s1  }
0x6: {  	[smem:$0x7FF] =	sst s3;
	s9 =	smul.u32 $0x50000, s1;
	s17 =	sadd.s32 $0x69A00, s6  }
0x7: {  	s4 =	sshll.u32 s8, $0x4;
	_ =	strace $0x80000050;
	s7 =	ssub.s32 $0x2, s8  }
0x8: {  	s20 =	smul.u32 $0x2800, s8;
	s4 =	sor.u32 s1, s4;
	s28 =	sshrl.u32 s7, $0x1  }
0x9: {  	s14 =	sadd.s32 $0x80, s13;
	s29 =	sshrl.u32 s9, $0x2;
	s15 =	sadd.s32 $0x100, s13  }
0xa: {  	s16 =	sadd.s32 $0x180, s13;
	s19 =	sadd.s32 $0x200, s13;
	s5 =	smul.u32 $0x500, s4  }
0xb: {  	s4 =	sadd.s32 $0x42800, s6;
	s18 =	ssub.s32 s7, s28;
	s30 =	sshll.u32 s14, $0x7  }
0xc: {  	s31 =	sshll.u32 s15, $0x7;
	s10 =	sshll.u32 s16, $0x7;
	s11 =	sshll.u32 s19, $0x7  }
0xd: {  	s13 =	sadd.s32 s13, s20;
	s14 =	sadd.s32 s20, s14;
	s15 =	sadd.s32 s20, s15  }
0xe: {  	s16 =	sadd.s32 s20, s16;
	s19 =	sadd.s32 s20, s19;
	s20 =	simm.s32 $0x2  }
0xf: {  	s7 =	sadd.s32 s30, s2;
	s8 =	sadd.s32 s31, s2;
	s9 =	sadd.s32 s10, s2  }
0x10: {  	s10 =	sadd.s32 s11, s2;
	s13 =	sshll.u32 s13, $0x4;
	s14 =	sshll.u32 s14, $0x4  }
0x11: {  	s15 =	sshll.u32 s15, $0x4;
	s16 =	sshll.u32 s16, $0x4;
	s19 =	sshll.u32 s19, $0x4  }
0x12: {  	s18 =	smax.u32 s18, $0x1;
	s12 =	sadd.s32 s5, s6;
	s5 =	sadd.s32 $0x1AE00, s6  }
0x13: {  	s6 =	sadd.s32 s29, s2;
	s13 =	sadd.s32 s17, s13;
	s14 =	sadd.s32 s17, s14  }
0x14: {  	s15 =	sadd.s32 s17, s15;
	s16 =	sadd.s32 s17, s16;
	s17 =	sadd.s32 s17, s19  }
0x15: {  	s19 =	simm.s32 $0x5000;
	s11 =	sadd.s32 $0x6E00, s12;
	s12 =	sadd.s32 $0x10E00, s12  }
.LBB2_1:
0x16: {  	[tilespmem:s19], [sflag:$0x2] =	stream.linear.gather [hbm4b:s5+s3], $0x4000, $0x38;
	[tilespmem:$0x1D000] =	vst v63  }
0x17: {  	_ =	swait.ge [sflag:s20], $0x4000  }
0x18: {  	[sflag:s20] =	ssyncset.done $0x0  }
0x19: {  	[sflag:s20] =	ssyncadd.s32 $0xFFFFC000  }
0x1a: {  	[spmem:s6] =	stream.linear.scatter [tilespmem:s19], [sflag:$0x2], $0x4000, $0x38;
	[tilespmem:$0x1D000] =	vst v63  }
0x1b: {  	_ =	swait.ge [sflag:s20], $0x4000  }
0x1c: {  	[sflag:s20] =	ssyncset.done $0x0  }
0x1d: {  	[sflag:s20] =	ssyncadd.s32 $0xFFFFC000  }
0x1e: {  	[spmem:s7] =	stream.linear.scatter [tilespmem:s19], [sflag:$0x2], $0x4000, $0x38;
	[tilespmem:$0x1D000] =	vst v63  }
0x1f: {  	_ =	swait.ge [sflag:s20], $0x4000  }
0x20: {  	[sflag:s20] =	ssyncset.done $0x0  }
0x21: {  	[sflag:s20] =	ssyncadd.s32 $0xFFFFC000  }
0x22: {  	[spmem:s8] =	stream.linear.scatter [tilespmem:s19], [sflag:$0x2], $0x4000, $0x38;
	[tilespmem:$0x1D000] =	vst v63  }
0x23: {  	_ =	swait.ge [sflag:s20], $0x4000  }
0x24: {  	[sflag:s20] =	ssyncset.done $0x0  }
0x25: {  	[sflag:s20] =	ssyncadd.s32 $0xFFFFC000  }
0x26: {  	[spmem:s9] =	stream.linear.scatter [tilespmem:s19], [sflag:$0x2], $0x4000, $0x38;
	[tilespmem:$0x1D000] =	vst v63  }
0x27: {  	_ =	swait.ge [sflag:s20], $0x4000  }
0x28: {  	[sflag:s20] =	ssyncset.done $0x0  }
0x29: {  	[sflag:s20] =	ssyncadd.s32 $0xFFFFC000  }
0x2a: {  	[spmem:s10] =	stream.linear.scatter [tilespmem:s19], [sflag:$0x2], $0x4000, $0x38;
	[tilespmem:$0x1D000] =	vst v63  }
0x2b: {  	_ =	swait.ge [sflag:s20], $0x4000  }
0x2c: {  	[sflag:s20] =	ssyncset.done $0x0  }
0x2d: {  	[sflag:s20] =	ssyncadd.s32 $0xFFFFC000  }
0x2e: {  	[tilespmem:s3], [sflag:$0x2] =	stream.linear.gather [hbm4b:s11+s3], $0x2800, $0x38;
	[tilespmem:$0x1D000] =	vst v63  }
0x2f: {  	_ =	swait.ge [sflag:s20], $0x2800  }
0x30: {  	[sflag:s20] =	ssyncset.done $0x0  }
0x31: {  	[sflag:s20] =	ssyncadd.s32 $0xFFFFD800  }
0x32: {  	[tilespmem:s21], [sflag:$0x2] =	stream.linear.gather [hbm4b:s12+s3], $0x2800, $0x38;
	[tilespmem:$0x1D000] =	vst v63  }
0x33: {  	_ =	swait.ge [sflag:s20], $0x2800  }
0x34: {  	[sflag:s20] =	ssyncset.done $0x0  }
0x35: {  	[sflag:s20] =	ssyncadd.s32 $0xFFFFD800  }
0x36: {  	s25 =	simm.s32 $0x0;
	[bflag:$0x0] =	sbarrier.arrive $0xFFFF  }
0x37: {  	[tilespmem:s19], [sflag:$0x1] =	stream.indirect.gather [hbm4b:s4+s22], $0x80, s25, s22, $0xb8;
	[tilespmem:$0x1D000] =	vst v63  }
0x38: {  	_ =	swait.ge [sflag:s23], $0x4000  }
0x39: {  	[sflag:s23] =	ssyncset.done $0x0  }
0x3a: {  	s31 =	simm.s32 $0x2800;
	[sflag:s23] =	ssyncadd.s32 $0xFFFFC000  }
0x3b: {  	[spmem:s2] =	stream.indirect.scatter.add.f32 [tilespmem:s19], [sflag:$0x2], $0x80, s31, s22, $0xb8;
	[tilespmem:$0x1D000] =	vst v63  }
0x3c: {  	_ =	swait.ge [sflag:s20], $0x4000  }
0x3d: {  	s26 =	simm.s32 $0x400;
	s25 =	simm.s32 $0x200;
	[sflag:s20] =	ssyncset.done $0x0  }
.LBB2_2:
0x3e: {  	s28 =	sshra.s32 s25, $0x2  }
0x3f: {  	[sflag:s20] =	ssyncadd.s32 $0xFFFFC000;
	s25 =	smov.u32 s26;
	s29 =	sadd.s32 $0x200, s26  }
0x40: {  	[tilespmem:s19], [sflag:$0x1] =	stream.indirect.gather [hbm4b:s4+s22], $0x80, s28, s22, $0xb8;
	[tilespmem:$0x1D000] =	vst v63  }
0x41: {  	p0 =	sne.s32 s26, $0x9E00;
	_ =	swait.ge [sflag:s23], $0x4000  }
.Ltmp0:
0x42: {  	[sflag:s23] =	ssyncset.done $0x0;
	(pc) =	sbr.rel @p0 .LBB2_2-.Ltmp0, $4  }
0x43: {  	s26 =	sadd.s32 $0x2800, s28;
	[sflag:s23] =	ssyncadd.s32 $0xFFFFC000  }
0x44: {  	[spmem:s2] =	stream.indirect.scatter.add.f32 [tilespmem:s19], [sflag:$0x2], $0x80, s26, s22, $0xb8;
	[tilespmem:$0x1D000] =	vst v63  }
0x45: {  	_ =	swait.ge [sflag:s20], $0x4000  }
0x46: {  	s26 =	smov.u32 s29;
	[sflag:s20] =	ssyncset.done $0x0  }
0x47: {  	s25 =	sshra.s32 s25, $0x2;
	[sflag:s20] =	ssyncadd.s32 $0xFFFFC000  }
0x48: {  	[tilespmem:s19], [sflag:$0x1] =	stream.indirect.gather [hbm4b:s4+s22], $0x80, s25, s22, $0xb8;
	[tilespmem:$0x1D000] =	vst v63  }
0x49: {  	_ =	swait.ge [sflag:s23], $0x4000  }
0x4a: {  	[sflag:s23] =	ssyncset.done $0x0  }
0x4b: {  	s25 =	sadd.s32 $0x2800, s25;
	[sflag:s23] =	ssyncadd.s32 $0xFFFFC000  }
0x4c: {  	[spmem:s2] =	stream.indirect.scatter.add.f32 [tilespmem:s19], [sflag:$0x2], $0x80, s25, s22, $0xb8;
	[tilespmem:$0x1D000] =	vst v63  }
0x4d: {  	_ =	swait.ge [sflag:s20], $0x4000  }
0x4e: {  	[sflag:s20] =	ssyncset.done $0x0  }
0x4f: {  	[sflag:s20] =	ssyncadd.s32 $0xFFFFC000  }
0x50: {  	[bflag:$0x0] =	sbarrier.arrive $0xFFFF  }
0x51: {  	[tilespmem:s19], [sflag:$0x2] =	stream.linear.gather [spmem:s6], $0x4000, $0x38;
	[tilespmem:$0x1D000] =	vst v63  }
0x52: {  	_ =	swait.ge [sflag:s20], $0x4000  }
0x53: {  	[sflag:s20] =	ssyncset.done $0x0  }
0x54: {  	[sflag:s20] =	ssyncadd.s32 $0xFFFFC000  }
0x55: {  	[hbm4b:s13+s3] =	stream.linear.scatter [tilespmem:s19], [sflag:$0x2], $0x4000, $0x38;
	[tilespmem:$0x1D000] =	vst v63  }
0x56: {  	_ =	swait.ge [sflag:s20], $0x4000  }
0x57: {  	[sflag:s20] =	ssyncset.done $0x0  }
0x58: {  	[sflag:s20] =	ssyncadd.s32 $0xFFFFC000  }
0x59: {  	[tilespmem:s19], [sflag:$0x2] =	stream.linear.gather [spmem:s7], $0x4000, $0x38;
	[tilespmem:$0x1D000] =	vst v63  }
0x5a: {  	_ =	swait.ge [sflag:s20], $0x4000  }
0x5b: {  	[sflag:s20] =	ssyncset.done $0x0  }
0x5c: {  	[sflag:s20] =	ssyncadd.s32 $0xFFFFC000  }
0x5d: {  	[hbm4b:s14+s3] =	stream.linear.scatter [tilespmem:s19], [sflag:$0x2], $0x4000, $0x38;
	[tilespmem:$0x1D000] =	vst v63  }
0x5e: {  	_ =	swait.ge [sflag:s20], $0x4000  }
0x5f: {  	[sflag:s20] =	ssyncset.done $0x0  }
0x60: {  	[sflag:s20] =	ssyncadd.s32 $0xFFFFC000  }
0x61: {  	[tilespmem:s19], [sflag:$0x2] =	stream.linear.gather [spmem:s8], $0x4000, $0x38;
	[tilespmem:$0x1D000] =	vst v63  }
0x62: {  	_ =	swait.ge [sflag:s20], $0x4000  }
0x63: {  	[sflag:s20] =	ssyncset.done $0x0  }
0x64: {  	[sflag:s20] =	ssyncadd.s32 $0xFFFFC000  }
0x65: {  	[hbm4b:s15+s3] =	stream.linear.scatter [tilespmem:s19], [sflag:$0x2], $0x4000, $0x38;
	[tilespmem:$0x1D000] =	vst v63  }
0x66: {  	_ =	swait.ge [sflag:s20], $0x4000  }
0x67: {  	[sflag:s20] =	ssyncset.done $0x0  }
0x68: {  	[sflag:s20] =	ssyncadd.s32 $0xFFFFC000  }
0x69: {  	[tilespmem:s19], [sflag:$0x2] =	stream.linear.gather [spmem:s9], $0x4000, $0x38;
	[tilespmem:$0x1D000] =	vst v63  }
0x6a: {  	_ =	swait.ge [sflag:s20], $0x4000  }
0x6b: {  	[sflag:s20] =	ssyncset.done $0x0  }
0x6c: {  	[sflag:s20] =	ssyncadd.s32 $0xFFFFC000  }
0x6d: {  	[hbm4b:s16+s3] =	stream.linear.scatter [tilespmem:s19], [sflag:$0x2], $0x4000, $0x38;
	[tilespmem:$0x1D000] =	vst v63  }
0x6e: {  	_ =	swait.ge [sflag:s20], $0x4000  }
0x6f: {  	[sflag:s20] =	ssyncset.done $0x0  }
0x70: {  	[sflag:s20] =	ssyncadd.s32 $0xFFFFC000  }
0x71: {  	[tilespmem:s19], [sflag:$0x2] =	stream.linear.gather [spmem:s10], $0x4000, $0x38;
	[tilespmem:$0x1D000] =	vst v63  }
0x72: {  	s24 =	sadd.s32 $0x1, s24;
	_ =	swait.ge [sflag:s20], $0x4000  }
0x73: {  	p0 =	sne.s32 s24, s18;
	[sflag:s20] =	ssyncset.done $0x0  }
.Ltmp1:
0x74: {  	[sflag:s20] =	ssyncadd.s32 $0xFFFFC000;
	(pc) =	sbr.rel @p0 .LBB2_1-.Ltmp1, $4  }
0x75: {  	[hbm4b:s17+s3] =	stream.linear.scatter [tilespmem:s19], [sflag:$0x2], $0x4000, $0x38;
	[tilespmem:$0x1D000] =	vst v63  }
0x76: {  	_ =	swait.ge [sflag:s20], $0x4000  }
0x77: {  	[sflag:s20] =	ssyncset.done $0x0  }
0x78: {  	[sflag:s20] =	ssyncadd.s32 $0xFFFFC000  }
0x79: {  	_ =	sfence.sel $0x180000  }
0x7a: {  	[bflag:$0x0] =	sbarrier.arrive $0xFFFF  }
0x7b: {  	p0 =	sne.s32 s1, $0x0;
	_ =	strace $0x90000050  }
0x7c: {  	s0 =	sadd.s32 @!p0 $0x100000, s0;
	[bflag:$0x2] =	sbarrier.arrive $0xFFFF  }
0x7d: {  	[sflag:s0] =	ssyncadd.tile.s32 @!p0 $0x1;
	_ =	shalt  }
.Lfunc_end2:
_tile_overlayer_lowered:
.L_overlay_start_2:
0x7e: {  	(tag) =	ssettag $0x2  }
0x7f: {  	s0 =	rddreg [dreg:$0x0];
	s2 =	stileid.u32  }
0x80: {  	s1 =	rddreg [dreg:$0x1];
	p0 =	sne.s32 s2, $0x0  }
0x81: {  	s3 =	rddreg [dreg:$0x2];
	[bflag:$0x3] =	sbarrier.arrive $0xFFFF;
	s2 =	simm.s32 @!p0 $0x1C02  }
0x82: {  	[timem:s3], [sflag:s2] =	dma.local @!p0 [hbm:s0], s1  }
0x83: {  	s0 =	simm.s32 @!p0 $0x2  }
0x84: {  	_ =	swait.ge @!p0 [sflag:s0], s1  }
0x85: {  	s1 =	ssub.s32 @!p0 $0x0, s1;
	[sflag:s0] =	ssyncset.done @!p0 $0x0  }
0x86: {  	[sflag:s0] =	ssyncadd.s32 @!p0 s1  }
0x87: {  	[bflag:$0x3] =	sbarrier.arrive $0xFFFF  }
0x88: {  	_ =	shalt  }

// kernel: kernel.9.cloned.1.call-start
scs
__scs_entry_jumppad:
0x0: {  	(pc) =	sbr.rel $0x88, $3  }
0x1: {  	(tag) =	ssettag $0x0;
	lr =	simm.s32 $0x1  }
0x2: {  	[smem:$0x3F8C] =	sst lr;
	_ =	strace $0xD0000000  }
0x3: {  	_ = 	snop  }
0x4: {  	_ = 	snop  }
0x5: {  	_ = 	snop  }
0x6: {  	_ = 	snop  }
0x7: {  	_ = 	snop  }
__scs_overlays_trampoline_lowered:
0x8: {  	[smem:$0x3F9B] =	sst s0  }
0x9: {  	[smem:$0x3F9C] =	sst s1  }
0xa: {  	[smem:$0x3F9D] =	sst s2  }
0xb: {  	[smem:$0x3F9E] =	sst s3  }
0xc: {  	[smem:$0x3F9F] =	sst s4  }
0xd: {  	[smem:$0x3FA0] =	sst s5  }
0xe: {  	[smem:$0x3FA1] =	sst s6  }
0xf: {  	[smem:$0x3FA2] =	sst s7  }
0x10: {  	[smem:$0x3FA3] =	sst s8  }
0x11: {  	[smem:$0x3FA4] =	sst s9;
	s0 =	simm.s32 @!p0 $0x0  }
0x12: {  	s1 =	sld [smem:$0x3F8A];
	s0 =	simm.s32 @p0 $0x1  }
0x13: {  	[smem:$0x3FA5] =	sst s0;
	s0 =	simm.s32 @!p1 $0x0  }
0x14: {  	s2 =	sld [smem:$0x3F89];
	s0 =	simm.s32 @p1 $0x1  }
0x15: {  	[smem:$0x3FA6] =	sst s0;
	s0 =	simm.s32 @!p2 $0x0  }
0x16: {  	s3 =	sld [smem:$0x3FDB];
	s0 =	simm.s32 @p2 $0x1  }
0x17: {  	s4 =	simm.s32 $0x1BF5;
	[smem:$0x3FA8] =	sst s0  }
0x18: {  	s0 =	sld [smem:$0x3F8B];
	_ =	swait.ge [sflag:s4], $0x0  }
0x19: {  	s7 =	sld [smem:$0x3F8C]  }
0x1a: {  	s8 =	sadd.s32 $0xFFFFE003, lr  }
0x1b: {  	s9 =	sadd.s32 $0xFFFFFEF7, lr;
	s5 =	simm.s32 $0xFFFFFFFF;
	p2 =	slt.u32 s8, $0xFFFFF086  }
0x1c: {  	p1 =	slt.u32 s9, $0xF7A;
	s5 =	simm.s32 @!p2 $0x0  }
0x1d: {  	s5 =	simm.s32 @p1 $0x1;
	p0 =	seq.s32 s7, s2  }
0x1e: {  	s7 =	smul.u32 @!p0 $0xF7A, s2;
	p2 =	seq.s32 @!p0 s5, $0x0  }
0x1f: {  	s9 =	smul.u32 $0xF7A, s1;
	s8 =	simm.s32 @!p0 $0x1BF5;
	p2 =	por !p2, p0  }
0x20: {  	[sflag:s8] =	ssyncset.s32 @!p0 $0xFFFFF086;
	s6 =	sadd.s32 @!p0 s3, s7;
	s7 =	simm.s32 @!p0 $0x108  }
0x21: {  	s3 =	sadd.s32 s3, s9;
	s6 =	sadd.s32 @!p0 $0x88, s6;
	s7 =	simm.s32 @p2 $0x1082  }
0x22: {  	[simem:s7], [sflag:s8] =	dma.local @!p0 [hbm:s6], $0xF7A  }
0x23: {  	s9 =	sor.u32 $0xD0000000, s2;
	s6 =	simm.s32 $0x108;
	_ =	swait.ge @!p0 [sflag:s8], $0x0  }
0x24: {  	s3 =	sadd.s32 $0x88, s3;
	s6 =	simm.s32 @!p1 $0x1082;
	[sflag:s4] =	ssyncset.s32 $0xFFFFF086  }
0x25: {  	[simem:s6], [sflag:s4] =	dma.local [hbm:s3], $0xF7A  }
0x26: {  	[smem:$0x3F8C] =	sst s1;
	(tag) =	ssettag s2;
	_ =	strace s9  }
0x27: {  	s1 =	sld [smem:$0x3F9C]  }
0x28: {  	s2 =	sld [smem:$0x3F9D]  }
0x29: {  	s4 =	sld [smem:$0x3F9F]  }
0x2a: {  	p0 =	seq.s32 s5, $0x0;
	s5 =	sld [smem:$0x3FA0]  }
0x2b: {  	s6 =	sld [smem:$0x3FA1]  }
0x2c: {  	s7 =	sld [smem:$0x3FA2]  }
0x2d: {  	s3 =	simm.s32 $0x108;
	s8 =	sld [smem:$0x3FA3]  }
0x2e: {  	s3 =	simm.s32 @!p0 $0x1082;
	s9 =	sld [smem:$0x3FA4]  }
0x2f: {  	lr =	sadd.s32 s0, s3;
	s0 =	sld [smem:$0x3F9B]  }
0x30: {  	s3 =	sld [smem:$0x3F9E]  }
0x31: {  	[smem:$0x3FA7] =	sst s10  }
0x32: {  	s10 =	sld [smem:$0x3FA5];
	_ =	sdelay $0x3  }
0x33: {  	p0 =	seq.s32 s10, $0x1;
	s10 =	sld [smem:$0x3FA7];
	_ =	sdelay $0x3  }
0x34: {  	[smem:$0x3FA7] =	sst s10  }
0x35: {  	s10 =	sld [smem:$0x3FA6];
	_ =	sdelay $0x3  }
0x36: {  	p1 =	seq.s32 s10, $0x1;
	s10 =	sld [smem:$0x3FA7];
	_ =	sdelay $0x3  }
0x37: {  	[smem:$0x3FA7] =	sst s10  }
0x38: {  	s10 =	sld [smem:$0x3FA8]  }
0x39: {  	_ = 	snop;
	(pc) =	sbr.ind lr, $3  }
0x3a: {  	_ = 	snop  }
0x3b: {  	_ = 	snop  }
0x3c: {  	p2 =	seq.s32 s10, $0x1;
	s10 =	sld [smem:$0x3FA7]  }
0x3d: {  	_ =	shalt  }
0x3e: {  	_ =	shalt  }
0x3f: {  	_ =	shalt  }
0x40: {  	_ =	shalt  }
0x41: {  	_ =	shalt  }
0x42: {  	_ =	shalt  }
0x43: {  	_ =	shalt  }
0x44: {  	_ =	shalt  }
0x45: {  	_ =	shalt  }
0x46: {  	_ =	shalt  }
0x47: {  	_ =	shalt  }
0x48: {  	_ =	shalt  }
0x49: {  	_ =	shalt  }
0x4a: {  	_ =	shalt  }
0x4b: {  	_ =	shalt  }
0x4c: {  	_ =	shalt  }
0x4d: {  	_ =	shalt  }
0x4e: {  	_ =	shalt  }
0x4f: {  	_ =	shalt  }
0x50: {  	_ =	shalt  }
0x51: {  	_ =	shalt  }
0x52: {  	_ =	shalt  }
0x53: {  	_ =	shalt  }
0x54: {  	_ =	shalt  }
0x55: {  	_ =	shalt  }
0x56: {  	_ =	shalt  }
0x57: {  	_ =	shalt  }
0x58: {  	_ =	shalt  }
0x59: {  	_ =	shalt  }
0x5a: {  	_ =	shalt  }
0x5b: {  	_ =	shalt  }
0x5c: {  	_ =	shalt  }
0x5d: {  	_ =	shalt  }
0x5e: {  	_ =	shalt  }
0x5f: {  	_ =	shalt  }
0x60: {  	_ =	shalt  }
0x61: {  	_ =	shalt  }
0x62: {  	_ =	shalt  }
0x63: {  	_ =	shalt  }
0x64: {  	_ =	shalt  }
0x65: {  	_ =	shalt  }
0x66: {  	_ =	shalt  }
0x67: {  	_ =	shalt  }
0x68: {  	_ =	shalt  }
0x69: {  	_ =	shalt  }
0x6a: {  	_ =	shalt  }
0x6b: {  	_ =	shalt  }
0x6c: {  	_ =	shalt  }
0x6d: {  	_ =	shalt  }
0x6e: {  	_ =	shalt  }
0x6f: {  	_ =	shalt  }
0x70: {  	_ =	shalt  }
0x71: {  	_ =	shalt  }
0x72: {  	_ =	shalt  }
0x73: {  	_ =	shalt  }
0x74: {  	_ =	shalt  }
0x75: {  	_ =	shalt  }
0x76: {  	_ =	shalt  }
0x77: {  	_ =	shalt  }
0x78: {  	_ =	shalt  }
0x79: {  	_ =	shalt  }
0x7a: {  	_ =	shalt  }
0x7b: {  	_ =	shalt  }
0x7c: {  	_ =	shalt  }
0x7d: {  	_ =	shalt  }
0x7e: {  	_ =	shalt  }
0x7f: {  	_ =	shalt  }
0x80: {  	_ =	shalt  }
0x81: {  	_ =	shalt  }
0x82: {  	_ =	shalt  }
0x83: {  	_ =	shalt  }
0x84: {  	_ =	shalt  }
0x85: {  	_ =	shalt  }
0x86: {  	_ =	shalt  }
0x87: {  	_ =	shalt  }
.Lfunc_end0:
.L_simem_size_0:
called_computation_lowered:
.L_overlay_start_0:
0x88: {  	s2 =	sld [smem:$0x3FD9]  }
0x89: {  	s3 =	sld [smem:$0x3FFE];
	_ =	sdelay $0x1  }
0x8a: {  	s1 =	srdreg.scid  }
0x8b: {  	s0 =	sand.u32 $0x1, s1  }
0x8c: {  	s17 =	sshll.u32 s0, $0xA;
	s2 =	sadd.s32 s3, s2  }
0x8d: {  	s2 =	sadd.s32 s2, s17  }
0x8e: {  	[smem:$0x3FB3] =	sst s2  }
0x8f: {  	_ = 	snop  }
0x90: {  	s18 =	sld [smem:$0x3FD0];
	(tm) =	ssettm $0x1  }
0x91: {  	s19 =	sld [smem:$0x3FFB];
	_ =	sdelay $0x3  }
0x92: {  	_ =	strace s19  }
0x93: {  	s2 =	sld [smem:$0x3FFC];
	_ =	sdelay $0x3  }
0x94: {  	_ =	strace s2  }
0x95: {  	s2 =	sld [smem:$0x3FFD];
	_ =	sdelay $0x3  }
0x96: {  	_ =	strace s2  }
0x97: {  	_ =	strace $0x8FFFFFFF  }
0x98: {  	s20 =	sld [smem:$0x3FDB];
	_ =	sdelay $0x1  }
0x99: {  	s4 =	simm.s32 $_scs_section_size  }
0x9a: {  	s5 =	simm.s32 $_size__tile_overlayer_lowered;
	s6 =	simm.s32 $_tile_overlayer_lowered  }
0x9b: {  	s7 =	simm.s32 $0x1BFF;
	s21 =	sshll.u32 s6, $0x1;
	s4 =	sadd.s32 s4, s20  }
0x9c: {  	s22 =	simm.s32 $0x0;
	s5 =	sshll.u32 s5, $0x1;
	s6 =	sadd.s32 s21, s4  }
0x9d: {  	[timem:s22], [sflag:s7] =	dma.local [hbm:s6], s5  }
0x9e: {  	_ =	swait.ge [sflag:s7], s5  }
0x9f: {  	s5 =	ssub.s32 $0x0, s5;
	[sflag:s7] =	ssyncset.done $0x0  }
0xa0: {  	[sflag:s7] =	ssyncadd.s32 s5;
	_ =	sdelay $0x1  }
0xa1: {  	s23 =	simm.s32 $0x1B8B  }
0xa2: {  	_ =	swait.ge [sflag:s23], $0x1  }
0xa3: {  	[sflag:s23] =	ssyncset.done $0x0  }
0xa4: {  	[sflag:s23] =	ssyncadd.s32 $0xFFFFFFFF  }
0xa5: {  	s5 =	sld [smem:$0x0]  }
0xa6: {  	s6 =	sand.u32 $0xFFFFFFFE, s1  }
0xa7: {  	p0 =	sne.s32 s1, s6  }
0xa8: {  	s6 =	sshll.u32 @p0 s6, $0xE  }
0xa9: {  	s6 =	sadd.s32 @p0 $0x11B8D, s6;
	s7 =	sshll.u32 @p0 s5, $0x11  }
0xaa: {  	s6 =	sor.u32 @p0 s7, s6  }
0xab: {  	[sflag:s6] =	ssyncadd.remote.s32 @p0 $0x1;
	_ =	sdelay $0x1  }
0xac: {  	s6 =	simm.s32 @p0 $0x1B8D  }
0xad: {  	_ =	swait.eq @p0 [sflag:s6], $0x1  }
0xae: {  	[sflag:s6] =	ssyncadd.s32 @p0 $0xFFFFFFFF  }
0xaf: {  	s7 =	sshll.u32 @!p0 s1, $0xE  }
0xb0: {  	s7 =	sor.u32 @!p0 $0x4000, s7;
	s6 =	simm.s32 @!p0 $0x1B8D  }
0xb1: {  	s5 =	sshll.u32 @!p0 s5, $0x11;
	s7 =	sadd.s32 @!p0 $0x11B8D, s7;
	_ =	swait.eq @!p0 [sflag:s6], $0x1  }
0xb2: {  	s5 =	sor.u32 @!p0 s5, s7;
	[sflag:s6] =	ssyncadd.s32 @!p0 $0xFFFFFFFF  }
0xb3: {  	s25 =	simm.s32 $0x1B8E;
	s24 =	sld [smem:$0x3FFE];
	[sflag:s5] =	ssyncadd.remote.s32 @!p0 $0x1  }
0xb4: {  	s26 =	simm.s32 $execute0_lowered;
	[smem:$0x3FD2] =	sst s25  }
0xb5: {  	s6 =	sshll.u32 s26, $0x1;
	_ =	strace $0x80000049;
	[dreg:$0x1] =	wrdreg $0xFFFFFFFF  }
0xb6: {  	s28 =	simm.s32 $_size_execute0_lowered;
	s4 =	sadd.s32 s4, s6;
	[dreg:$0x0] =	wrdreg $0x0  }
0xb7: {  	s6 =	sshll.u32 s28, $0x1;
	[dreg:$0x2] =	wrdreg s4  }
0xb8: {  	[dreg:$0x3] =	wrdreg s6  }
0xb9: {  	[dreg:$0x4] =	wrdreg $0xC0  }
0xba: {  	_ =	task [dreg:s22], $0x5FFFF  }
0xbb: {  	[dreg:$0x1] =	wrdreg $0xFFFFFFFF  }
0xbc: {  	[dreg:$0x0] =	wrdreg $0x60  }
0xbd: {  	[dreg:$0x2] =	wrdreg s24  }
0xbe: {  	[dreg:$0x3] =	wrdreg s18  }
0xbf: {  	[dreg:$0x4] =	wrdreg $0x90000  }
0xc0: {  	[dreg:$0x5] =	wrdreg $0x9  }
0xc1: {  	_ =	task.clear_ibuf [dreg:s22], $0x6FFFF;
	_ =	strace $0x90000049  }
0xc2: {  	s29 =	simm.s32 $0x9;
	_ =	strace $0x8000004B  }
0xc3: {  	_ =	swait.ge [sflag:s29], $0x1  }
0xc4: {  	[sflag:s29] =	ssyncadd.s32 $0xFFFFFFFF  }
0xc5: {  	_ =	strace $0x9000004B  }
0xc6: {  	_ =	sfence  }
0xc7: {  	s30 =	sld [smem:$0x0];
	_ =	sdelay $0x2  }
0xc8: {  	s31 =	sshll.u32 s1, $0xD;
	s1 =	sshrl.u32 s1, $0x2  }
0xc9: {  	s4 =	sand.u32 $0x4000, s31;
	s1 =	sadd.s32 s1, s30  }
0xca: {  	s0 =	sor.u32 s4, s0;
	s1 =	sshll.u32 s1, $0x11  }
0xcb: {  	s0 =	sor.u32 s1, s0  }
0xcc: {  	s0 =	sadd.s32 $0x8F2B, s0  }
0xcd: {  	[sflag:s0] =	ssyncadd.remote.s32 $0x1  }
0xce: {  	_ =	sfence.sel $0xFFFF  }
0xcf: {  	[dreg:$0x0] =	wrdreg $0xFFFFFFFF;
	(pc) =	sbr.abs _section_cstart, $3  }
0xd0: {  	[dreg:$0x1] =	wrdreg $0xFFFFFFFF  }
0xd1: {  	_ =	task.clear_ibuf [dreg:s22], $0x2FFFF;
	_ =	strace $0x9FFFFFFF  }
0xd2: {  	(tm) =	ssettm $0x7FFFFFFF  }
0xd3: {  	_ =	shalt  }
tec
execute0_lowered:
.L_overlay_start_1:
0x0: {  	(tag) =	ssettag $0x1  }
0x1: {  	s6 =	rddreg [dreg:$0x0]  }
0x2: {  	s0 =	srdreg.scid;
	s11 =	rddreg [dreg:$0x1]  }
0x3: {  	s2 =	rddreg [dreg:$0x2];
	s1 =	stileid.u32  }
0x4: {  	s3 =	simm.s32 $0x0;
	s8 =	sand.u32 $0x1, s0;
	s0 =	rddreg [dreg:$0x3]  }
0x5: {  	[smem:$0x7FF] =	sst s3;
	s14 =	smul.u32 $0x280, s1  }
0x6: {  	s5 =	sadd.s32 $0x1AE00, s6;
	s9 =	smul.u32 $0x50000, s1;
	s17 =	sadd.s32 $0x6B600, s6  }
0x7: {  	s4 =	sshll.u32 s8, $0x4;
	_ =	strace $0x8000004A;
	s7 =	ssub.s32 $0x2, s8  }
0x8: {  	s4 =	sor.u32 s1, s4;
	s22 =	sshrl.u32 s7, $0x1;
	s15 =	sadd.s32 $0x80, s14  }
0x9: {  	s23 =	sshrl.u32 s9, $0x2;
	s16 =	sadd.s32 $0x100, s14;
	s19 =	sadd.s32 $0x180, s14  }
0xa: {  	s20 =	sadd.s32 $0x200, s14;
	s12 =	smul.u32 $0x500, s4;
	s4 =	sadd.s32 $0xA2F600, s6  }
0xb: {  	s18 =	ssub.s32 s7, s22;
	s24 =	sshll.u32 s15, $0x7;
	s25 =	sshll.u32 s16, $0x7  }
0xc: {  	s10 =	sshll.u32 s19, $0x7;
	s21 =	sshll.u32 s20, $0x7;
	s22 =	smul.u32 $0x2800, s8  }
0xd: {  	s7 =	sadd.s32 s24, s2;
	s8 =	sadd.s32 s25, s2;
	s9 =	sadd.s32 s10, s2  }
0xe: {  	s10 =	sadd.s32 s21, s2;
	s18 =	smax.u32 s18, $0x1;
	s21 =	simm.s32 $0x2800  }
0xf: {  	s24 =	simm.s32 $0x0;
	s13 =	sadd.s32 s12, s6;
	s6 =	sadd.s32 s23, s2  }
0x10: {  	s11 =	sadd.s32 s11, s12;
	s14 =	sadd.s32 s14, s22;
	s15 =	sadd.s32 s22, s15  }
0x11: {  	s29 =	sadd.s32 s22, s16;
	s30 =	sadd.s32 s22, s19;
	s31 =	sadd.s32 s22, s20  }
0x12: {  	s20 =	simm.s32 $0x2;
	s22 =	simm.s32 $0x80;
	s23 =	simm.s32 $0x1  }
0x13: {  	s12 =	sadd.s32 $0x10E00, s13;
	s26 =	sshll.u32 s14, $0x4;
	s28 =	sshll.u32 s15, $0x4  }
0x14: {  	s15 =	sshll.u32 s29, $0x4;
	s16 =	sshll.u32 s30, $0x4;
	s19 =	sshll.u32 s31, $0x4  }
0x15: {  	s13 =	sadd.s32 s17, s26;
	s14 =	sadd.s32 s17, s28;
	s15 =	sadd.s32 s17, s15  }
0x16: {  	s16 =	sadd.s32 s17, s16;
	s17 =	sadd.s32 s17, s19;
	s19 =	simm.s32 $0x5000  }
.LBB2_1:
0x17: {  	[tilespmem:s19], [sflag:$0x2] =	stream.linear.gather [hbm4b:s5+s3], $0x4000, $0x38;
	[tilespmem:$0x1D000] =	vst v63  }
0x18: {  	_ =	swait.ge [sflag:s20], $0x4000  }
0x19: {  	[sflag:s20] =	ssyncset.done $0x0  }
0x1a: {  	[sflag:s20] =	ssyncadd.s32 $0xFFFFC000  }
0x1b: {  	[spmem:s6] =	stream.linear.scatter [tilespmem:s19], [sflag:$0x2], $0x4000, $0x38;
	[tilespmem:$0x1D000] =	vst v63  }
0x1c: {  	_ =	swait.ge [sflag:s20], $0x4000  }
0x1d: {  	[sflag:s20] =	ssyncset.done $0x0  }
0x1e: {  	[sflag:s20] =	ssyncadd.s32 $0xFFFFC000  }
0x1f: {  	[spmem:s7] =	stream.linear.scatter [tilespmem:s19], [sflag:$0x2], $0x4000, $0x38;
	[tilespmem:$0x1D000] =	vst v63  }
0x20: {  	_ =	swait.ge [sflag:s20], $0x4000  }
0x21: {  	[sflag:s20] =	ssyncset.done $0x0  }
0x22: {  	[sflag:s20] =	ssyncadd.s32 $0xFFFFC000  }
0x23: {  	[spmem:s8] =	stream.linear.scatter [tilespmem:s19], [sflag:$0x2], $0x4000, $0x38;
	[tilespmem:$0x1D000] =	vst v63  }
0x24: {  	_ =	swait.ge [sflag:s20], $0x4000  }
0x25: {  	[sflag:s20] =	ssyncset.done $0x0  }
0x26: {  	[sflag:s20] =	ssyncadd.s32 $0xFFFFC000  }
0x27: {  	[spmem:s9] =	stream.linear.scatter [tilespmem:s19], [sflag:$0x2], $0x4000, $0x38;
	[tilespmem:$0x1D000] =	vst v63  }
0x28: {  	_ =	swait.ge [sflag:s20], $0x4000  }
0x29: {  	[sflag:s20] =	ssyncset.done $0x0  }
0x2a: {  	[sflag:s20] =	ssyncadd.s32 $0xFFFFC000  }
0x2b: {  	[spmem:s10] =	stream.linear.scatter [tilespmem:s19], [sflag:$0x2], $0x4000, $0x38;
	[tilespmem:$0x1D000] =	vst v63  }
0x2c: {  	_ =	swait.ge [sflag:s20], $0x4000  }
0x2d: {  	[sflag:s20] =	ssyncset.done $0x0  }
0x2e: {  	[sflag:s20] =	ssyncadd.s32 $0xFFFFC000  }
0x2f: {  	[tilespmem:s3], [sflag:$0x2] =	stream.linear.gather [hbm4b:s11+s3], $0x2800, $0x38;
	[tilespmem:$0x1D000] =	vst v63  }
0x30: {  	_ =	swait.ge [sflag:s20], $0x2800  }
0x31: {  	[sflag:s20] =	ssyncset.done $0x0  }
0x32: {  	[sflag:s20] =	ssyncadd.s32 $0xFFFFD800  }
0x33: {  	[tilespmem:s21], [sflag:$0x2] =	stream.linear.gather [hbm4b:s12+s3], $0x2800, $0x38;
	[tilespmem:$0x1D000] =	vst v63  }
0x34: {  	_ =	swait.ge [sflag:s20], $0x2800  }
0x35: {  	[sflag:s20] =	ssyncset.done $0x0  }
0x36: {  	[sflag:s20] =	ssyncadd.s32 $0xFFFFD800  }
0x37: {  	s25 =	simm.s32 $0x0;
	[bflag:$0x0] =	sbarrier.arrive $0xFFFF  }
0x38: {  	[tilespmem:s19], [sflag:$0x1] =	stream.indirect.gather [hbm4b:s4+s22], $0x80, s25, s22, $0xb8;
	[tilespmem:$0x1D000] =	vst v63  }
0x39: {  	_ =	swait.ge [sflag:s23], $0x4000  }
0x3a: {  	[sflag:s23] =	ssyncset.done $0x0  }
0x3b: {  	s31 =	simm.s32 $0x2800;
	[sflag:s23] =	ssyncadd.s32 $0xFFFFC000  }
0x3c: {  	[spmem:s2] =	stream.indirect.scatter.add.f32 [tilespmem:s19], [sflag:$0x2], $0x80, s31, s22, $0xb8;
	[tilespmem:$0x1D000] =	vst v63  }
0x3d: {  	_ =	swait.ge [sflag:s20], $0x4000  }
0x3e: {  	s26 =	simm.s32 $0x400;
	s25 =	simm.s32 $0x200;
	[sflag:s20] =	ssyncset.done $0x0  }
.LBB2_2:
0x3f: {  	s28 =	sshra.s32 s25, $0x2  }
0x40: {  	[sflag:s20] =	ssyncadd.s32 $0xFFFFC000;
	s25 =	smov.u32 s26;
	s29 =	sadd.s32 $0x200, s26  }
0x41: {  	[tilespmem:s19], [sflag:$0x1] =	stream.indirect.gather [hbm4b:s4+s22], $0x80, s28, s22, $0xb8;
	[tilespmem:$0x1D000] =	vst v63  }
0x42: {  	p0 =	sne.s32 s26, $0x9E00;
	_ =	swait.ge [sflag:s23], $0x4000  }
.Ltmp0:
0x43: {  	[sflag:s23] =	ssyncset.done $0x0;
	(pc) =	sbr.rel @p0 .LBB2_2-.Ltmp0, $4  }
0x44: {  	s26 =	sadd.s32 $0x2800, s28;
	[sflag:s23] =	ssyncadd.s32 $0xFFFFC000  }
0x45: {  	[spmem:s2] =	stream.indirect.scatter.add.f32 [tilespmem:s19], [sflag:$0x2], $0x80, s26, s22, $0xb8;
	[tilespmem:$0x1D000] =	vst v63  }
0x46: {  	_ =	swait.ge [sflag:s20], $0x4000  }
0x47: {  	s26 =	smov.u32 s29;
	[sflag:s20] =	ssyncset.done $0x0  }
0x48: {  	s25 =	sshra.s32 s25, $0x2;
	[sflag:s20] =	ssyncadd.s32 $0xFFFFC000  }
0x49: {  	[tilespmem:s19], [sflag:$0x1] =	stream.indirect.gather [hbm4b:s4+s22], $0x80, s25, s22, $0xb8;
	[tilespmem:$0x1D000] =	vst v63  }
0x4a: {  	_ =	swait.ge [sflag:s23], $0x4000  }
0x4b: {  	[sflag:s23] =	ssyncset.done $0x0  }
0x4c: {  	s25 =	sadd.s32 $0x2800, s25;
	[sflag:s23] =	ssyncadd.s32 $0xFFFFC000  }
0x4d: {  	[spmem:s2] =	stream.indirect.scatter.add.f32 [tilespmem:s19], [sflag:$0x2], $0x80, s25, s22, $0xb8;
	[tilespmem:$0x1D000] =	vst v63  }
0x4e: {  	_ =	swait.ge [sflag:s20], $0x4000  }
0x4f: {  	[sflag:s20] =	ssyncset.done $0x0  }
0x50: {  	[sflag:s20] =	ssyncadd.s32 $0xFFFFC000  }
0x51: {  	[bflag:$0x0] =	sbarrier.arrive $0xFFFF  }
0x52: {  	[tilespmem:s19], [sflag:$0x2] =	stream.linear.gather [spmem:s6], $0x4000, $0x38;
	[tilespmem:$0x1D000] =	vst v63  }
0x53: {  	_ =	swait.ge [sflag:s20], $0x4000  }
0x54: {  	[sflag:s20] =	ssyncset.done $0x0  }
0x55: {  	[sflag:s20] =	ssyncadd.s32 $0xFFFFC000  }
0x56: {  	[hbm4b:s13+s3] =	stream.linear.scatter [tilespmem:s19], [sflag:$0x2], $0x4000, $0x38;
	[tilespmem:$0x1D000] =	vst v63  }
0x57: {  	_ =	swait.ge [sflag:s20], $0x4000  }
0x58: {  	[sflag:s20] =	ssyncset.done $0x0  }
0x59: {  	[sflag:s20] =	ssyncadd.s32 $0xFFFFC000  }
0x5a: {  	[tilespmem:s19], [sflag:$0x2] =	stream.linear.gather [spmem:s7], $0x4000, $0x38;
	[tilespmem:$0x1D000] =	vst v63  }
0x5b: {  	_ =	swait.ge [sflag:s20], $0x4000  }
0x5c: {  	[sflag:s20] =	ssyncset.done $0x0  }
0x5d: {  	[sflag:s20] =	ssyncadd.s32 $0xFFFFC000  }
0x5e: {  	[hbm4b:s14+s3] =	stream.linear.scatter [tilespmem:s19], [sflag:$0x2], $0x4000, $0x38;
	[tilespmem:$0x1D000] =	vst v63  }
0x5f: {  	_ =	swait.ge [sflag:s20], $0x4000  }
0x60: {  	[sflag:s20] =	ssyncset.done $0x0  }
0x61: {  	[sflag:s20] =	ssyncadd.s32 $0xFFFFC000  }
0x62: {  	[tilespmem:s19], [sflag:$0x2] =	stream.linear.gather [spmem:s8], $0x4000, $0x38;
	[tilespmem:$0x1D000] =	vst v63  }
0x63: {  	_ =	swait.ge [sflag:s20], $0x4000  }
0x64: {  	[sflag:s20] =	ssyncset.done $0x0  }
0x65: {  	[sflag:s20] =	ssyncadd.s32 $0xFFFFC000  }
0x66: {  	[hbm4b:s15+s3] =	stream.linear.scatter [tilespmem:s19], [sflag:$0x2], $0x4000, $0x38;
	[tilespmem:$0x1D000] =	vst v63  }
0x67: {  	_ =	swait.ge [sflag:s20], $0x4000  }
0x68: {  	[sflag:s20] =	ssyncset.done $0x0  }
0x69: {  	[sflag:s20] =	ssyncadd.s32 $0xFFFFC000  }
0x6a: {  	[tilespmem:s19], [sflag:$0x2] =	stream.linear.gather [spmem:s9], $0x4000, $0x38;
	[tilespmem:$0x1D000] =	vst v63  }
0x6b: {  	_ =	swait.ge [sflag:s20], $0x4000  }
0x6c: {  	[sflag:s20] =	ssyncset.done $0x0  }
0x6d: {  	[sflag:s20] =	ssyncadd.s32 $0xFFFFC000  }
0x6e: {  	[hbm4b:s16+s3] =	stream.linear.scatter [tilespmem:s19], [sflag:$0x2], $0x4000, $0x38;
	[tilespmem:$0x1D000] =	vst v63  }
0x6f: {  	_ =	swait.ge [sflag:s20], $0x4000  }
0x70: {  	[sflag:s20] =	ssyncset.done $0x0  }
0x71: {  	[sflag:s20] =	ssyncadd.s32 $0xFFFFC000  }
0x72: {  	[tilespmem:s19], [sflag:$0x2] =	stream.linear.gather [spmem:s10], $0x4000, $0x38;
	[tilespmem:$0x1D000] =	vst v63  }
0x73: {  	s24 =	sadd.s32 $0x1, s24;
	_ =	swait.ge [sflag:s20], $0x4000  }
0x74: {  	p0 =	sne.s32 s24, s18;
	[sflag:s20] =	ssyncset.done $0x0  }
.Ltmp1:
0x75: {  	[sflag:s20] =	ssyncadd.s32 $0xFFFFC000;
	(pc) =	sbr.rel @p0 .LBB2_1-.Ltmp1, $4  }
0x76: {  	[hbm4b:s17+s3] =	stream.linear.scatter [tilespmem:s19], [sflag:$0x2], $0x4000, $0x38;
	[tilespmem:$0x1D000] =	vst v63  }
0x77: {  	_ =	swait.ge [sflag:s20], $0x4000  }
0x78: {  	[sflag:s20] =	ssyncset.done $0x0  }
0x79: {  	[sflag:s20] =	ssyncadd.s32 $0xFFFFC000  }
0x7a: {  	_ =	sfence.sel $0x180000  }
0x7b: {  	[bflag:$0x0] =	sbarrier.arrive $0xFFFF  }
0x7c: {  	p0 =	sne.s32 s1, $0x0;
	_ =	strace $0x9000004A  }
0x7d: {  	s0 =	sadd.s32 @!p0 $0x100000, s0;
	[bflag:$0x2] =	sbarrier.arrive $0xFFFF  }
0x7e: {  	[sflag:s0] =	ssyncadd.tile.s32 @!p0 $0x1;
	_ =	shalt  }
.Lfunc_end2:
_tile_overlayer_lowered:
.L_overlay_start_2:
0x7f: {  	(tag) =	ssettag $0x2  }
0x80: {  	s0 =	rddreg [dreg:$0x0];
	s2 =	stileid.u32  }
0x81: {  	s1 =	rddreg [dreg:$0x1];
	p0 =	sne.s32 s2, $0x0  }
0x82: {  	s3 =	rddreg [dreg:$0x2];
	[bflag:$0x3] =	sbarrier.arrive $0xFFFF;
	s2 =	simm.s32 @!p0 $0x1C02  }
0x83: {  	[timem:s3], [sflag:s2] =	dma.local @!p0 [hbm:s0], s1  }
0x84: {  	s0 =	simm.s32 @!p0 $0x2  }
0x85: {  	_ =	swait.ge @!p0 [sflag:s0], s1  }
0x86: {  	s1 =	ssub.s32 @!p0 $0x0, s1;
	[sflag:s0] =	ssyncset.done @!p0 $0x0  }
0x87: {  	[sflag:s0] =	ssyncadd.s32 @!p0 s1  }
0x88: {  	[bflag:$0x3] =	sbarrier.arrive $0xFFFF  }
0x89: {  	_ =	shalt  }

</sc_bundles>
